<compile_context>
chip_gen: v7x
topology: tpu7x:2x2x1
jax: 0.10.2.dev20260603
libtpu: 0.0.44.dev20260713+nightly
codegen_flags: <defaults>
</compile_context>

<pallas_src>
import functools

import jax
import jax.numpy as jnp
import numpy as np
from jax import lax
from jax.experimental import pallas as pl
from jax.experimental.pallas import tpu as pltpu
from jax.experimental.pallas import tpu_sc as plsc

N = 10000
E = 160000
DN = 110
DE = 8
DR = 8
H = 16
DH = 1024
NCLS = 206
STEPS = 3
GAMMA = 10.0

P = 8
NP = N // P
EP = E // P

NC = 2
NS = 16
NW = NC * NS
CH = 125
NCH_T = 40
SPAN = CH * NCH_T
NCHUNK = E // CH
ROWS_PER_TILE = N // NS

def _mm(a, b):
    return jnp.dot(a.astype(jnp.bfloat16), b.astype(jnp.bfloat16),
                   preferred_element_type=jnp.float32)


def _kron8(w):
    return np.kron(np.eye(P, dtype=np.float32), w)


_R8 = _kron8(np.repeat(np.eye(H, dtype=np.float32), H, axis=1)).astype(
    np.float32)
_S8 = _kron8(np.tile(np.eye(H, dtype=np.float32), (H, 1))).astype(
    np.float32)
_SEA = np.zeros((P * DE, 128), np.float32)
_SLEN = np.zeros((P, 128), np.float32)
_MRBF = np.zeros((1, 128), np.float32)
_CRBF = np.zeros((1, 128), np.float32)
for _k in range(P):
    for _a in range(DE):
        _SEA[DE * _k + _a, H * _k + _a] = 1.0
    for _j in range(DR):
        _SLEN[_k, H * _k + DE + _j] = 1.0
        _MRBF[0, H * _k + DE + _j] = 1.0
        _CRBF[0, H * _k + DE + _j] = _j / (DR - 1.0)



def _proj_body(na_ref, wp_ref, bp_ref, h_ref):
    h_ref[...] = jnp.maximum(_mm(na_ref[...], wp_ref[...]) + bp_ref[...], 0.0)


def _proj(na8, Wp8, bp8):
    return pl.pallas_call(
        _proj_body,
        out_shape=jax.ShapeDtypeStruct((NP, 128), jnp.float32),
    )(na8, Wp8, bp8)


_mmx = functools.partial(jnp.dot, precision=jax.lax.Precision.HIGHEST,
                         preferred_element_type=jnp.float32)


def _feat_body(ea_ref, el_ref, sea_ref, slen_ref, m_ref, c_ref, f_ref):
    lenb = _mmx(el_ref[...], slen_ref[...])
    rbf = m_ref[...] * jnp.exp(-GAMMA * (lenb - c_ref[...]) ** 2)
    f_ref[...] = _mmx(ea_ref[...], sea_ref[...]) + rbf


def _feat(eap, lenp):
    BE = 2000
    return pl.pallas_call(
        _feat_body,
        grid=(EP // BE,),
        in_specs=[
            pl.BlockSpec((BE, P * DE), lambda i: (i, 0)),
            pl.BlockSpec((BE, P), lambda i: (i, 0)),
            pl.BlockSpec((P * DE, 128), lambda i: (0, 0)),
            pl.BlockSpec((P, 128), lambda i: (0, 0)),
            pl.BlockSpec((1, 128), lambda i: (0, 0)),
            pl.BlockSpec((1, 128), lambda i: (0, 0)),
        ],
        out_specs=pl.BlockSpec((BE, 128), lambda i: (i, 0)),
        out_shape=jax.ShapeDtypeStruct((EP, 128), jnp.float32),
    )(eap, lenp, _SEA, _SLEN, _MRBF, _CRBF)


def _msg_body(f_ref, xs_ref, r8_ref, wb8_ref, bb8_ref, s8_ref, msg_ref):
    bf = jnp.bfloat16
    f32 = jnp.float32
    xs_b = xs_ref[...].astype(bf)
    f_b = f_ref[...].astype(bf)
    Q = 4
    W = (P * H * H) // Q
    WO = 128 // Q
    for q in range(Q):
        r8q = r8_ref[:, q * W:(q + 1) * W]
        wb8q = wb8_ref[:, q * W:(q + 1) * W]
        s8q = s8_ref[q * W:(q + 1) * W, q * WO:(q + 1) * WO]
        xt = jnp.dot(xs_b, r8q, preferred_element_type=f32)
        ew = jnp.dot(f_b, wb8q, preferred_element_type=f32)
        ewb = (ew + bb8_ref[:, q * W:(q + 1) * W]).astype(bf).astype(f32)
        prod = xt * ewb
        hi = prod.astype(bf)
        lo = (prod - hi.astype(f32)).astype(bf)
        msg_ref[:, q * WO:(q + 1) * WO] = (
            jnp.dot(hi, s8q, preferred_element_type=f32) +
            jnp.dot(lo, s8q, preferred_element_type=f32))


def _msg(featp, xsp, WB8b, BB8):
    BE = 2000
    bf = jnp.bfloat16
    return pl.pallas_call(
        _msg_body,
        grid=(EP // BE,),
        in_specs=[
            pl.BlockSpec((BE, 128), lambda i: (i, 0)),
            pl.BlockSpec((BE, 128), lambda i: (i, 0)),
            pl.BlockSpec((128, P * H * H), lambda i: (0, 0)),
            pl.BlockSpec((128, P * H * H), lambda i: (0, 0)),
            pl.BlockSpec((1, P * H * H), lambda i: (0, 0)),
            pl.BlockSpec((P * H * H, 128), lambda i: (0, 0)),
        ],
        out_specs=pl.BlockSpec((BE, 128), lambda i: (i, 0)),
        out_shape=jax.ShapeDtypeStruct((EP, 128), jnp.float32),
        compiler_params=pltpu.CompilerParams(
            vmem_limit_bytes=64 * 1024 * 1024),
    )(featp, xsp, jnp.asarray(_R8, bf), WB8b, BB8, jnp.asarray(_S8, bf))


def _gru_body(c0_ref, c1_ref, hid_ref, bc_ref, wir_ref, wiz_ref, win_ref,
              whr_ref, whz_ref, whn_ref, brz_ref, bzz_ref, bin_ref, bhn_ref,
              out_ref):
    x = jnp.maximum(c0_ref[0] + c1_ref[0] + bc_ref[...], 0.0)
    hid = hid_ref[...]
    r = jax.nn.sigmoid(_mm(x, wir_ref[...]) + _mm(hid, whr_ref[...])
                       + brz_ref[...])
    z = jax.nn.sigmoid(_mm(x, wiz_ref[...]) + _mm(hid, whz_ref[...])
                       + bzz_ref[...])
    n = jnp.tanh(_mm(x, win_ref[...]) + bin_ref[...]
                 + r * (_mm(hid, whn_ref[...]) + bhn_ref[...]))
    out_ref[...] = (1.0 - z) * n + z * hid


def _gru(convp, hidden, gw):
    full = lambda i: (0, 0)
    return pl.pallas_call(
        _gru_body,
        grid=(1,),
        in_specs=[
            pl.BlockSpec((1, NP, 128), lambda i: (0, 0, 0)),
            pl.BlockSpec((1, NP, 128), lambda i: (1, 0, 0)),
            pl.BlockSpec((NP, 128), lambda i: (0, 0)),
        ] + [pl.BlockSpec((1, 128), full)]
          + [pl.BlockSpec((128, 128), full)] * 6
          + [pl.BlockSpec((1, 128), full)] * 4,
        out_specs=pl.BlockSpec((NP, 128), lambda i: (0, 0)),
        out_shape=jax.ShapeDtypeStruct((NP, 128), jnp.float32),
    )(convp, convp, hidden, *gw)


def _cls_body(x_ref, h0_ref, w1a_ref, w1b_ref, b1_ref, w2_ref, b2_ref, w3_ref,
              b3_ref, out_ref):
    bf = jnp.bfloat16
    y = jnp.maximum(jnp.dot(x_ref[...].astype(bf), w1a_ref[...],
                            preferred_element_type=jnp.float32) +
                    jnp.dot(h0_ref[...].astype(bf), w1b_ref[...],
                            preferred_element_type=jnp.float32) +
                    b1_ref[...], 0.0).astype(bf)
    y = jnp.maximum(jnp.dot(y, w2_ref[...],
                            preferred_element_type=jnp.float32) +
                    b2_ref[...], 0.0).astype(bf)
    out_ref[...] = (jnp.dot(y, w3_ref[...],
                            preferred_element_type=jnp.float32) + b3_ref[...])


def _cls(x3, h0, W1, b1, W2, b2, W3, b3):
    BN = 2000
    bf = jnp.bfloat16
    return pl.pallas_call(
        _cls_body,
        grid=(N // BN,),
        in_specs=[
            pl.BlockSpec((BN, H), lambda i: (i, 0)),
            pl.BlockSpec((BN, H), lambda i: (i, 0)),
            pl.BlockSpec((H, DH), lambda i: (0, 0)),
            pl.BlockSpec((H, DH), lambda i: (0, 0)),
            pl.BlockSpec((1, DH), lambda i: (0, 0)),
            pl.BlockSpec((DH, DH), lambda i: (0, 0)),
            pl.BlockSpec((1, DH), lambda i: (0, 0)),
            pl.BlockSpec((DH, NCLS), lambda i: (0, 0)),
            pl.BlockSpec((1, NCLS), lambda i: (0, 0)),
        ],
        out_specs=pl.BlockSpec((BN, NCLS), lambda i: (i, 0)),
        out_shape=jax.ShapeDtypeStruct((N, NCLS), jnp.float32),
        compiler_params=pltpu.CompilerParams(
            vmem_limit_bytes=64 * 1024 * 1024),
    )(x3, h0, W1[:H].astype(bf), W1[H:].astype(bf), b1.reshape(1, DH),
      W2.astype(bf), b2.reshape(1, DH), W3.astype(bf), b3.reshape(1, NCLS))



_SC_PARAMS = pltpu.CompilerParams(use_tc_tiling_on_sc=False)


def _sc_gather(x_flat, src3):
    mesh = plsc.VectorSubcoreMesh(core_axis_name="c", subcore_axis_name="s")

    @functools.partial(
        pl.kernel, mesh=mesh,
        out_type=jax.ShapeDtypeStruct((E, H), jnp.float32),
        scratch_types=[
            pltpu.VMEM((NCH_T, CH), jnp.int32),
            pltpu.VMEM((SPAN, H), jnp.float32),
            pltpu.SemaphoreType.DMA,
        ],
        compiler_params=_SC_PARAMS,
    )
    def k(x_hbm, src_hbm, out_hbm, idx_v, rows_v, sem):
        t = lax.axis_index("c") * NS + lax.axis_index("s")
        pltpu.sync_copy(src_hbm.at[pl.ds(t * NCH_T, NCH_T)], idx_v)

        @pl.loop(0, NCH_T)
        def _(j):
            pltpu.async_copy(x_hbm.at[idx_v.at[j]],
                             rows_v.at[pl.ds(j * CH, CH)], sem)

        pltpu.make_async_copy(x_hbm.at[pl.ds(0, SPAN)], rows_v, sem).wait()
        pltpu.sync_copy(rows_v, out_hbm.at[pl.ds(t * SPAN, SPAN)])

    return k(x_flat, src3)


def _sc_scatter(msg_flat, dst3):
    mesh = plsc.VectorSubcoreMesh(core_axis_name="c", subcore_axis_name="s")

    @functools.partial(
        pl.kernel, mesh=mesh,
        out_type=jax.ShapeDtypeStruct((NC * N, H), jnp.float32),
        scratch_types=[
            pltpu.VMEM((NCH_T, CH), jnp.int32),
            pltpu.VMEM((SPAN, H), jnp.float32),
            pltpu.VMEM((ROWS_PER_TILE, H), jnp.float32),
            pltpu.VMEM_SHARED((N, H), jnp.float32),
            pltpu.SemaphoreType.DMA,
        ],
        compiler_params=_SC_PARAMS,
    )
    def k(msg_hbm, dst_hbm, out_hbm, idx_v, rows_v, zero_v, acc_sh, sem):
        c = lax.axis_index("c")
        s = lax.axis_index("s")
        t = c * NS + s

        pltpu.async_copy(msg_hbm.at[pl.ds(t * SPAN, SPAN)], rows_v, sem)
        pltpu.sync_copy(dst_hbm.at[pl.ds(t * NCH_T, NCH_T)], idx_v)

        @pl.loop(0, ROWS_PER_TILE)
        def _(i):
            zero_v[i, :] = jnp.zeros((H,), jnp.float32)

        pltpu.sync_copy(zero_v, acc_sh.at[pl.ds(s * ROWS_PER_TILE,
                                                ROWS_PER_TILE)])
        plsc.subcore_barrier()
        pltpu.make_async_copy(msg_hbm.at[pl.ds(0, SPAN)], rows_v, sem).wait()

        @pl.loop(0, NCH_T)
        def _(j):
            pltpu.async_copy(rows_v.at[pl.ds(j * CH, CH)],
                             acc_sh.at[idx_v.at[j]], sem, add=True)

        pltpu.make_async_copy(msg_hbm.at[pl.ds(0, SPAN)], rows_v, sem).wait()
        plsc.subcore_barrier()
        pltpu.sync_copy(
            acc_sh.at[pl.ds(s * ROWS_PER_TILE, ROWS_PER_TILE)],
            out_hbm.at[pl.ds(c * N + s * ROWS_PER_TILE, ROWS_PER_TILE)])

    return k(msg_flat, dst3)



def kernel(node_attribute, edge_attribute, edge_length, edge_index, W_proj,
           b_proj, W_bond, b_bond, b_conv, W_ih, W_hh, b_ih, b_hh, W1, b1, W2,
           b2, W3, b3):
    f32 = jnp.float32
    eye8 = jnp.eye(P, dtype=f32)
    kron8 = lambda w: jnp.kron(eye8, w)
    tile8 = lambda b: jnp.tile(b.reshape(1, -1), (1, P))

    src3 = edge_index[0].reshape(NCHUNK, CH)
    dst3 = edge_index[1].reshape(NCHUNK, CH)
    eap = edge_attribute.reshape(EP, P * DE)
    lenp = edge_length.reshape(EP, P)
    na8 = node_attribute.reshape(NP, P * DN)

    WB8b = kron8(W_bond).astype(jnp.bfloat16)
    BB8 = tile8(b_bond)
    Wp8 = kron8(W_proj)
    bp8 = tile8(b_proj)
    gw = ([kron8(W_ih[:, :H]), kron8(W_ih[:, H:2 * H]), kron8(W_ih[:, 2 * H:]),
           kron8(W_hh[:, :H]), kron8(W_hh[:, H:2 * H]), kron8(W_hh[:, 2 * H:])]
          + [tile8(b_ih[:H] + b_hh[:H]),
             tile8(b_ih[H:2 * H] + b_hh[H:2 * H]),
             tile8(b_ih[2 * H:]), tile8(b_hh[2 * H:])])
    bc8 = tile8(b_conv)

    hp = _proj(na8, Wp8, bp8)
    featp = _feat(eap, lenp)

    xp = hp
    hidp = hp
    for _ in range(STEPS):
        xsrc = _sc_gather(xp.reshape(N, H), src3)
        msgp = _msg(featp, xsrc.reshape(EP, 128), WB8b, BB8)
        convp = _sc_scatter(msgp.reshape(E, H), dst3)
        hidp = _gru(convp.reshape(2, NP, 128), hidp, [bc8] + gw)
        xp = hidp

    return _cls(xp.reshape(N, H), hp.reshape(N, H), W1, b1, W2, b2, W3, b3)

# --- scband reference (transcript-rebuilt; emitter-appended) ---
"""Pipeline reference for scband-leaving-group-nn-1503238553661 (READ-ONLY COPY).

The authoritative reference and input builder live on the scoring server;
editing this copy changes nothing except your own understanding.
"""

import jax, jax.numpy as jnp
import numpy as np

N = 10000
E = 160000
DN = 110
DE = 8
DR = 8
H = 16
DH = 1024
NCLS = 206
STEPS = 3
GAMMA = 10.0


def setup_inputs(seed: int = 0):
    key = jax.random.key(seed)
    ks = jax.random.split(key, 20)
    inp = {}
    inp["node_attribute"] = jax.random.normal(ks[0], (N, DN), dtype=jnp.float32)
    inp["edge_attribute"] = jax.random.normal(ks[1], (E, DE), dtype=jnp.float32)
    inp["edge_length"] = jax.random.uniform(ks[2], (E, 1), dtype=jnp.float32)
    inp["edge_index"] = jax.random.randint(ks[3], (2, E), 0, N, dtype=jnp.int32)

    def lin(k, fi, fo):
        return jax.random.normal(k, (fi, fo), dtype=jnp.float32) * (1.0 / np.sqrt(fi))

    inp["W_proj"] = lin(ks[4], DN, H)
    inp["b_proj"] = jnp.zeros((H,), dtype=jnp.float32)
    inp["W_bond"] = lin(ks[5], DE + DR, H * H)
    inp["b_bond"] = jnp.zeros((H * H,), dtype=jnp.float32)
    inp["b_conv"] = jnp.zeros((H,), dtype=jnp.float32)
    inp["W_ih"] = lin(ks[6], H, 3 * H)
    inp["W_hh"] = lin(ks[7], H, 3 * H)
    inp["b_ih"] = jnp.zeros((3 * H,), dtype=jnp.float32)
    inp["b_hh"] = jnp.zeros((3 * H,), dtype=jnp.float32)
    inp["W1"] = lin(ks[8], 2 * H, DH)
    inp["b1"] = jnp.zeros((DH,), dtype=jnp.float32)
    inp["W2"] = lin(ks[9], DH, DH)
    inp["b2"] = jnp.zeros((DH,), dtype=jnp.float32)
    inp["W3"] = lin(ks[10], DH, NCLS)
    inp["b3"] = jnp.zeros((NCLS,), dtype=jnp.float32)
    return inp


def reference(node_attribute, edge_attribute, edge_length, edge_index, W_proj, b_proj, W_bond, b_bond, b_conv, W_ih, W_hh, b_ih, b_hh, W1, b1, W2, b2, W3, b3):
    src = edge_index[0]
    dst = edge_index[1]
    # atom_feature_projector: Linear + ReLU
    h = jax.nn.relu(node_attribute @ W_proj + b_proj)
    # RBF expansion of edge lengths
    centers = jnp.linspace(0.0, 1.0, DR).astype(jnp.float32)
    rbf = jnp.exp(-GAMMA * (edge_length - centers[None, :]) ** 2)
    # edge feature = [edge_attribute, rbf(length)]
    edge_feat = jnp.concatenate([edge_attribute, rbf], axis=-1)
    # bond_function: per-edge (H x H) message weight (constant across steps)
    edge_w = (edge_feat @ W_bond + b_bond).reshape(E, H, H)
    x = h
    hidden = h
    agg0 = h
    for _ in range(STEPS):
        # NNConv with sum aggregation: out_i = sum_{(j->i)} x_j @ W_e + b
        msg = jnp.einsum('eh,eho->eo', x[src], edge_w)
        conv = jax.ops.segment_sum(msg, dst, num_segments=N) + b_conv
        x = jax.nn.relu(conv)
        # single-step GRU (PyTorch gate math)
        gi = x @ W_ih + b_ih
        gh = hidden @ W_hh + b_hh
        r = jax.nn.sigmoid(gi[:, :H] + gh[:, :H])
        z = jax.nn.sigmoid(gi[:, H:2 * H] + gh[:, H:2 * H])
        n = jnp.tanh(gi[:, 2 * H:] + r * gh[:, 2 * H:])
        hidden = (1.0 - z) * n + z * hidden
        x = hidden
    cat = jnp.concatenate([x, agg0], axis=-1)
    y = jax.nn.relu(cat @ W1 + b1)
    y = jax.nn.relu(y @ W2 + b2)
    return y @ W3 + b3

if __name__ == "__main__":
    import jax
    _d = setup_inputs()
    print(jax.jit(kernel)(*tuple(_d.values())))

</pallas_src>

<mosaic_0001>
#map = affine_map<(d0, d1) -> (0, 0)>
module attributes {stable_mosaic.version = 14 : i64} {
  func.func @k(%arg0: i32, %arg1: i32, %arg2: memref<160000x16xf32, #tpu.memory_space<hbm>>, %arg3: memref<1280x125xi32, #tpu.memory_space<hbm>>, %arg4: memref<20000x16xf32, #tpu.memory_space<hbm>>, %arg5: memref<40x125xi32, #tpu.memory_space<vmem>>, %arg6: memref<5000x16xf32, #tpu.memory_space<vmem>>, %arg7: memref<625x16xf32, #tpu.memory_space<vmem>>, %arg8: memref<10000x16xf32, #tpu.memory_space<vmem_shared>>, %arg9: memref<!tpu.dma_semaphore, #tpu.memory_space<semaphore_mem>>) attributes {dimension_semantics = [#tpu.dimension_semantics<core_parallel>, #tpu.dimension_semantics<subcore_parallel>], iteration_bounds = array<i64: 2, 16>, scalar_prefetch = 0 : i64, scratch_operands = 5 : i64, tpu.core_type = #tpu.core_type<sc_vector_subcore>, window_params = [{transform_indices = #map}, {transform_indices = #map}, {transform_indices = #map}]} {
    %mul3A = arith.constant 16 : i32
    %mul3A_0 = arith.muli %arg0, %mul3A : i32
    %add3A = arith.addi %mul3A_0, %arg1 : i32
    %mul3A_1 = arith.constant 5000 : i32
    %mul3A_2 = arith.muli %add3A, %mul3A_1 : i32
    %dma_start3A = arith.constant 0 : i32
    %dma_start3A_3 = tpu.memref_slice %arg2[%mul3A_2, %dma_start3A] : memref<160000x16xf32, #tpu.memory_space<hbm>> -> memref<5000x16xf32, #tpu.memory_space<hbm>>
    %dma_start3A_4 = arith.constant 0 : i32
    %dma_start3A_5 = tpu.memref_slice %arg2[%mul3A_2, %dma_start3A_4] : memref<160000x16xf32, #tpu.memory_space<hbm>> -> memref<5000x16xf32, #tpu.memory_space<hbm>>
    tpu.enqueue_dma source(%dma_start3A_5 : memref<5000x16xf32, #tpu.memory_space<hbm>>) target(%arg6 : memref<5000x16xf32, #tpu.memory_space<vmem>>) target_semaphore(%arg9 : memref<!tpu.dma_semaphore, #tpu.memory_space<semaphore_mem>>)
    %mul3A_6 = arith.constant 40 : i32
    %mul3A_7 = arith.muli %add3A, %mul3A_6 : i32
    "tpu.region"() ({
      %run_scoped3A = tpu.sem_alloc : memref<!tpu.dma_semaphore, #tpu.memory_space<semaphore_mem>>
      %dma_start3A_38 = arith.constant 0 : i32
      %dma_start3A_39 = tpu.memref_slice %arg3[%mul3A_7, %dma_start3A_38] : memref<1280x125xi32, #tpu.memory_space<hbm>> -> memref<40x125xi32, #tpu.memory_space<hbm>>
      %dma_start3A_40 = arith.constant 0 : i32
      %dma_start3A_41 = tpu.memref_slice %arg3[%mul3A_7, %dma_start3A_40] : memref<1280x125xi32, #tpu.memory_space<hbm>> -> memref<40x125xi32, #tpu.memory_space<hbm>>
      tpu.enqueue_dma source(%dma_start3A_41 : memref<40x125xi32, #tpu.memory_space<hbm>>) target(%arg5 : memref<40x125xi32, #tpu.memory_space<vmem>>) target_semaphore(%run_scoped3A : memref<!tpu.dma_semaphore, #tpu.memory_space<semaphore_mem>>)
      %dma_wait3A_42 = arith.constant 0 : i32
      %dma_wait3A_43 = tpu.memref_slice %arg3[%mul3A_7, %dma_wait3A_42] : memref<1280x125xi32, #tpu.memory_space<hbm>> -> memref<40x125xi32, #tpu.memory_space<hbm>>
      %dma_wait3A_44 = arith.constant 0 : i32
      %dma_wait3A_45 = tpu.memref_slice %arg3[%mul3A_7, %dma_wait3A_44] : memref<1280x125xi32, #tpu.memory_space<hbm>> -> memref<40x125xi32, #tpu.memory_space<hbm>>
      tpu.wait_dma2 semaphore(%run_scoped3A : memref<!tpu.dma_semaphore, #tpu.memory_space<semaphore_mem>>) src(%dma_wait3A_45 : memref<40x125xi32, #tpu.memory_space<hbm>>) dst(%arg5 : memref<40x125xi32, #tpu.memory_space<vmem>>)
      tpu.yield
    }) : () -> ()
    %scan3A = arith.constant 0 : i32
    %scan3A_8 = arith.constant 625 : i32
    %scan3A_9 = arith.addi %scan3A, %scan3A_8 : i32
    %scan3A_10 = arith.constant 1 : i32
    scf.for %scan3A_38 = %scan3A to %scan3A_9 step %scan3A_10  : i32 {
      %mul3A_39 = arith.constant 1 : i32
      %mul3A_40 = arith.muli %scan3A_38, %mul3A_39 : i32
      %add3A_41 = arith.constant 0 : i32
      %add3A_42 = arith.addi %add3A_41, %mul3A_40 : i32
      %broadcast_in_dim3A = arith.constant 0.000000e+00 : f32
      %broadcast_in_dim3A_43 = vector.broadcast %broadcast_in_dim3A : f32 to vector<16xf32>
      %swap3A = arith.index_cast %add3A_42 : i32 to index
      %swap3A_44 = arith.constant 0 : index
      %swap3A_45 = tpu.vector_load %arg7[%swap3A, %swap3A_44] {strides = array<i32>} : memref<625x16xf32, #tpu.memory_space<vmem>>, vector<1x16xf32>,
      %swap3A_46 = vector.shape_cast %swap3A_45 : vector<1x16xf32> to vector<16xf32>
      %swap3A_47 = vector.shape_cast %broadcast_in_dim3A_43 : vector<16xf32> to vector<1x16xf32>
      tpu.vector_store %arg7[%swap3A, %swap3A_44], %swap3A_47 {strides = array<i32>} : memref<625x16xf32, #tpu.memory_space<vmem>>, vector<1x16xf32>,
    }
    %scan3A_11 = arith.constant 625 : i32
    %mul3A_12 = arith.constant 625 : i32
    %mul3A_13 = arith.muli %arg1, %mul3A_12 : i32
    "tpu.region"() ({
      %run_scoped3A = tpu.sem_alloc : memref<!tpu.dma_semaphore, #tpu.memory_space<semaphore_mem>>
      %dma_start3A_38 = arith.constant 0 : i32
      %dma_start3A_39 = tpu.memref_slice %arg8[%mul3A_13, %dma_start3A_38] : memref<10000x16xf32, #tpu.memory_space<vmem_shared>> -> memref<625x16xf32, #tpu.memory_space<vmem_shared>>
      %dma_start3A_40 = arith.constant 0 : i32
      %dma_start3A_41 = tpu.memref_slice %arg8[%mul3A_13, %dma_start3A_40] : memref<10000x16xf32, #tpu.memory_space<vmem_shared>> -> memref<625x16xf32, #tpu.memory_space<vmem_shared>>
      tpu.enqueue_dma source(%arg7 : memref<625x16xf32, #tpu.memory_space<vmem>>) target(%dma_start3A_41 : memref<625x16xf32, #tpu.memory_space<vmem_shared>>) target_semaphore(%run_scoped3A : memref<!tpu.dma_semaphore, #tpu.memory_space<semaphore_mem>>)
      %dma_wait3A_42 = arith.constant 0 : i32
      %dma_wait3A_43 = tpu.memref_slice %arg8[%mul3A_13, %dma_wait3A_42] : memref<10000x16xf32, #tpu.memory_space<vmem_shared>> -> memref<625x16xf32, #tpu.memory_space<vmem_shared>>
      %dma_wait3A_44 = arith.constant 0 : i32
      %dma_wait3A_45 = tpu.memref_slice %arg8[%mul3A_13, %dma_wait3A_44] : memref<10000x16xf32, #tpu.memory_space<vmem_shared>> -> memref<625x16xf32, #tpu.memory_space<vmem_shared>>
      tpu.wait_dma2 semaphore(%run_scoped3A : memref<!tpu.dma_semaphore, #tpu.memory_space<semaphore_mem>>) src(%arg7 : memref<625x16xf32, #tpu.memory_space<vmem>>) dst(%dma_wait3A_45 : memref<625x16xf32, #tpu.memory_space<vmem_shared>>)
      tpu.yield
    }) : () -> ()
    %barrier3A = arith.constant 0 : index
    tpu.barrier barrier_id(%barrier3A)
    %dma_wait3A = arith.constant 0 : i32
    %dma_wait3A_14 = arith.constant 0 : i32
    %dma_wait3A_15 = tpu.memref_slice %arg2[%dma_wait3A, %dma_wait3A_14] : memref<160000x16xf32, #tpu.memory_space<hbm>> -> memref<5000x16xf32, #tpu.memory_space<hbm>>
    %dma_wait3A_16 = arith.constant 0 : i32
    %dma_wait3A_17 = arith.constant 0 : i32
    %dma_wait3A_18 = tpu.memref_slice %arg2[%dma_wait3A_16, %dma_wait3A_17] : memref<160000x16xf32, #tpu.memory_space<hbm>> -> memref<5000x16xf32, #tpu.memory_space<hbm>>
    tpu.wait_dma2 semaphore(%arg9 : memref<!tpu.dma_semaphore, #tpu.memory_space<semaphore_mem>>) src(%dma_wait3A_18 : memref<5000x16xf32, #tpu.memory_space<hbm>>) dst(%arg6 : memref<5000x16xf32, #tpu.memory_space<vmem>>)
    %scan3A_19 = arith.constant 0 : i32
    %scan3A_20 = arith.constant 40 : i32
    %scan3A_21 = arith.addi %scan3A_19, %scan3A_20 : i32
    %scan3A_22 = arith.constant 1 : i32
    scf.for %scan3A_38 = %scan3A_19 to %scan3A_21 step %scan3A_22  : i32 {
      %mul3A_39 = arith.constant 1 : i32
      %mul3A_40 = arith.muli %scan3A_38, %mul3A_39 : i32
      %add3A_41 = arith.constant 0 : i32
      %add3A_42 = arith.addi %add3A_41, %mul3A_40 : i32
      %mul3A_43 = arith.constant 125 : i32
      %mul3A_44 = arith.muli %add3A_42, %mul3A_43 : i32
      %dma_start3A_45 = arith.constant 0 : i32
      %dma_start3A_46 = tpu.memref_slice %arg6[%mul3A_44, %dma_start3A_45] : memref<5000x16xf32, #tpu.memory_space<vmem>> -> memref<125x16xf32, #tpu.memory_space<vmem>>
      %dma_start3A_47 = arith.constant 0 : i32
      %dma_start3A_48 = tpu.memref_slice %arg5[%add3A_42, %dma_start3A_47] : memref<40x125xi32, #tpu.memory_space<vmem>> -> memref<1x125xi32, #tpu.memory_space<vmem>>
      %dma_start3A_49 = tpu.memref_squeeze %dma_start3A_48 : memref<1x125xi32, #tpu.memory_space<vmem>> -> memref<125xi32, #tpu.memory_space<vmem>>
      %dma_start3A_50 = arith.constant 0 : i32
      %dma_start3A_51 = arith.constant 0 : i32
      %dma_start3A_52 = tpu.memref_slice %arg8[%dma_start3A_50, %dma_start3A_51] : memref<10000x16xf32, #tpu.memory_space<vmem_shared>> -> memref<10000x16xf32, #tpu.memory_space<vmem_shared>>
      tpu.enqueue_indirect_dma source(%dma_start3A_46 : memref<125x16xf32, #tpu.memory_space<vmem>>) target(%dma_start3A_52 : memref<10000x16xf32, #tpu.memory_space<vmem_shared>>) offsets(%dma_start3A_49 : memref<125xi32, #tpu.memory_space<vmem>>) semaphore(%arg9 : memref<!tpu.dma_semaphore, #tpu.memory_space<semaphore_mem>>) {add = true}
    }
    %scan3A_23 = arith.constant 40 : i32
    %dma_wait3A_24 = arith.constant 0 : i32
    %dma_wait3A_25 = arith.constant 0 : i32
    %dma_wait3A_26 = tpu.memref_slice %arg2[%dma_wait3A_24, %dma_wait3A_25] : memref<160000x16xf32, #tpu.memory_space<hbm>> -> memref<5000x16xf32, #tpu.memory_space<hbm>>
    %dma_wait3A_27 = arith.constant 0 : i32
    %dma_wait3A_28 = arith.constant 0 : i32
    %dma_wait3A_29 = tpu.memref_slice %arg2[%dma_wait3A_27, %dma_wait3A_28] : memref<160000x16xf32, #tpu.memory_space<hbm>> -> memref<5000x16xf32, #tpu.memory_space<hbm>>
    tpu.wait_dma2 semaphore(%arg9 : memref<!tpu.dma_semaphore, #tpu.memory_space<semaphore_mem>>) src(%dma_wait3A_29 : memref<5000x16xf32, #tpu.memory_space<hbm>>) dst(%arg6 : memref<5000x16xf32, #tpu.memory_space<vmem>>)
    %barrier3A_30 = arith.constant 0 : index
    tpu.barrier barrier_id(%barrier3A_30)
    %mul3A_31 = arith.constant 625 : i32
    %mul3A_32 = arith.muli %arg1, %mul3A_31 : i32
    %mul3A_33 = arith.constant 10000 : i32
    %mul3A_34 = arith.muli %arg0, %mul3A_33 : i32
    %mul3A_35 = arith.constant 625 : i32
    %mul3A_36 = arith.muli %arg1, %mul3A_35 : i32
    %add3A_37 = arith.addi %mul3A_34, %mul3A_36 : i32
    "tpu.region"() ({
      %run_scoped3A = tpu.sem_alloc : memref<!tpu.dma_semaphore, #tpu.memory_space<semaphore_mem>>
      %dma_start3A_38 = arith.constant 0 : i32
      %dma_start3A_39 = tpu.memref_slice %arg4[%add3A_37, %dma_start3A_38] : memref<20000x16xf32, #tpu.memory_space<hbm>> -> memref<625x16xf32, #tpu.memory_space<hbm>>
      %dma_start3A_40 = arith.constant 0 : i32
      %dma_start3A_41 = tpu.memref_slice %arg8[%mul3A_32, %dma_start3A_40] : memref<10000x16xf32, #tpu.memory_space<vmem_shared>> -> memref<625x16xf32, #tpu.memory_space<vmem_shared>>
      tpu.enqueue_dma source(%dma_start3A_41 : memref<625x16xf32, #tpu.memory_space<vmem_shared>>) target(%dma_start3A_39 : memref<625x16xf32, #tpu.memory_space<hbm>>) target_semaphore(%run_scoped3A : memref<!tpu.dma_semaphore, #tpu.memory_space<semaphore_mem>>)
      %dma_wait3A_42 = arith.constant 0 : i32
      %dma_wait3A_43 = tpu.memref_slice %arg4[%add3A_37, %dma_wait3A_42] : memref<20000x16xf32, #tpu.memory_space<hbm>> -> memref<625x16xf32, #tpu.memory_space<hbm>>
      %dma_wait3A_44 = arith.constant 0 : i32
      %dma_wait3A_45 = tpu.memref_slice %arg8[%mul3A_32, %dma_wait3A_44] : memref<10000x16xf32, #tpu.memory_space<vmem_shared>> -> memref<625x16xf32, #tpu.memory_space<vmem_shared>>
      tpu.wait_dma2 semaphore(%run_scoped3A : memref<!tpu.dma_semaphore, #tpu.memory_space<semaphore_mem>>) src(%dma_wait3A_45 : memref<625x16xf32, #tpu.memory_space<vmem_shared>>) dst(%dma_wait3A_43 : memref<625x16xf32, #tpu.memory_space<hbm>>)
      tpu.yield
    }) : () -> ()
    return
  }
}

#map = affine_map<(d0, d1) -> (0, 0)>
module attributes {stable_mosaic.version = 14 : i64} {
  func.func @k(%arg0: i32, %arg1: i32, %arg2: memref<10000x16xf32, #tpu.memory_space<hbm>>, %arg3: memref<1280x125xi32, #tpu.memory_space<hbm>>, %arg4: memref<160000x16xf32, #tpu.memory_space<hbm>>, %arg5: memref<40x125xi32, #tpu.memory_space<vmem>>, %arg6: memref<5000x16xf32, #tpu.memory_space<vmem>>, %arg7: memref<!tpu.dma_semaphore, #tpu.memory_space<semaphore_mem>>) attributes {dimension_semantics = [#tpu.dimension_semantics<core_parallel>, #tpu.dimension_semantics<subcore_parallel>], iteration_bounds = array<i64: 2, 16>, scalar_prefetch = 0 : i64, scratch_operands = 3 : i64, tpu.core_type = #tpu.core_type<sc_vector_subcore>, window_params = [{transform_indices = #map}, {transform_indices = #map}, {transform_indices = #map}]} {
    %mul3A = arith.constant 16 : i32
    %mul3A_0 = arith.muli %arg0, %mul3A : i32
    %add3A = arith.addi %mul3A_0, %arg1 : i32
    %mul3A_1 = arith.constant 40 : i32
    %mul3A_2 = arith.muli %add3A, %mul3A_1 : i32
    "tpu.region"() ({
      %run_scoped3A = tpu.sem_alloc : memref<!tpu.dma_semaphore, #tpu.memory_space<semaphore_mem>>
      %dma_start3A = arith.constant 0 : i32
      %dma_start3A_14 = tpu.memref_slice %arg3[%mul3A_2, %dma_start3A] : memref<1280x125xi32, #tpu.memory_space<hbm>> -> memref<40x125xi32, #tpu.memory_space<hbm>>
      %dma_start3A_15 = arith.constant 0 : i32
      %dma_start3A_16 = tpu.memref_slice %arg3[%mul3A_2, %dma_start3A_15] : memref<1280x125xi32, #tpu.memory_space<hbm>> -> memref<40x125xi32, #tpu.memory_space<hbm>>
      tpu.enqueue_dma source(%dma_start3A_16 : memref<40x125xi32, #tpu.memory_space<hbm>>) target(%arg5 : memref<40x125xi32, #tpu.memory_space<vmem>>) target_semaphore(%run_scoped3A : memref<!tpu.dma_semaphore, #tpu.memory_space<semaphore_mem>>)
      %dma_wait3A_17 = arith.constant 0 : i32
      %dma_wait3A_18 = tpu.memref_slice %arg3[%mul3A_2, %dma_wait3A_17] : memref<1280x125xi32, #tpu.memory_space<hbm>> -> memref<40x125xi32, #tpu.memory_space<hbm>>
      %dma_wait3A_19 = arith.constant 0 : i32
      %dma_wait3A_20 = tpu.memref_slice %arg3[%mul3A_2, %dma_wait3A_19] : memref<1280x125xi32, #tpu.memory_space<hbm>> -> memref<40x125xi32, #tpu.memory_space<hbm>>
      tpu.wait_dma2 semaphore(%run_scoped3A : memref<!tpu.dma_semaphore, #tpu.memory_space<semaphore_mem>>) src(%dma_wait3A_20 : memref<40x125xi32, #tpu.memory_space<hbm>>) dst(%arg5 : memref<40x125xi32, #tpu.memory_space<vmem>>)
      tpu.yield
    }) : () -> ()
    %scan3A = arith.constant 0 : i32
    %scan3A_3 = arith.constant 40 : i32
    %scan3A_4 = arith.addi %scan3A, %scan3A_3 : i32
    %scan3A_5 = arith.constant 1 : i32
    scf.for %scan3A_14 = %scan3A to %scan3A_4 step %scan3A_5  : i32 {
      %mul3A_15 = arith.constant 1 : i32
      %mul3A_16 = arith.muli %scan3A_14, %mul3A_15 : i32
      %add3A_17 = arith.constant 0 : i32
      %add3A_18 = arith.addi %add3A_17, %mul3A_16 : i32
      %mul3A_19 = arith.constant 125 : i32
      %mul3A_20 = arith.muli %add3A_18, %mul3A_19 : i32
      %dma_start3A = arith.constant 0 : i32
      %dma_start3A_21 = tpu.memref_slice %arg6[%mul3A_20, %dma_start3A] : memref<5000x16xf32, #tpu.memory_space<vmem>> -> memref<125x16xf32, #tpu.memory_space<vmem>>
      %dma_start3A_22 = arith.constant 0 : i32
      %dma_start3A_23 = tpu.memref_slice %arg5[%add3A_18, %dma_start3A_22] : memref<40x125xi32, #tpu.memory_space<vmem>> -> memref<1x125xi32, #tpu.memory_space<vmem>>
      %dma_start3A_24 = tpu.memref_squeeze %dma_start3A_23 : memref<1x125xi32, #tpu.memory_space<vmem>> -> memref<125xi32, #tpu.memory_space<vmem>>
      %dma_start3A_25 = arith.constant 0 : i32
      %dma_start3A_26 = arith.constant 0 : i32
      %dma_start3A_27 = tpu.memref_slice %arg2[%dma_start3A_25, %dma_start3A_26] : memref<10000x16xf32, #tpu.memory_space<hbm>> -> memref<10000x16xf32, #tpu.memory_space<hbm>>
      tpu.enqueue_indirect_dma source(%dma_start3A_27 : memref<10000x16xf32, #tpu.memory_space<hbm>>) target(%dma_start3A_21 : memref<125x16xf32, #tpu.memory_space<vmem>>) offsets(%dma_start3A_24 : memref<125xi32, #tpu.memory_space<vmem>>) semaphore(%arg7 : memref<!tpu.dma_semaphore, #tpu.memory_space<semaphore_mem>>)
    }
    %scan3A_6 = arith.constant 40 : i32
    %dma_wait3A = arith.constant 0 : i32
    %dma_wait3A_7 = arith.constant 0 : i32
    %dma_wait3A_8 = tpu.memref_slice %arg2[%dma_wait3A, %dma_wait3A_7] : memref<10000x16xf32, #tpu.memory_space<hbm>> -> memref<5000x16xf32, #tpu.memory_space<hbm>>
    %dma_wait3A_9 = arith.constant 0 : i32
    %dma_wait3A_10 = arith.constant 0 : i32
    %dma_wait3A_11 = tpu.memref_slice %arg2[%dma_wait3A_9, %dma_wait3A_10] : memref<10000x16xf32, #tpu.memory_space<hbm>> -> memref<5000x16xf32, #tpu.memory_space<hbm>>
    tpu.wait_dma2 semaphore(%arg7 : memref<!tpu.dma_semaphore, #tpu.memory_space<semaphore_mem>>) src(%dma_wait3A_11 : memref<5000x16xf32, #tpu.memory_space<hbm>>) dst(%arg6 : memref<5000x16xf32, #tpu.memory_space<vmem>>)
    %mul3A_12 = arith.constant 5000 : i32
    %mul3A_13 = arith.muli %add3A, %mul3A_12 : i32
    "tpu.region"() ({
      %run_scoped3A = tpu.sem_alloc : memref<!tpu.dma_semaphore, #tpu.memory_space<semaphore_mem>>
      %dma_start3A = arith.constant 0 : i32
      %dma_start3A_14 = tpu.memref_slice %arg4[%mul3A_13, %dma_start3A] : memref<160000x16xf32, #tpu.memory_space<hbm>> -> memref<5000x16xf32, #tpu.memory_space<hbm>>
      %dma_start3A_15 = arith.constant 0 : i32
      %dma_start3A_16 = tpu.memref_slice %arg4[%mul3A_13, %dma_start3A_15] : memref<160000x16xf32, #tpu.memory_space<hbm>> -> memref<5000x16xf32, #tpu.memory_space<hbm>>
      tpu.enqueue_dma source(%arg6 : memref<5000x16xf32, #tpu.memory_space<vmem>>) target(%dma_start3A_16 : memref<5000x16xf32, #tpu.memory_space<hbm>>) target_semaphore(%run_scoped3A : memref<!tpu.dma_semaphore, #tpu.memory_space<semaphore_mem>>)
      %dma_wait3A_17 = arith.constant 0 : i32
      %dma_wait3A_18 = tpu.memref_slice %arg4[%mul3A_13, %dma_wait3A_17] : memref<160000x16xf32, #tpu.memory_space<hbm>> -> memref<5000x16xf32, #tpu.memory_space<hbm>>
      %dma_wait3A_19 = arith.constant 0 : i32
      %dma_wait3A_20 = tpu.memref_slice %arg4[%mul3A_13, %dma_wait3A_19] : memref<160000x16xf32, #tpu.memory_space<hbm>> -> memref<5000x16xf32, #tpu.memory_space<hbm>>
      tpu.wait_dma2 semaphore(%run_scoped3A : memref<!tpu.dma_semaphore, #tpu.memory_space<semaphore_mem>>) src(%arg6 : memref<5000x16xf32, #tpu.memory_space<vmem>>) dst(%dma_wait3A_20 : memref<5000x16xf32, #tpu.memory_space<hbm>>)
      tpu.yield
    }) : () -> ()
    return
  }
}

#map = affine_map<(d0, d1) -> (0, 0)>
module attributes {stable_mosaic.version = 14 : i64} {
  func.func @k(%arg0: i32, %arg1: i32, %arg2: memref<10000x16xf32, #tpu.memory_space<hbm>>, %arg3: memref<1280x125xi32, #tpu.memory_space<hbm>>, %arg4: memref<160000x16xf32, #tpu.memory_space<hbm>>, %arg5: memref<40x125xi32, #tpu.memory_space<vmem>>, %arg6: memref<5000x16xf32, #tpu.memory_space<vmem>>, %arg7: memref<!tpu.dma_semaphore, #tpu.memory_space<semaphore_mem>>) attributes {dimension_semantics = [#tpu.dimension_semantics<core_parallel>, #tpu.dimension_semantics<subcore_parallel>], iteration_bounds = array<i64: 2, 16>, scalar_prefetch = 0 : i64, scratch_operands = 3 : i64, tpu.core_type = #tpu.core_type<sc_vector_subcore>, window_params = [{transform_indices = #map}, {transform_indices = #map}, {transform_indices = #map}]} {
    %mul3A = arith.constant 16 : i32
    %mul3A_0 = arith.muli %arg0, %mul3A : i32
    %add3A = arith.addi %mul3A_0, %arg1 : i32
    %mul3A_1 = arith.constant 40 : i32
    %mul3A_2 = arith.muli %add3A, %mul3A_1 : i32
    "tpu.region"() ({
      %run_scoped3A = tpu.sem_alloc : memref<!tpu.dma_semaphore, #tpu.memory_space<semaphore_mem>>
      %dma_start3A = arith.constant 0 : i32
      %dma_start3A_14 = tpu.memref_slice %arg3[%mul3A_2, %dma_start3A] : memref<1280x125xi32, #tpu.memory_space<hbm>> -> memref<40x125xi32, #tpu.memory_space<hbm>>
      %dma_start3A_15 = arith.constant 0 : i32
      %dma_start3A_16 = tpu.memref_slice %arg3[%mul3A_2, %dma_start3A_15] : memref<1280x125xi32, #tpu.memory_space<hbm>> -> memref<40x125xi32, #tpu.memory_space<hbm>>
      tpu.enqueue_dma source(%dma_start3A_16 : memref<40x125xi32, #tpu.memory_space<hbm>>) target(%arg5 : memref<40x125xi32, #tpu.memory_space<vmem>>) target_semaphore(%run_scoped3A : memref<!tpu.dma_semaphore, #tpu.memory_space<semaphore_mem>>)
      %dma_wait3A_17 = arith.constant 0 : i32
      %dma_wait3A_18 = tpu.memref_slice %arg3[%mul3A_2, %dma_wait3A_17] : memref<1280x125xi32, #tpu.memory_space<hbm>> -> memref<40x125xi32, #tpu.memory_space<hbm>>
      %dma_wait3A_19 = arith.constant 0 : i32
      %dma_wait3A_20 = tpu.memref_slice %arg3[%mul3A_2, %dma_wait3A_19] : memref<1280x125xi32, #tpu.memory_space<hbm>> -> memref<40x125xi32, #tpu.memory_space<hbm>>
      tpu.wait_dma2 semaphore(%run_scoped3A : memref<!tpu.dma_semaphore, #tpu.memory_space<semaphore_mem>>) src(%dma_wait3A_20 : memref<40x125xi32, #tpu.memory_space<hbm>>) dst(%arg5 : memref<40x125xi32, #tpu.memory_space<vmem>>)
      tpu.yield
    }) : () -> ()
    %scan3A = arith.constant 0 : i32
    %scan3A_3 = arith.constant 40 : i32
    %scan3A_4 = arith.addi %scan3A, %scan3A_3 : i32
    %scan3A_5 = arith.constant 1 : i32
    scf.for %scan3A_14 = %scan3A to %scan3A_4 step %scan3A_5  : i32 {
      %mul3A_15 = arith.constant 1 : i32
      %mul3A_16 = arith.muli %scan3A_14, %mul3A_15 : i32
      %add3A_17 = arith.constant 0 : i32
      %add3A_18 = arith.addi %add3A_17, %mul3A_16 : i32
      %mul3A_19 = arith.constant 125 : i32
      %mul3A_20 = arith.muli %add3A_18, %mul3A_19 : i32
      %dma_start3A = arith.constant 0 : i32
      %dma_start3A_21 = tpu.memref_slice %arg6[%mul3A_20, %dma_start3A] : memref<5000x16xf32, #tpu.memory_space<vmem>> -> memref<125x16xf32, #tpu.memory_space<vmem>>
      %dma_start3A_22 = arith.constant 0 : i32
      %dma_start3A_23 = tpu.memref_slice %arg5[%add3A_18, %dma_start3A_22] : memref<40x125xi32, #tpu.memory_space<vmem>> -> memref<1x125xi32, #tpu.memory_space<vmem>>
      %dma_start3A_24 = tpu.memref_squeeze %dma_start3A_23 : memref<1x125xi32, #tpu.memory_space<vmem>> -> memref<125xi32, #tpu.memory_space<vmem>>
      %dma_start3A_25 = arith.constant 0 : i32
      %dma_start3A_26 = arith.constant 0 : i32
      %dma_start3A_27 = tpu.memref_slice %arg2[%dma_start3A_25, %dma_start3A_26] : memref<10000x16xf32, #tpu.memory_space<hbm>> -> memref<10000x16xf32, #tpu.memory_space<hbm>>
      tpu.enqueue_indirect_dma source(%dma_start3A_27 : memref<10000x16xf32, #tpu.memory_space<hbm>>) target(%dma_start3A_21 : memref<125x16xf32, #tpu.memory_space<vmem>>) offsets(%dma_start3A_24 : memref<125xi32, #tpu.memory_space<vmem>>) semaphore(%arg7 : memref<!tpu.dma_semaphore, #tpu.memory_space<semaphore_mem>>)
    }
    %scan3A_6 = arith.constant 40 : i32
    %dma_wait3A = arith.constant 0 : i32
    %dma_wait3A_7 = arith.constant 0 : i32
    %dma_wait3A_8 = tpu.memref_slice %arg2[%dma_wait3A, %dma_wait3A_7] : memref<10000x16xf32, #tpu.memory_space<hbm>> -> memref<5000x16xf32, #tpu.memory_space<hbm>>
    %dma_wait3A_9 = arith.constant 0 : i32
    %dma_wait3A_10 = arith.constant 0 : i32
    %dma_wait3A_11 = tpu.memref_slice %arg2[%dma_wait3A_9, %dma_wait3A_10] : memref<10000x16xf32, #tpu.memory_space<hbm>> -> memref<5000x16xf32, #tpu.memory_space<hbm>>
    tpu.wait_dma2 semaphore(%arg7 : memref<!tpu.dma_semaphore, #tpu.memory_space<semaphore_mem>>) src(%dma_wait3A_11 : memref<5000x16xf32, #tpu.memory_space<hbm>>) dst(%arg6 : memref<5000x16xf32, #tpu.memory_space<vmem>>)
    %mul3A_12 = arith.constant 5000 : i32
    %mul3A_13 = arith.muli %add3A, %mul3A_12 : i32
    "tpu.region"() ({
      %run_scoped3A = tpu.sem_alloc : memref<!tpu.dma_semaphore, #tpu.memory_space<semaphore_mem>>
      %dma_start3A = arith.constant 0 : i32
      %dma_start3A_14 = tpu.memref_slice %arg4[%mul3A_13, %dma_start3A] : memref<160000x16xf32, #tpu.memory_space<hbm>> -> memref<5000x16xf32, #tpu.memory_space<hbm>>
      %dma_start3A_15 = arith.constant 0 : i32
      %dma_start3A_16 = tpu.memref_slice %arg4[%mul3A_13, %dma_start3A_15] : memref<160000x16xf32, #tpu.memory_space<hbm>> -> memref<5000x16xf32, #tpu.memory_space<hbm>>
      tpu.enqueue_dma source(%arg6 : memref<5000x16xf32, #tpu.memory_space<vmem>>) target(%dma_start3A_16 : memref<5000x16xf32, #tpu.memory_space<hbm>>) target_semaphore(%run_scoped3A : memref<!tpu.dma_semaphore, #tpu.memory_space<semaphore_mem>>)
      %dma_wait3A_17 = arith.constant 0 : i32
      %dma_wait3A_18 = tpu.memref_slice %arg4[%mul3A_13, %dma_wait3A_17] : memref<160000x16xf32, #tpu.memory_space<hbm>> -> memref<5000x16xf32, #tpu.memory_space<hbm>>
      %dma_wait3A_19 = arith.constant 0 : i32
      %dma_wait3A_20 = tpu.memref_slice %arg4[%mul3A_13, %dma_wait3A_19] : memref<160000x16xf32, #tpu.memory_space<hbm>> -> memref<5000x16xf32, #tpu.memory_space<hbm>>
      tpu.wait_dma2 semaphore(%run_scoped3A : memref<!tpu.dma_semaphore, #tpu.memory_space<semaphore_mem>>) src(%arg6 : memref<5000x16xf32, #tpu.memory_space<vmem>>) dst(%dma_wait3A_20 : memref<5000x16xf32, #tpu.memory_space<hbm>>)
      tpu.yield
    }) : () -> ()
    return
  }
}

#map = affine_map<(d0, d1) -> (0, 0)>
module attributes {stable_mosaic.version = 14 : i64} {
  func.func @k(%arg0: i32, %arg1: i32, %arg2: memref<160000x16xf32, #tpu.memory_space<hbm>>, %arg3: memref<1280x125xi32, #tpu.memory_space<hbm>>, %arg4: memref<20000x16xf32, #tpu.memory_space<hbm>>, %arg5: memref<40x125xi32, #tpu.memory_space<vmem>>, %arg6: memref<5000x16xf32, #tpu.memory_space<vmem>>, %arg7: memref<625x16xf32, #tpu.memory_space<vmem>>, %arg8: memref<10000x16xf32, #tpu.memory_space<vmem_shared>>, %arg9: memref<!tpu.dma_semaphore, #tpu.memory_space<semaphore_mem>>) attributes {dimension_semantics = [#tpu.dimension_semantics<core_parallel>, #tpu.dimension_semantics<subcore_parallel>], iteration_bounds = array<i64: 2, 16>, scalar_prefetch = 0 : i64, scratch_operands = 5 : i64, tpu.core_type = #tpu.core_type<sc_vector_subcore>, window_params = [{transform_indices = #map}, {transform_indices = #map}, {transform_indices = #map}]} {
    %mul3A = arith.constant 16 : i32
    %mul3A_0 = arith.muli %arg0, %mul3A : i32
    %add3A = arith.addi %mul3A_0, %arg1 : i32
    %mul3A_1 = arith.constant 5000 : i32
    %mul3A_2 = arith.muli %add3A, %mul3A_1 : i32
    %dma_start3A = arith.constant 0 : i32
    %dma_start3A_3 = tpu.memref_slice %arg2[%mul3A_2, %dma_start3A] : memref<160000x16xf32, #tpu.memory_space<hbm>> -> memref<5000x16xf32, #tpu.memory_space<hbm>>
    %dma_start3A_4 = arith.constant 0 : i32
    %dma_start3A_5 = tpu.memref_slice %arg2[%mul3A_2, %dma_start3A_4] : memref<160000x16xf32, #tpu.memory_space<hbm>> -> memref<5000x16xf32, #tpu.memory_space<hbm>>
    tpu.enqueue_dma source(%dma_start3A_5 : memref<5000x16xf32, #tpu.memory_space<hbm>>) target(%arg6 : memref<5000x16xf32, #tpu.memory_space<vmem>>) target_semaphore(%arg9 : memref<!tpu.dma_semaphore, #tpu.memory_space<semaphore_mem>>)
    %mul3A_6 = arith.constant 40 : i32
    %mul3A_7 = arith.muli %add3A, %mul3A_6 : i32
    "tpu.region"() ({
      %run_scoped3A = tpu.sem_alloc : memref<!tpu.dma_semaphore, #tpu.memory_space<semaphore_mem>>
      %dma_start3A_38 = arith.constant 0 : i32
      %dma_start3A_39 = tpu.memref_slice %arg3[%mul3A_7, %dma_start3A_38] : memref<1280x125xi32, #tpu.memory_space<hbm>> -> memref<40x125xi32, #tpu.memory_space<hbm>>
      %dma_start3A_40 = arith.constant 0 : i32
      %dma_start3A_41 = tpu.memref_slice %arg3[%mul3A_7, %dma_start3A_40] : memref<1280x125xi32, #tpu.memory_space<hbm>> -> memref<40x125xi32, #tpu.memory_space<hbm>>
      tpu.enqueue_dma source(%dma_start3A_41 : memref<40x125xi32, #tpu.memory_space<hbm>>) target(%arg5 : memref<40x125xi32, #tpu.memory_space<vmem>>) target_semaphore(%run_scoped3A : memref<!tpu.dma_semaphore, #tpu.memory_space<semaphore_mem>>)
      %dma_wait3A_42 = arith.constant 0 : i32
      %dma_wait3A_43 = tpu.memref_slice %arg3[%mul3A_7, %dma_wait3A_42] : memref<1280x125xi32, #tpu.memory_space<hbm>> -> memref<40x125xi32, #tpu.memory_space<hbm>>
      %dma_wait3A_44 = arith.constant 0 : i32
      %dma_wait3A_45 = tpu.memref_slice %arg3[%mul3A_7, %dma_wait3A_44] : memref<1280x125xi32, #tpu.memory_space<hbm>> -> memref<40x125xi32, #tpu.memory_space<hbm>>
      tpu.wait_dma2 semaphore(%run_scoped3A : memref<!tpu.dma_semaphore, #tpu.memory_space<semaphore_mem>>) src(%dma_wait3A_45 : memref<40x125xi32, #tpu.memory_space<hbm>>) dst(%arg5 : memref<40x125xi32, #tpu.memory_space<vmem>>)
      tpu.yield
    }) : () -> ()
    %scan3A = arith.constant 0 : i32
    %scan3A_8 = arith.constant 625 : i32
    %scan3A_9 = arith.addi %scan3A, %scan3A_8 : i32
    %scan3A_10 = arith.constant 1 : i32
    scf.for %scan3A_38 = %scan3A to %scan3A_9 step %scan3A_10  : i32 {
      %mul3A_39 = arith.constant 1 : i32
      %mul3A_40 = arith.muli %scan3A_38, %mul3A_39 : i32
      %add3A_41 = arith.constant 0 : i32
      %add3A_42 = arith.addi %add3A_41, %mul3A_40 : i32
      %broadcast_in_dim3A = arith.constant 0.000000e+00 : f32
      %broadcast_in_dim3A_43 = vector.broadcast %broadcast_in_dim3A : f32 to vector<16xf32>
      %swap3A = arith.index_cast %add3A_42 : i32 to index
      %swap3A_44 = arith.constant 0 : index
      %swap3A_45 = tpu.vector_load %arg7[%swap3A, %swap3A_44] {strides = array<i32>} : memref<625x16xf32, #tpu.memory_space<vmem>>, vector<1x16xf32>,
      %swap3A_46 = vector.shape_cast %swap3A_45 : vector<1x16xf32> to vector<16xf32>
      %swap3A_47 = vector.shape_cast %broadcast_in_dim3A_43 : vector<16xf32> to vector<1x16xf32>
      tpu.vector_store %arg7[%swap3A, %swap3A_44], %swap3A_47 {strides = array<i32>} : memref<625x16xf32, #tpu.memory_space<vmem>>, vector<1x16xf32>,
    }
    %scan3A_11 = arith.constant 625 : i32
    %mul3A_12 = arith.constant 625 : i32
    %mul3A_13 = arith.muli %arg1, %mul3A_12 : i32
    "tpu.region"() ({
      %run_scoped3A = tpu.sem_alloc : memref<!tpu.dma_semaphore, #tpu.memory_space<semaphore_mem>>
      %dma_start3A_38 = arith.constant 0 : i32
      %dma_start3A_39 = tpu.memref_slice %arg8[%mul3A_13, %dma_start3A_38] : memref<10000x16xf32, #tpu.memory_space<vmem_shared>> -> memref<625x16xf32, #tpu.memory_space<vmem_shared>>
      %dma_start3A_40 = arith.constant 0 : i32
      %dma_start3A_41 = tpu.memref_slice %arg8[%mul3A_13, %dma_start3A_40] : memref<10000x16xf32, #tpu.memory_space<vmem_shared>> -> memref<625x16xf32, #tpu.memory_space<vmem_shared>>
      tpu.enqueue_dma source(%arg7 : memref<625x16xf32, #tpu.memory_space<vmem>>) target(%dma_start3A_41 : memref<625x16xf32, #tpu.memory_space<vmem_shared>>) target_semaphore(%run_scoped3A : memref<!tpu.dma_semaphore, #tpu.memory_space<semaphore_mem>>)
      %dma_wait3A_42 = arith.constant 0 : i32
      %dma_wait3A_43 = tpu.memref_slice %arg8[%mul3A_13, %dma_wait3A_42] : memref<10000x16xf32, #tpu.memory_space<vmem_shared>> -> memref<625x16xf32, #tpu.memory_space<vmem_shared>>
      %dma_wait3A_44 = arith.constant 0 : i32
      %dma_wait3A_45 = tpu.memref_slice %arg8[%mul3A_13, %dma_wait3A_44] : memref<10000x16xf32, #tpu.memory_space<vmem_shared>> -> memref<625x16xf32, #tpu.memory_space<vmem_shared>>
      tpu.wait_dma2 semaphore(%run_scoped3A : memref<!tpu.dma_semaphore, #tpu.memory_space<semaphore_mem>>) src(%arg7 : memref<625x16xf32, #tpu.memory_space<vmem>>) dst(%dma_wait3A_45 : memref<625x16xf32, #tpu.memory_space<vmem_shared>>)
      tpu.yield
    }) : () -> ()
    %barrier3A = arith.constant 0 : index
    tpu.barrier barrier_id(%barrier3A)
    %dma_wait3A = arith.constant 0 : i32
    %dma_wait3A_14 = arith.constant 0 : i32
    %dma_wait3A_15 = tpu.memref_slice %arg2[%dma_wait3A, %dma_wait3A_14] : memref<160000x16xf32, #tpu.memory_space<hbm>> -> memref<5000x16xf32, #tpu.memory_space<hbm>>
    %dma_wait3A_16 = arith.constant 0 : i32
    %dma_wait3A_17 = arith.constant 0 : i32
    %dma_wait3A_18 = tpu.memref_slice %arg2[%dma_wait3A_16, %dma_wait3A_17] : memref<160000x16xf32, #tpu.memory_space<hbm>> -> memref<5000x16xf32, #tpu.memory_space<hbm>>
    tpu.wait_dma2 semaphore(%arg9 : memref<!tpu.dma_semaphore, #tpu.memory_space<semaphore_mem>>) src(%dma_wait3A_18 : memref<5000x16xf32, #tpu.memory_space<hbm>>) dst(%arg6 : memref<5000x16xf32, #tpu.memory_space<vmem>>)
    %scan3A_19 = arith.constant 0 : i32
    %scan3A_20 = arith.constant 40 : i32
    %scan3A_21 = arith.addi %scan3A_19, %scan3A_20 : i32
    %scan3A_22 = arith.constant 1 : i32
    scf.for %scan3A_38 = %scan3A_19 to %scan3A_21 step %scan3A_22  : i32 {
      %mul3A_39 = arith.constant 1 : i32
      %mul3A_40 = arith.muli %scan3A_38, %mul3A_39 : i32
      %add3A_41 = arith.constant 0 : i32
      %add3A_42 = arith.addi %add3A_41, %mul3A_40 : i32
      %mul3A_43 = arith.constant 125 : i32
      %mul3A_44 = arith.muli %add3A_42, %mul3A_43 : i32
      %dma_start3A_45 = arith.constant 0 : i32
      %dma_start3A_46 = tpu.memref_slice %arg6[%mul3A_44, %dma_start3A_45] : memref<5000x16xf32, #tpu.memory_space<vmem>> -> memref<125x16xf32, #tpu.memory_space<vmem>>
      %dma_start3A_47 = arith.constant 0 : i32
      %dma_start3A_48 = tpu.memref_slice %arg5[%add3A_42, %dma_start3A_47] : memref<40x125xi32, #tpu.memory_space<vmem>> -> memref<1x125xi32, #tpu.memory_space<vmem>>
      %dma_start3A_49 = tpu.memref_squeeze %dma_start3A_48 : memref<1x125xi32, #tpu.memory_space<vmem>> -> memref<125xi32, #tpu.memory_space<vmem>>
      %dma_start3A_50 = arith.constant 0 : i32
      %dma_start3A_51 = arith.constant 0 : i32
      %dma_start3A_52 = tpu.memref_slice %arg8[%dma_start3A_50, %dma_start3A_51] : memref<10000x16xf32, #tpu.memory_space<vmem_shared>> -> memref<10000x16xf32, #tpu.memory_space<vmem_shared>>
      tpu.enqueue_indirect_dma source(%dma_start3A_46 : memref<125x16xf32, #tpu.memory_space<vmem>>) target(%dma_start3A_52 : memref<10000x16xf32, #tpu.memory_space<vmem_shared>>) offsets(%dma_start3A_49 : memref<125xi32, #tpu.memory_space<vmem>>) semaphore(%arg9 : memref<!tpu.dma_semaphore, #tpu.memory_space<semaphore_mem>>) {add = true}
    }
    %scan3A_23 = arith.constant 40 : i32
    %dma_wait3A_24 = arith.constant 0 : i32
    %dma_wait3A_25 = arith.constant 0 : i32
    %dma_wait3A_26 = tpu.memref_slice %arg2[%dma_wait3A_24, %dma_wait3A_25] : memref<160000x16xf32, #tpu.memory_space<hbm>> -> memref<5000x16xf32, #tpu.memory_space<hbm>>
    %dma_wait3A_27 = arith.constant 0 : i32
    %dma_wait3A_28 = arith.constant 0 : i32
    %dma_wait3A_29 = tpu.memref_slice %arg2[%dma_wait3A_27, %dma_wait3A_28] : memref<160000x16xf32, #tpu.memory_space<hbm>> -> memref<5000x16xf32, #tpu.memory_space<hbm>>
    tpu.wait_dma2 semaphore(%arg9 : memref<!tpu.dma_semaphore, #tpu.memory_space<semaphore_mem>>) src(%dma_wait3A_29 : memref<5000x16xf32, #tpu.memory_space<hbm>>) dst(%arg6 : memref<5000x16xf32, #tpu.memory_space<vmem>>)
    %barrier3A_30 = arith.constant 0 : index
    tpu.barrier barrier_id(%barrier3A_30)
    %mul3A_31 = arith.constant 625 : i32
    %mul3A_32 = arith.muli %arg1, %mul3A_31 : i32
    %mul3A_33 = arith.constant 10000 : i32
    %mul3A_34 = arith.muli %arg0, %mul3A_33 : i32
    %mul3A_35 = arith.constant 625 : i32
    %mul3A_36 = arith.muli %arg1, %mul3A_35 : i32
    %add3A_37 = arith.addi %mul3A_34, %mul3A_36 : i32
    "tpu.region"() ({
      %run_scoped3A = tpu.sem_alloc : memref<!tpu.dma_semaphore, #tpu.memory_space<semaphore_mem>>
      %dma_start3A_38 = arith.constant 0 : i32
      %dma_start3A_39 = tpu.memref_slice %arg4[%add3A_37, %dma_start3A_38] : memref<20000x16xf32, #tpu.memory_space<hbm>> -> memref<625x16xf32, #tpu.memory_space<hbm>>
      %dma_start3A_40 = arith.constant 0 : i32
      %dma_start3A_41 = tpu.memref_slice %arg8[%mul3A_32, %dma_start3A_40] : memref<10000x16xf32, #tpu.memory_space<vmem_shared>> -> memref<625x16xf32, #tpu.memory_space<vmem_shared>>
      tpu.enqueue_dma source(%dma_start3A_41 : memref<625x16xf32, #tpu.memory_space<vmem_shared>>) target(%dma_start3A_39 : memref<625x16xf32, #tpu.memory_space<hbm>>) target_semaphore(%run_scoped3A : memref<!tpu.dma_semaphore, #tpu.memory_space<semaphore_mem>>)
      %dma_wait3A_42 = arith.constant 0 : i32
      %dma_wait3A_43 = tpu.memref_slice %arg4[%add3A_37, %dma_wait3A_42] : memref<20000x16xf32, #tpu.memory_space<hbm>> -> memref<625x16xf32, #tpu.memory_space<hbm>>
      %dma_wait3A_44 = arith.constant 0 : i32
      %dma_wait3A_45 = tpu.memref_slice %arg8[%mul3A_32, %dma_wait3A_44] : memref<10000x16xf32, #tpu.memory_space<vmem_shared>> -> memref<625x16xf32, #tpu.memory_space<vmem_shared>>
      tpu.wait_dma2 semaphore(%run_scoped3A : memref<!tpu.dma_semaphore, #tpu.memory_space<semaphore_mem>>) src(%dma_wait3A_45 : memref<625x16xf32, #tpu.memory_space<vmem_shared>>) dst(%dma_wait3A_43 : memref<625x16xf32, #tpu.memory_space<hbm>>)
      tpu.yield
    }) : () -> ()
    return
  }
}

#map = affine_map<(d0, d1) -> (0, 0)>
module attributes {stable_mosaic.version = 14 : i64} {
  func.func @k(%arg0: i32, %arg1: i32, %arg2: memref<10000x16xf32, #tpu.memory_space<hbm>>, %arg3: memref<1280x125xi32, #tpu.memory_space<hbm>>, %arg4: memref<160000x16xf32, #tpu.memory_space<hbm>>, %arg5: memref<40x125xi32, #tpu.memory_space<vmem>>, %arg6: memref<5000x16xf32, #tpu.memory_space<vmem>>, %arg7: memref<!tpu.dma_semaphore, #tpu.memory_space<semaphore_mem>>) attributes {dimension_semantics = [#tpu.dimension_semantics<core_parallel>, #tpu.dimension_semantics<subcore_parallel>], iteration_bounds = array<i64: 2, 16>, scalar_prefetch = 0 : i64, scratch_operands = 3 : i64, tpu.core_type = #tpu.core_type<sc_vector_subcore>, window_params = [{transform_indices = #map}, {transform_indices = #map}, {transform_indices = #map}]} {
    %mul3A = arith.constant 16 : i32
    %mul3A_0 = arith.muli %arg0, %mul3A : i32
    %add3A = arith.addi %mul3A_0, %arg1 : i32
    %mul3A_1 = arith.constant 40 : i32
    %mul3A_2 = arith.muli %add3A, %mul3A_1 : i32
    "tpu.region"() ({
      %run_scoped3A = tpu.sem_alloc : memref<!tpu.dma_semaphore, #tpu.memory_space<semaphore_mem>>
      %dma_start3A = arith.constant 0 : i32
      %dma_start3A_14 = tpu.memref_slice %arg3[%mul3A_2, %dma_start3A] : memref<1280x125xi32, #tpu.memory_space<hbm>> -> memref<40x125xi32, #tpu.memory_space<hbm>>
      %dma_start3A_15 = arith.constant 0 : i32
      %dma_start3A_16 = tpu.memref_slice %arg3[%mul3A_2, %dma_start3A_15] : memref<1280x125xi32, #tpu.memory_space<hbm>> -> memref<40x125xi32, #tpu.memory_space<hbm>>
      tpu.enqueue_dma source(%dma_start3A_16 : memref<40x125xi32, #tpu.memory_space<hbm>>) target(%arg5 : memref<40x125xi32, #tpu.memory_space<vmem>>) target_semaphore(%run_scoped3A : memref<!tpu.dma_semaphore, #tpu.memory_space<semaphore_mem>>)
      %dma_wait3A_17 = arith.constant 0 : i32
      %dma_wait3A_18 = tpu.memref_slice %arg3[%mul3A_2, %dma_wait3A_17] : memref<1280x125xi32, #tpu.memory_space<hbm>> -> memref<40x125xi32, #tpu.memory_space<hbm>>
      %dma_wait3A_19 = arith.constant 0 : i32
      %dma_wait3A_20 = tpu.memref_slice %arg3[%mul3A_2, %dma_wait3A_19] : memref<1280x125xi32, #tpu.memory_space<hbm>> -> memref<40x125xi32, #tpu.memory_space<hbm>>
      tpu.wait_dma2 semaphore(%run_scoped3A : memref<!tpu.dma_semaphore, #tpu.memory_space<semaphore_mem>>) src(%dma_wait3A_20 : memref<40x125xi32, #tpu.memory_space<hbm>>) dst(%arg5 : memref<40x125xi32, #tpu.memory_space<vmem>>)
      tpu.yield
    }) : () -> ()
    %scan3A = arith.constant 0 : i32
    %scan3A_3 = arith.constant 40 : i32
    %scan3A_4 = arith.addi %scan3A, %scan3A_3 : i32
    %scan3A_5 = arith.constant 1 : i32
    scf.for %scan3A_14 = %scan3A to %scan3A_4 step %scan3A_5  : i32 {
      %mul3A_15 = arith.constant 1 : i32
      %mul3A_16 = arith.muli %scan3A_14, %mul3A_15 : i32
      %add3A_17 = arith.constant 0 : i32
      %add3A_18 = arith.addi %add3A_17, %mul3A_16 : i32
      %mul3A_19 = arith.constant 125 : i32
      %mul3A_20 = arith.muli %add3A_18, %mul3A_19 : i32
      %dma_start3A = arith.constant 0 : i32
      %dma_start3A_21 = tpu.memref_slice %arg6[%mul3A_20, %dma_start3A] : memref<5000x16xf32, #tpu.memory_space<vmem>> -> memref<125x16xf32, #tpu.memory_space<vmem>>
      %dma_start3A_22 = arith.constant 0 : i32
      %dma_start3A_23 = tpu.memref_slice %arg5[%add3A_18, %dma_start3A_22] : memref<40x125xi32, #tpu.memory_space<vmem>> -> memref<1x125xi32, #tpu.memory_space<vmem>>
      %dma_start3A_24 = tpu.memref_squeeze %dma_start3A_23 : memref<1x125xi32, #tpu.memory_space<vmem>> -> memref<125xi32, #tpu.memory_space<vmem>>
      %dma_start3A_25 = arith.constant 0 : i32
      %dma_start3A_26 = arith.constant 0 : i32
      %dma_start3A_27 = tpu.memref_slice %arg2[%dma_start3A_25, %dma_start3A_26] : memref<10000x16xf32, #tpu.memory_space<hbm>> -> memref<10000x16xf32, #tpu.memory_space<hbm>>
      tpu.enqueue_indirect_dma source(%dma_start3A_27 : memref<10000x16xf32, #tpu.memory_space<hbm>>) target(%dma_start3A_21 : memref<125x16xf32, #tpu.memory_space<vmem>>) offsets(%dma_start3A_24 : memref<125xi32, #tpu.memory_space<vmem>>) semaphore(%arg7 : memref<!tpu.dma_semaphore, #tpu.memory_space<semaphore_mem>>)
    }
    %scan3A_6 = arith.constant 40 : i32
    %dma_wait3A = arith.constant 0 : i32
    %dma_wait3A_7 = arith.constant 0 : i32
    %dma_wait3A_8 = tpu.memref_slice %arg2[%dma_wait3A, %dma_wait3A_7] : memref<10000x16xf32, #tpu.memory_space<hbm>> -> memref<5000x16xf32, #tpu.memory_space<hbm>>
    %dma_wait3A_9 = arith.constant 0 : i32
    %dma_wait3A_10 = arith.constant 0 : i32
    %dma_wait3A_11 = tpu.memref_slice %arg2[%dma_wait3A_9, %dma_wait3A_10] : memref<10000x16xf32, #tpu.memory_space<hbm>> -> memref<5000x16xf32, #tpu.memory_space<hbm>>
    tpu.wait_dma2 semaphore(%arg7 : memref<!tpu.dma_semaphore, #tpu.memory_space<semaphore_mem>>) src(%dma_wait3A_11 : memref<5000x16xf32, #tpu.memory_space<hbm>>) dst(%arg6 : memref<5000x16xf32, #tpu.memory_space<vmem>>)
    %mul3A_12 = arith.constant 5000 : i32
    %mul3A_13 = arith.muli %add3A, %mul3A_12 : i32
    "tpu.region"() ({
      %run_scoped3A = tpu.sem_alloc : memref<!tpu.dma_semaphore, #tpu.memory_space<semaphore_mem>>
      %dma_start3A = arith.constant 0 : i32
      %dma_start3A_14 = tpu.memref_slice %arg4[%mul3A_13, %dma_start3A] : memref<160000x16xf32, #tpu.memory_space<hbm>> -> memref<5000x16xf32, #tpu.memory_space<hbm>>
      %dma_start3A_15 = arith.constant 0 : i32
      %dma_start3A_16 = tpu.memref_slice %arg4[%mul3A_13, %dma_start3A_15] : memref<160000x16xf32, #tpu.memory_space<hbm>> -> memref<5000x16xf32, #tpu.memory_space<hbm>>
      tpu.enqueue_dma source(%arg6 : memref<5000x16xf32, #tpu.memory_space<vmem>>) target(%dma_start3A_16 : memref<5000x16xf32, #tpu.memory_space<hbm>>) target_semaphore(%run_scoped3A : memref<!tpu.dma_semaphore, #tpu.memory_space<semaphore_mem>>)
      %dma_wait3A_17 = arith.constant 0 : i32
      %dma_wait3A_18 = tpu.memref_slice %arg4[%mul3A_13, %dma_wait3A_17] : memref<160000x16xf32, #tpu.memory_space<hbm>> -> memref<5000x16xf32, #tpu.memory_space<hbm>>
      %dma_wait3A_19 = arith.constant 0 : i32
      %dma_wait3A_20 = tpu.memref_slice %arg4[%mul3A_13, %dma_wait3A_19] : memref<160000x16xf32, #tpu.memory_space<hbm>> -> memref<5000x16xf32, #tpu.memory_space<hbm>>
      tpu.wait_dma2 semaphore(%run_scoped3A : memref<!tpu.dma_semaphore, #tpu.memory_space<semaphore_mem>>) src(%arg6 : memref<5000x16xf32, #tpu.memory_space<vmem>>) dst(%dma_wait3A_20 : memref<5000x16xf32, #tpu.memory_space<hbm>>)
      tpu.yield
    }) : () -> ()
    return
  }
}

#map = affine_map<(d0, d1) -> (0, 0)>
module attributes {stable_mosaic.version = 14 : i64} {
  func.func @k(%arg0: i32, %arg1: i32, %arg2: memref<160000x16xf32, #tpu.memory_space<hbm>>, %arg3: memref<1280x125xi32, #tpu.memory_space<hbm>>, %arg4: memref<20000x16xf32, #tpu.memory_space<hbm>>, %arg5: memref<40x125xi32, #tpu.memory_space<vmem>>, %arg6: memref<5000x16xf32, #tpu.memory_space<vmem>>, %arg7: memref<625x16xf32, #tpu.memory_space<vmem>>, %arg8: memref<10000x16xf32, #tpu.memory_space<vmem_shared>>, %arg9: memref<!tpu.dma_semaphore, #tpu.memory_space<semaphore_mem>>) attributes {dimension_semantics = [#tpu.dimension_semantics<core_parallel>, #tpu.dimension_semantics<subcore_parallel>], iteration_bounds = array<i64: 2, 16>, scalar_prefetch = 0 : i64, scratch_operands = 5 : i64, tpu.core_type = #tpu.core_type<sc_vector_subcore>, window_params = [{transform_indices = #map}, {transform_indices = #map}, {transform_indices = #map}]} {
    %mul3A = arith.constant 16 : i32
    %mul3A_0 = arith.muli %arg0, %mul3A : i32
    %add3A = arith.addi %mul3A_0, %arg1 : i32
    %mul3A_1 = arith.constant 5000 : i32
    %mul3A_2 = arith.muli %add3A, %mul3A_1 : i32
    %dma_start3A = arith.constant 0 : i32
    %dma_start3A_3 = tpu.memref_slice %arg2[%mul3A_2, %dma_start3A] : memref<160000x16xf32, #tpu.memory_space<hbm>> -> memref<5000x16xf32, #tpu.memory_space<hbm>>
    %dma_start3A_4 = arith.constant 0 : i32
    %dma_start3A_5 = tpu.memref_slice %arg2[%mul3A_2, %dma_start3A_4] : memref<160000x16xf32, #tpu.memory_space<hbm>> -> memref<5000x16xf32, #tpu.memory_space<hbm>>
    tpu.enqueue_dma source(%dma_start3A_5 : memref<5000x16xf32, #tpu.memory_space<hbm>>) target(%arg6 : memref<5000x16xf32, #tpu.memory_space<vmem>>) target_semaphore(%arg9 : memref<!tpu.dma_semaphore, #tpu.memory_space<semaphore_mem>>)
    %mul3A_6 = arith.constant 40 : i32
    %mul3A_7 = arith.muli %add3A, %mul3A_6 : i32
    "tpu.region"() ({
      %run_scoped3A = tpu.sem_alloc : memref<!tpu.dma_semaphore, #tpu.memory_space<semaphore_mem>>
      %dma_start3A_38 = arith.constant 0 : i32
      %dma_start3A_39 = tpu.memref_slice %arg3[%mul3A_7, %dma_start3A_38] : memref<1280x125xi32, #tpu.memory_space<hbm>> -> memref<40x125xi32, #tpu.memory_space<hbm>>
      %dma_start3A_40 = arith.constant 0 : i32
      %dma_start3A_41 = tpu.memref_slice %arg3[%mul3A_7, %dma_start3A_40] : memref<1280x125xi32, #tpu.memory_space<hbm>> -> memref<40x125xi32, #tpu.memory_space<hbm>>
      tpu.enqueue_dma source(%dma_start3A_41 : memref<40x125xi32, #tpu.memory_space<hbm>>) target(%arg5 : memref<40x125xi32, #tpu.memory_space<vmem>>) target_semaphore(%run_scoped3A : memref<!tpu.dma_semaphore, #tpu.memory_space<semaphore_mem>>)
      %dma_wait3A_42 = arith.constant 0 : i32
      %dma_wait3A_43 = tpu.memref_slice %arg3[%mul3A_7, %dma_wait3A_42] : memref<1280x125xi32, #tpu.memory_space<hbm>> -> memref<40x125xi32, #tpu.memory_space<hbm>>
      %dma_wait3A_44 = arith.constant 0 : i32
      %dma_wait3A_45 = tpu.memref_slice %arg3[%mul3A_7, %dma_wait3A_44] : memref<1280x125xi32, #tpu.memory_space<hbm>> -> memref<40x125xi32, #tpu.memory_space<hbm>>
      tpu.wait_dma2 semaphore(%run_scoped3A : memref<!tpu.dma_semaphore, #tpu.memory_space<semaphore_mem>>) src(%dma_wait3A_45 : memref<40x125xi32, #tpu.memory_space<hbm>>) dst(%arg5 : memref<40x125xi32, #tpu.memory_space<vmem>>)
      tpu.yield
    }) : () -> ()
    %scan3A = arith.constant 0 : i32
    %scan3A_8 = arith.constant 625 : i32
    %scan3A_9 = arith.addi %scan3A, %scan3A_8 : i32
    %scan3A_10 = arith.constant 1 : i32
    scf.for %scan3A_38 = %scan3A to %scan3A_9 step %scan3A_10  : i32 {
      %mul3A_39 = arith.constant 1 : i32
      %mul3A_40 = arith.muli %scan3A_38, %mul3A_39 : i32
      %add3A_41 = arith.constant 0 : i32
      %add3A_42 = arith.addi %add3A_41, %mul3A_40 : i32
      %broadcast_in_dim3A = arith.constant 0.000000e+00 : f32
      %broadcast_in_dim3A_43 = vector.broadcast %broadcast_in_dim3A : f32 to vector<16xf32>
      %swap3A = arith.index_cast %add3A_42 : i32 to index
      %swap3A_44 = arith.constant 0 : index
      %swap3A_45 = tpu.vector_load %arg7[%swap3A, %swap3A_44] {strides = array<i32>} : memref<625x16xf32, #tpu.memory_space<vmem>>, vector<1x16xf32>,
      %swap3A_46 = vector.shape_cast %swap3A_45 : vector<1x16xf32> to vector<16xf32>
      %swap3A_47 = vector.shape_cast %broadcast_in_dim3A_43 : vector<16xf32> to vector<1x16xf32>
      tpu.vector_store %arg7[%swap3A, %swap3A_44], %swap3A_47 {strides = array<i32>} : memref<625x16xf32, #tpu.memory_space<vmem>>, vector<1x16xf32>,
    }
    %scan3A_11 = arith.constant 625 : i32
    %mul3A_12 = arith.constant 625 : i32
    %mul3A_13 = arith.muli %arg1, %mul3A_12 : i32
    "tpu.region"() ({
      %run_scoped3A = tpu.sem_alloc : memref<!tpu.dma_semaphore, #tpu.memory_space<semaphore_mem>>
      %dma_start3A_38 = arith.constant 0 : i32
      %dma_start3A_39 = tpu.memref_slice %arg8[%mul3A_13, %dma_start3A_38] : memref<10000x16xf32, #tpu.memory_space<vmem_shared>> -> memref<625x16xf32, #tpu.memory_space<vmem_shared>>
      %dma_start3A_40 = arith.constant 0 : i32
      %dma_start3A_41 = tpu.memref_slice %arg8[%mul3A_13, %dma_start3A_40] : memref<10000x16xf32, #tpu.memory_space<vmem_shared>> -> memref<625x16xf32, #tpu.memory_space<vmem_shared>>
      tpu.enqueue_dma source(%arg7 : memref<625x16xf32, #tpu.memory_space<vmem>>) target(%dma_start3A_41 : memref<625x16xf32, #tpu.memory_space<vmem_shared>>) target_semaphore(%run_scoped3A : memref<!tpu.dma_semaphore, #tpu.memory_space<semaphore_mem>>)
      %dma_wait3A_42 = arith.constant 0 : i32
      %dma_wait3A_43 = tpu.memref_slice %arg8[%mul3A_13, %dma_wait3A_42] : memref<10000x16xf32, #tpu.memory_space<vmem_shared>> -> memref<625x16xf32, #tpu.memory_space<vmem_shared>>
      %dma_wait3A_44 = arith.constant 0 : i32
      %dma_wait3A_45 = tpu.memref_slice %arg8[%mul3A_13, %dma_wait3A_44] : memref<10000x16xf32, #tpu.memory_space<vmem_shared>> -> memref<625x16xf32, #tpu.memory_space<vmem_shared>>
      tpu.wait_dma2 semaphore(%run_scoped3A : memref<!tpu.dma_semaphore, #tpu.memory_space<semaphore_mem>>) src(%arg7 : memref<625x16xf32, #tpu.memory_space<vmem>>) dst(%dma_wait3A_45 : memref<625x16xf32, #tpu.memory_space<vmem_shared>>)
      tpu.yield
    }) : () -> ()
    %barrier3A = arith.constant 0 : index
    tpu.barrier barrier_id(%barrier3A)
    %dma_wait3A = arith.constant 0 : i32
    %dma_wait3A_14 = arith.constant 0 : i32
    %dma_wait3A_15 = tpu.memref_slice %arg2[%dma_wait3A, %dma_wait3A_14] : memref<160000x16xf32, #tpu.memory_space<hbm>> -> memref<5000x16xf32, #tpu.memory_space<hbm>>
    %dma_wait3A_16 = arith.constant 0 : i32
    %dma_wait3A_17 = arith.constant 0 : i32
    %dma_wait3A_18 = tpu.memref_slice %arg2[%dma_wait3A_16, %dma_wait3A_17] : memref<160000x16xf32, #tpu.memory_space<hbm>> -> memref<5000x16xf32, #tpu.memory_space<hbm>>
    tpu.wait_dma2 semaphore(%arg9 : memref<!tpu.dma_semaphore, #tpu.memory_space<semaphore_mem>>) src(%dma_wait3A_18 : memref<5000x16xf32, #tpu.memory_space<hbm>>) dst(%arg6 : memref<5000x16xf32, #tpu.memory_space<vmem>>)
    %scan3A_19 = arith.constant 0 : i32
    %scan3A_20 = arith.constant 40 : i32
    %scan3A_21 = arith.addi %scan3A_19, %scan3A_20 : i32
    %scan3A_22 = arith.constant 1 : i32
    scf.for %scan3A_38 = %scan3A_19 to %scan3A_21 step %scan3A_22  : i32 {
      %mul3A_39 = arith.constant 1 : i32
      %mul3A_40 = arith.muli %scan3A_38, %mul3A_39 : i32
      %add3A_41 = arith.constant 0 : i32
      %add3A_42 = arith.addi %add3A_41, %mul3A_40 : i32
      %mul3A_43 = arith.constant 125 : i32
      %mul3A_44 = arith.muli %add3A_42, %mul3A_43 : i32
      %dma_start3A_45 = arith.constant 0 : i32
      %dma_start3A_46 = tpu.memref_slice %arg6[%mul3A_44, %dma_start3A_45] : memref<5000x16xf32, #tpu.memory_space<vmem>> -> memref<125x16xf32, #tpu.memory_space<vmem>>
      %dma_start3A_47 = arith.constant 0 : i32
      %dma_start3A_48 = tpu.memref_slice %arg5[%add3A_42, %dma_start3A_47] : memref<40x125xi32, #tpu.memory_space<vmem>> -> memref<1x125xi32, #tpu.memory_space<vmem>>
      %dma_start3A_49 = tpu.memref_squeeze %dma_start3A_48 : memref<1x125xi32, #tpu.memory_space<vmem>> -> memref<125xi32, #tpu.memory_space<vmem>>
      %dma_start3A_50 = arith.constant 0 : i32
      %dma_start3A_51 = arith.constant 0 : i32
      %dma_start3A_52 = tpu.memref_slice %arg8[%dma_start3A_50, %dma_start3A_51] : memref<10000x16xf32, #tpu.memory_space<vmem_shared>> -> memref<10000x16xf32, #tpu.memory_space<vmem_shared>>
      tpu.enqueue_indirect_dma source(%dma_start3A_46 : memref<125x16xf32, #tpu.memory_space<vmem>>) target(%dma_start3A_52 : memref<10000x16xf32, #tpu.memory_space<vmem_shared>>) offsets(%dma_start3A_49 : memref<125xi32, #tpu.memory_space<vmem>>) semaphore(%arg9 : memref<!tpu.dma_semaphore, #tpu.memory_space<semaphore_mem>>) {add = true}
    }
    %scan3A_23 = arith.constant 40 : i32
    %dma_wait3A_24 = arith.constant 0 : i32
    %dma_wait3A_25 = arith.constant 0 : i32
    %dma_wait3A_26 = tpu.memref_slice %arg2[%dma_wait3A_24, %dma_wait3A_25] : memref<160000x16xf32, #tpu.memory_space<hbm>> -> memref<5000x16xf32, #tpu.memory_space<hbm>>
    %dma_wait3A_27 = arith.constant 0 : i32
    %dma_wait3A_28 = arith.constant 0 : i32
    %dma_wait3A_29 = tpu.memref_slice %arg2[%dma_wait3A_27, %dma_wait3A_28] : memref<160000x16xf32, #tpu.memory_space<hbm>> -> memref<5000x16xf32, #tpu.memory_space<hbm>>
    tpu.wait_dma2 semaphore(%arg9 : memref<!tpu.dma_semaphore, #tpu.memory_space<semaphore_mem>>) src(%dma_wait3A_29 : memref<5000x16xf32, #tpu.memory_space<hbm>>) dst(%arg6 : memref<5000x16xf32, #tpu.memory_space<vmem>>)
    %barrier3A_30 = arith.constant 0 : index
    tpu.barrier barrier_id(%barrier3A_30)
    %mul3A_31 = arith.constant 625 : i32
    %mul3A_32 = arith.muli %arg1, %mul3A_31 : i32
    %mul3A_33 = arith.constant 10000 : i32
    %mul3A_34 = arith.muli %arg0, %mul3A_33 : i32
    %mul3A_35 = arith.constant 625 : i32
    %mul3A_36 = arith.muli %arg1, %mul3A_35 : i32
    %add3A_37 = arith.addi %mul3A_34, %mul3A_36 : i32
    "tpu.region"() ({
      %run_scoped3A = tpu.sem_alloc : memref<!tpu.dma_semaphore, #tpu.memory_space<semaphore_mem>>
      %dma_start3A_38 = arith.constant 0 : i32
      %dma_start3A_39 = tpu.memref_slice %arg4[%add3A_37, %dma_start3A_38] : memref<20000x16xf32, #tpu.memory_space<hbm>> -> memref<625x16xf32, #tpu.memory_space<hbm>>
      %dma_start3A_40 = arith.constant 0 : i32
      %dma_start3A_41 = tpu.memref_slice %arg8[%mul3A_32, %dma_start3A_40] : memref<10000x16xf32, #tpu.memory_space<vmem_shared>> -> memref<625x16xf32, #tpu.memory_space<vmem_shared>>
      tpu.enqueue_dma source(%dma_start3A_41 : memref<625x16xf32, #tpu.memory_space<vmem_shared>>) target(%dma_start3A_39 : memref<625x16xf32, #tpu.memory_space<hbm>>) target_semaphore(%run_scoped3A : memref<!tpu.dma_semaphore, #tpu.memory_space<semaphore_mem>>)
      %dma_wait3A_42 = arith.constant 0 : i32
      %dma_wait3A_43 = tpu.memref_slice %arg4[%add3A_37, %dma_wait3A_42] : memref<20000x16xf32, #tpu.memory_space<hbm>> -> memref<625x16xf32, #tpu.memory_space<hbm>>
      %dma_wait3A_44 = arith.constant 0 : i32
      %dma_wait3A_45 = tpu.memref_slice %arg8[%mul3A_32, %dma_wait3A_44] : memref<10000x16xf32, #tpu.memory_space<vmem_shared>> -> memref<625x16xf32, #tpu.memory_space<vmem_shared>>
      tpu.wait_dma2 semaphore(%run_scoped3A : memref<!tpu.dma_semaphore, #tpu.memory_space<semaphore_mem>>) src(%dma_wait3A_45 : memref<625x16xf32, #tpu.memory_space<vmem_shared>>) dst(%dma_wait3A_43 : memref<625x16xf32, #tpu.memory_space<hbm>>)
      tpu.yield
    }) : () -> ()
    return
  }
}

module attributes {stable_mosaic.version = 14 : i64} {
  func.func @_proj_body(%arg0: memref<1250x880xf32, #tpu.memory_space<vmem>>, %arg1: memref<880x128xf32, #tpu.memory_space<vmem>>, %arg2: memref<1x128xf32, #tpu.memory_space<vmem>>, %arg3: memref<1250x128xf32, #tpu.memory_space<vmem>>) attributes {dimension_semantics = [], scalar_prefetch = 0 : i64, scratch_operands = 0 : i64, tpu.core_type = #tpu.core_type<tc>} {
    %get3A = arith.constant 0 : index
    %get3A_0 = arith.constant 0 : index
    %get3A_1 = vector.load %arg0[%get3A, %get3A_0] : memref<1250x880xf32, #tpu.memory_space<vmem>>, vector<1250x880xf32>
    %get3A_2 = arith.constant 0 : index
    %get3A_3 = arith.constant 0 : index
    %get3A_4 = vector.load %arg1[%get3A_2, %get3A_3] : memref<880x128xf32, #tpu.memory_space<vmem>>, vector<880x128xf32>
    %convert_element_type3A = arith.truncf %get3A_1 : vector<1250x880xf32> to vector<1250x880xbf16>
    %convert_element_type3A_5 = arith.truncf %get3A_4 : vector<880x128xf32> to vector<880x128xbf16>
    %dot_general3A = arith.constant dense<0.000000e+00> : vector<1250x128xf32>
    %dot_general3A_6 = tpu.matmul %convert_element_type3A, %convert_element_type3A_5, %dot_general3A {dimension_numbers = #tpu.dot_dimension_numbers<[1], [0], [0], [1], [0, 0, 1, 1], [], []>, transpose_lhs_hint = false} : vector<1250x880xbf16>, vector<880x128xbf16>, vector<1250x128xf32> -> vector<1250x128xf32>
    %get3A_7 = arith.constant 0 : index
    %get3A_8 = arith.constant 0 : index
    %get3A_9 = vector.load %arg2[%get3A_7, %get3A_8] : memref<1x128xf32, #tpu.memory_space<vmem>>, vector<1x128xf32>
    %add3A = vector.broadcast %get3A_9 : vector<1x128xf32> to vector<1250x128xf32>
    %add3A_10 = arith.addf %dot_general3A_6, %add3A : vector<1250x128xf32>
    %max3A = arith.constant 0.000000e+00 : f32
    %max3A_11 = vector.broadcast %max3A : f32 to vector<1250x128xf32>
    %max3A_12 = arith.maximumf %add3A_10, %max3A_11 : vector<1250x128xf32>
    %swap3A = arith.constant 0 : index
    %swap3A_13 = arith.constant 0 : index
    %swap3A_14 = vector.load %arg3[%swap3A, %swap3A_13] : memref<1250x128xf32, #tpu.memory_space<vmem>>, vector<1250x128xf32>
    tpu.vector_store %arg3[%swap3A, %swap3A_13], %max3A_12 {strides = array<i32>} : memref<1250x128xf32, #tpu.memory_space<vmem>>, vector<1250x128xf32>,
    return
  }
}

module attributes {stable_mosaic.version = 14 : i64} {
  func.func @_feat_body(%arg0: i32, %arg1: memref<2000x64xf32, #tpu.memory_space<vmem>>, %arg2: memref<2000x8xf32, #tpu.memory_space<vmem>>, %arg3: memref<64x128xf32, #tpu.memory_space<vmem>>, %arg4: memref<8x128xf32, #tpu.memory_space<vmem>>, %arg5: memref<1x128xf32, #tpu.memory_space<vmem>>, %arg6: memref<1x128xf32, #tpu.memory_space<vmem>>, %arg7: memref<2000x128xf32, #tpu.memory_space<vmem>>) attributes {dimension_semantics = [#tpu.dimension_semantics<arbitrary>], iteration_bounds = array<i64: 10>, scalar_prefetch = 0 : i64, scratch_operands = 0 : i64, tpu.core_type = #tpu.core_type<tc>, window_params = [{transform_indices = @transform_0, window_bounds = array<i64: 2000, 64>}, {transform_indices = @transform_1, window_bounds = array<i64: 2000, 8>}, {pipeline_mode = #tpu.pipeline_mode<synchronous>, transform_indices = @transform_2, window_bounds = array<i64: 64, 128>}, {pipeline_mode = #tpu.pipeline_mode<synchronous>, transform_indices = @transform_3, window_bounds = array<i64: 8, 128>}, {pipeline_mode = #tpu.pipeline_mode<synchronous>, transform_indices = @transform_4, window_bounds = array<i64: 1, 128>}, {pipeline_mode = #tpu.pipeline_mode<synchronous>, transform_indices = @transform_5, window_bounds = array<i64: 1, 128>}, {transform_indices = @transform_6, window_bounds = array<i64: 2000, 128>}]} {
    %get3A = arith.constant 0 : index
    %get3A_0 = arith.constant 0 : index
    %get3A_1 = vector.load %arg2[%get3A, %get3A_0] : memref<2000x8xf32, #tpu.memory_space<vmem>>, vector<2000x8xf32>
    %get3A_2 = arith.constant 0 : index
    %get3A_3 = arith.constant 0 : index
    %get3A_4 = vector.load %arg4[%get3A_2, %get3A_3] : memref<8x128xf32, #tpu.memory_space<vmem>>, vector<8x128xf32>
    %dot_general3A = arith.constant dense<0.000000e+00> : vector<2000x128xf32>
    %dot_general3A_5 = tpu.matmul %get3A_1, %get3A_4, %dot_general3A {dimension_numbers = #tpu.dot_dimension_numbers<[1], [0], [0], [1], [0, 0, 1, 1], [], []>, precision = #tpu.contract_precision<fp32>, transpose_lhs_hint = false} : vector<2000x8xf32>, vector<8x128xf32>, vector<2000x128xf32> -> vector<2000x128xf32>
    %get3A_6 = arith.constant 0 : index
    %get3A_7 = arith.constant 0 : index
    %get3A_8 = vector.load %arg5[%get3A_6, %get3A_7] : memref<1x128xf32, #tpu.memory_space<vmem>>, vector<1x128xf32>
    %get3A_9 = arith.constant 0 : index
    %get3A_10 = arith.constant 0 : index
    %get3A_11 = vector.load %arg6[%get3A_9, %get3A_10] : memref<1x128xf32, #tpu.memory_space<vmem>>, vector<1x128xf32>
    %sub3A = vector.broadcast %get3A_11 : vector<1x128xf32> to vector<2000x128xf32>
    %sub3A_12 = arith.subf %dot_general3A_5, %sub3A : vector<2000x128xf32>
    %integer_pow3A = arith.mulf %sub3A_12, %sub3A_12 : vector<2000x128xf32>
    %mul3A = arith.constant -1.000000e+01 : f32
    %mul3A_13 = vector.broadcast %mul3A : f32 to vector<2000x128xf32>
    %mul3A_14 = arith.mulf %mul3A_13, %integer_pow3A : vector<2000x128xf32>
    %exp3A = math.exp %mul3A_14 : vector<2000x128xf32>
    %mul3A_15 = vector.broadcast %get3A_8 : vector<1x128xf32> to vector<2000x128xf32>
    %mul3A_16 = arith.mulf %mul3A_15, %exp3A : vector<2000x128xf32>
    %get3A_17 = arith.constant 0 : index
    %get3A_18 = arith.constant 0 : index
    %get3A_19 = vector.load %arg1[%get3A_17, %get3A_18] : memref<2000x64xf32, #tpu.memory_space<vmem>>, vector<2000x64xf32>
    %get3A_20 = arith.constant 0 : index
    %get3A_21 = arith.constant 0 : index
    %get3A_22 = vector.load %arg3[%get3A_20, %get3A_21] : memref<64x128xf32, #tpu.memory_space<vmem>>, vector<64x128xf32>
    %dot_general3A_23 = arith.constant dense<0.000000e+00> : vector<2000x128xf32>
    %dot_general3A_24 = tpu.matmul %get3A_19, %get3A_22, %dot_general3A_23 {dimension_numbers = #tpu.dot_dimension_numbers<[1], [0], [0], [1], [0, 0, 1, 1], [], []>, precision = #tpu.contract_precision<fp32>, transpose_lhs_hint = false} : vector<2000x64xf32>, vector<64x128xf32>, vector<2000x128xf32> -> vector<2000x128xf32>
    %add3A = arith.addf %dot_general3A_24, %mul3A_16 : vector<2000x128xf32>
    %swap3A = arith.constant 0 : index
    %swap3A_25 = arith.constant 0 : index
    %swap3A_26 = vector.load %arg7[%swap3A, %swap3A_25] : memref<2000x128xf32, #tpu.memory_space<vmem>>, vector<2000x128xf32>
    tpu.vector_store %arg7[%swap3A, %swap3A_25], %add3A {strides = array<i32>} : memref<2000x128xf32, #tpu.memory_space<vmem>>, vector<2000x128xf32>,
    return
  }
  func.func @transform_0(%arg0: i32) -> (i32, i32) {
    %c0_i32 = arith.constant 0 : i32
    %c0_i32_0 = arith.constant 0 : i32
    return %arg0, %c0_i32 : i32, i32
  }
  func.func @transform_1(%arg0: i32) -> (i32, i32) {
    %c0_i32 = arith.constant 0 : i32
    %c0_i32_0 = arith.constant 0 : i32
    return %arg0, %c0_i32 : i32, i32
  }
  func.func @transform_2(%arg0: i32) -> (i32, i32) {
    %c0_i32 = arith.constant 0 : i32
    %c0_i32_0 = arith.constant 0 : i32
    %c0_i32_1 = arith.constant 0 : i32
    return %c0_i32, %c0_i32_0 : i32, i32
  }
  func.func @transform_3(%arg0: i32) -> (i32, i32) {
    %c0_i32 = arith.constant 0 : i32
    %c0_i32_0 = arith.constant 0 : i32
    %c0_i32_1 = arith.constant 0 : i32
    return %c0_i32, %c0_i32_0 : i32, i32
  }
  func.func @transform_4(%arg0: i32) -> (i32, i32) {
    %c0_i32 = arith.constant 0 : i32
    %c0_i32_0 = arith.constant 0 : i32
    %c0_i32_1 = arith.constant 0 : i32
    return %c0_i32, %c0_i32_0 : i32, i32
  }
  func.func @transform_5(%arg0: i32) -> (i32, i32) {
    %c0_i32 = arith.constant 0 : i32
    %c0_i32_0 = arith.constant 0 : i32
    %c0_i32_1 = arith.constant 0 : i32
    return %c0_i32, %c0_i32_0 : i32, i32
  }
  func.func @transform_6(%arg0: i32) -> (i32, i32) {
    %c0_i32 = arith.constant 0 : i32
    %c0_i32_0 = arith.constant 0 : i32
    return %arg0, %c0_i32 : i32, i32
  }
}

module attributes {stable_mosaic.version = 14 : i64} {
  func.func @_msg_body(%arg0: i32, %arg1: memref<2000x128xf32, #tpu.memory_space<vmem>>, %arg2: memref<2000x128xf32, #tpu.memory_space<vmem>>, %arg3: memref<128x2048xbf16, #tpu.memory_space<vmem>>, %arg4: memref<128x2048xbf16, #tpu.memory_space<vmem>>, %arg5: memref<1x2048xf32, #tpu.memory_space<vmem>>, %arg6: memref<2048x128xbf16, #tpu.memory_space<vmem>>, %arg7: memref<2000x128xf32, #tpu.memory_space<vmem>>) attributes {dimension_semantics = [#tpu.dimension_semantics<arbitrary>], iteration_bounds = array<i64: 10>, scalar_prefetch = 0 : i64, scratch_operands = 0 : i64, tpu.core_type = #tpu.core_type<tc>, window_params = [{transform_indices = @transform_0, window_bounds = array<i64: 2000, 128>}, {transform_indices = @transform_1, window_bounds = array<i64: 2000, 128>}, {pipeline_mode = #tpu.pipeline_mode<synchronous>, transform_indices = @transform_2, window_bounds = array<i64: 128, 2048>}, {pipeline_mode = #tpu.pipeline_mode<synchronous>, transform_indices = @transform_3, window_bounds = array<i64: 128, 2048>}, {pipeline_mode = #tpu.pipeline_mode<synchronous>, transform_indices = @transform_4, window_bounds = array<i64: 1, 2048>}, {pipeline_mode = #tpu.pipeline_mode<synchronous>, transform_indices = @transform_5, window_bounds = array<i64: 2048, 128>}, {transform_indices = @transform_6, window_bounds = array<i64: 2000, 128>}]} {
    %get3A = arith.constant 0 : index
    %get3A_0 = arith.constant 0 : index
    %get3A_1 = vector.load %arg2[%get3A, %get3A_0] : memref<2000x128xf32, #tpu.memory_space<vmem>>, vector<2000x128xf32>
    %convert_element_type3A = arith.truncf %get3A_1 : vector<2000x128xf32> to vector<2000x128xbf16>
    %get3A_2 = arith.constant 0 : index
    %get3A_3 = arith.constant 0 : index
    %get3A_4 = vector.load %arg1[%get3A_2, %get3A_3] : memref<2000x128xf32, #tpu.memory_space<vmem>>, vector<2000x128xf32>
    %convert_element_type3A_5 = arith.truncf %get3A_4 : vector<2000x128xf32> to vector<2000x128xbf16>
    %get3A_6 = arith.constant 0 : index
    %get3A_7 = arith.constant 0 : index
    %get3A_8 = vector.load %arg3[%get3A_6, %get3A_7] : memref<128x2048xbf16, #tpu.memory_space<vmem>>, vector<128x512xbf16>
    %get3A_9 = arith.constant 0 : index
    %get3A_10 = arith.constant 0 : index
    %get3A_11 = vector.load %arg4[%get3A_9, %get3A_10] : memref<128x2048xbf16, #tpu.memory_space<vmem>>, vector<128x512xbf16>
    %get3A_12 = arith.constant 0 : index
    %get3A_13 = arith.constant 0 : index
    %get3A_14 = vector.load %arg6[%get3A_12, %get3A_13] : memref<2048x128xbf16, #tpu.memory_space<vmem>>, vector<512x32xbf16>
    %dot_general3A = arith.constant dense<0.000000e+00> : vector<2000x512xf32>
    %dot_general3A_15 = tpu.matmul %convert_element_type3A, %get3A_8, %dot_general3A {dimension_numbers = #tpu.dot_dimension_numbers<[1], [0], [0], [1], [0, 0, 1, 1], [], []>, transpose_lhs_hint = false} : vector<2000x128xbf16>, vector<128x512xbf16>, vector<2000x512xf32> -> vector<2000x512xf32>
    %dot_general3A_16 = arith.constant dense<0.000000e+00> : vector<2000x512xf32>
    %dot_general3A_17 = tpu.matmul %convert_element_type3A_5, %get3A_11, %dot_general3A_16 {dimension_numbers = #tpu.dot_dimension_numbers<[1], [0], [0], [1], [0, 0, 1, 1], [], []>, transpose_lhs_hint = false} : vector<2000x128xbf16>, vector<128x512xbf16>, vector<2000x512xf32> -> vector<2000x512xf32>
    %get3A_18 = arith.constant 0 : index
    %get3A_19 = arith.constant 0 : index
    %get3A_20 = vector.load %arg5[%get3A_18, %get3A_19] : memref<1x2048xf32, #tpu.memory_space<vmem>>, vector<1x512xf32>
    %add3A = vector.broadcast %get3A_20 : vector<1x512xf32> to vector<2000x512xf32>
    %add3A_21 = arith.addf %dot_general3A_17, %add3A : vector<2000x512xf32>
    %convert_element_type3A_22 = arith.truncf %add3A_21 : vector<2000x512xf32> to vector<2000x512xbf16>
    %convert_element_type3A_23 = arith.extf %convert_element_type3A_22 : vector<2000x512xbf16> to vector<2000x512xf32>
    %mul3A = arith.mulf %dot_general3A_15, %convert_element_type3A_23 : vector<2000x512xf32>
    %convert_element_type3A_24 = arith.truncf %mul3A : vector<2000x512xf32> to vector<2000x512xbf16>
    %convert_element_type3A_25 = arith.extf %convert_element_type3A_24 : vector<2000x512xbf16> to vector<2000x512xf32>
    %sub3A = arith.subf %mul3A, %convert_element_type3A_25 : vector<2000x512xf32>
    %convert_element_type3A_26 = arith.truncf %sub3A : vector<2000x512xf32> to vector<2000x512xbf16>
    %dot_general3A_27 = arith.constant dense<0.000000e+00> : vector<2000x32xf32>
    %dot_general3A_28 = tpu.matmul %convert_element_type3A_24, %get3A_14, %dot_general3A_27 {dimension_numbers = #tpu.dot_dimension_numbers<[1], [0], [0], [1], [0, 0, 1, 1], [], []>, transpose_lhs_hint = false} : vector<2000x512xbf16>, vector<512x32xbf16>, vector<2000x32xf32> -> vector<2000x32xf32>
    %dot_general3A_29 = arith.constant dense<0.000000e+00> : vector<2000x32xf32>
    %dot_general3A_30 = tpu.matmul %convert_element_type3A_26, %get3A_14, %dot_general3A_29 {dimension_numbers = #tpu.dot_dimension_numbers<[1], [0], [0], [1], [0, 0, 1, 1], [], []>, transpose_lhs_hint = false} : vector<2000x512xbf16>, vector<512x32xbf16>, vector<2000x32xf32> -> vector<2000x32xf32>
    %add3A_31 = arith.addf %dot_general3A_28, %dot_general3A_30 : vector<2000x32xf32>
    %swap3A = arith.constant 0 : index
    %swap3A_32 = arith.constant 0 : index
    %swap3A_33 = vector.load %arg7[%swap3A, %swap3A_32] : memref<2000x128xf32, #tpu.memory_space<vmem>>, vector<2000x32xf32>
    tpu.vector_store %arg7[%swap3A, %swap3A_32], %add3A_31 {strides = array<i32>} : memref<2000x128xf32, #tpu.memory_space<vmem>>, vector<2000x32xf32>,
    %get3A_34 = arith.constant 0 : index
    %get3A_35 = arith.constant 512 : index
    %get3A_36 = vector.load %arg3[%get3A_34, %get3A_35] : memref<128x2048xbf16, #tpu.memory_space<vmem>>, vector<128x512xbf16>
    %get3A_37 = arith.constant 0 : index
    %get3A_38 = arith.constant 512 : index
    %get3A_39 = vector.load %arg4[%get3A_37, %get3A_38] : memref<128x2048xbf16, #tpu.memory_space<vmem>>, vector<128x512xbf16>
    %get3A_40 = arith.constant 512 : index
    %get3A_41 = arith.constant 32 : index
    %get3A_42 = vector.load %arg6[%get3A_40, %get3A_41] : memref<2048x128xbf16, #tpu.memory_space<vmem>>, vector<512x32xbf16>
    %dot_general3A_43 = arith.constant dense<0.000000e+00> : vector<2000x512xf32>
    %dot_general3A_44 = tpu.matmul %convert_element_type3A, %get3A_36, %dot_general3A_43 {dimension_numbers = #tpu.dot_dimension_numbers<[1], [0], [0], [1], [0, 0, 1, 1], [], []>, transpose_lhs_hint = false} : vector<2000x128xbf16>, vector<128x512xbf16>, vector<2000x512xf32> -> vector<2000x512xf32>
    %dot_general3A_45 = arith.constant dense<0.000000e+00> : vector<2000x512xf32>
    %dot_general3A_46 = tpu.matmul %convert_element_type3A_5, %get3A_39, %dot_general3A_45 {dimension_numbers = #tpu.dot_dimension_numbers<[1], [0], [0], [1], [0, 0, 1, 1], [], []>, transpose_lhs_hint = false} : vector<2000x128xbf16>, vector<128x512xbf16>, vector<2000x512xf32> -> vector<2000x512xf32>
    %get3A_47 = arith.constant 0 : index
    %get3A_48 = arith.constant 512 : index
    %get3A_49 = vector.load %arg5[%get3A_47, %get3A_48] : memref<1x2048xf32, #tpu.memory_space<vmem>>, vector<1x512xf32>
    %add3A_50 = vector.broadcast %get3A_49 : vector<1x512xf32> to vector<2000x512xf32>
    %add3A_51 = arith.addf %dot_general3A_46, %add3A_50 : vector<2000x512xf32>
    %convert_element_type3A_52 = arith.truncf %add3A_51 : vector<2000x512xf32> to vector<2000x512xbf16>
    %convert_element_type3A_53 = arith.extf %convert_element_type3A_52 : vector<2000x512xbf16> to vector<2000x512xf32>
    %mul3A_54 = arith.mulf %dot_general3A_44, %convert_element_type3A_53 : vector<2000x512xf32>
    %convert_element_type3A_55 = arith.truncf %mul3A_54 : vector<2000x512xf32> to vector<2000x512xbf16>
    %convert_element_type3A_56 = arith.extf %convert_element_type3A_55 : vector<2000x512xbf16> to vector<2000x512xf32>
    %sub3A_57 = arith.subf %mul3A_54, %convert_element_type3A_56 : vector<2000x512xf32>
    %convert_element_type3A_58 = arith.truncf %sub3A_57 : vector<2000x512xf32> to vector<2000x512xbf16>
    %dot_general3A_59 = arith.constant dense<0.000000e+00> : vector<2000x32xf32>
    %dot_general3A_60 = tpu.matmul %convert_element_type3A_55, %get3A_42, %dot_general3A_59 {dimension_numbers = #tpu.dot_dimension_numbers<[1], [0], [0], [1], [0, 0, 1, 1], [], []>, transpose_lhs_hint = false} : vector<2000x512xbf16>, vector<512x32xbf16>, vector<2000x32xf32> -> vector<2000x32xf32>
    %dot_general3A_61 = arith.constant dense<0.000000e+00> : vector<2000x32xf32>
    %dot_general3A_62 = tpu.matmul %convert_element_type3A_58, %get3A_42, %dot_general3A_61 {dimension_numbers = #tpu.dot_dimension_numbers<[1], [0], [0], [1], [0, 0, 1, 1], [], []>, transpose_lhs_hint = false} : vector<2000x512xbf16>, vector<512x32xbf16>, vector<2000x32xf32> -> vector<2000x32xf32>
    %add3A_63 = arith.addf %dot_general3A_60, %dot_general3A_62 : vector<2000x32xf32>
    %swap3A_64 = arith.constant 0 : index
    %swap3A_65 = arith.constant 32 : index
    %swap3A_66 = vector.load %arg7[%swap3A_64, %swap3A_65] : memref<2000x128xf32, #tpu.memory_space<vmem>>, vector<2000x32xf32>
    tpu.vector_store %arg7[%swap3A_64, %swap3A_65], %add3A_63 {strides = array<i32>} : memref<2000x128xf32, #tpu.memory_space<vmem>>, vector<2000x32xf32>,
    %get3A_67 = arith.constant 0 : index
    %get3A_68 = arith.constant 1024 : index
    %get3A_69 = vector.load %arg3[%get3A_67, %get3A_68] : memref<128x2048xbf16, #tpu.memory_space<vmem>>, vector<128x512xbf16>
    %get3A_70 = arith.constant 0 : index
    %get3A_71 = arith.constant 1024 : index
    %get3A_72 = vector.load %arg4[%get3A_70, %get3A_71] : memref<128x2048xbf16, #tpu.memory_space<vmem>>, vector<128x512xbf16>
    %get3A_73 = arith.constant 1024 : index
    %get3A_74 = arith.constant 64 : index
    %get3A_75 = vector.load %arg6[%get3A_73, %get3A_74] : memref<2048x128xbf16, #tpu.memory_space<vmem>>, vector<512x32xbf16>
    %dot_general3A_76 = arith.constant dense<0.000000e+00> : vector<2000x512xf32>
    %dot_general3A_77 = tpu.matmul %convert_element_type3A, %get3A_69, %dot_general3A_76 {dimension_numbers = #tpu.dot_dimension_numbers<[1], [0], [0], [1], [0, 0, 1, 1], [], []>, transpose_lhs_hint = false} : vector<2000x128xbf16>, vector<128x512xbf16>, vector<2000x512xf32> -> vector<2000x512xf32>
    %dot_general3A_78 = arith.constant dense<0.000000e+00> : vector<2000x512xf32>
    %dot_general3A_79 = tpu.matmul %convert_element_type3A_5, %get3A_72, %dot_general3A_78 {dimension_numbers = #tpu.dot_dimension_numbers<[1], [0], [0], [1], [0, 0, 1, 1], [], []>, transpose_lhs_hint = false} : vector<2000x128xbf16>, vector<128x512xbf16>, vector<2000x512xf32> -> vector<2000x512xf32>
    %get3A_80 = arith.constant 0 : index
    %get3A_81 = arith.constant 1024 : index
    %get3A_82 = vector.load %arg5[%get3A_80, %get3A_81] : memref<1x2048xf32, #tpu.memory_space<vmem>>, vector<1x512xf32>
    %add3A_83 = vector.broadcast %get3A_82 : vector<1x512xf32> to vector<2000x512xf32>
    %add3A_84 = arith.addf %dot_general3A_79, %add3A_83 : vector<2000x512xf32>
    %convert_element_type3A_85 = arith.truncf %add3A_84 : vector<2000x512xf32> to vector<2000x512xbf16>
    %convert_element_type3A_86 = arith.extf %convert_element_type3A_85 : vector<2000x512xbf16> to vector<2000x512xf32>
    %mul3A_87 = arith.mulf %dot_general3A_77, %convert_element_type3A_86 : vector<2000x512xf32>
    %convert_element_type3A_88 = arith.truncf %mul3A_87 : vector<2000x512xf32> to vector<2000x512xbf16>
    %convert_element_type3A_89 = arith.extf %convert_element_type3A_88 : vector<2000x512xbf16> to vector<2000x512xf32>
    %sub3A_90 = arith.subf %mul3A_87, %convert_element_type3A_89 : vector<2000x512xf32>
    %convert_element_type3A_91 = arith.truncf %sub3A_90 : vector<2000x512xf32> to vector<2000x512xbf16>
    %dot_general3A_92 = arith.constant dense<0.000000e+00> : vector<2000x32xf32>
    %dot_general3A_93 = tpu.matmul %convert_element_type3A_88, %get3A_75, %dot_general3A_92 {dimension_numbers = #tpu.dot_dimension_numbers<[1], [0], [0], [1], [0, 0, 1, 1], [], []>, transpose_lhs_hint = false} : vector<2000x512xbf16>, vector<512x32xbf16>, vector<2000x32xf32> -> vector<2000x32xf32>
    %dot_general3A_94 = arith.constant dense<0.000000e+00> : vector<2000x32xf32>
    %dot_general3A_95 = tpu.matmul %convert_element_type3A_91, %get3A_75, %dot_general3A_94 {dimension_numbers = #tpu.dot_dimension_numbers<[1], [0], [0], [1], [0, 0, 1, 1], [], []>, transpose_lhs_hint = false} : vector<2000x512xbf16>, vector<512x32xbf16>, vector<2000x32xf32> -> vector<2000x32xf32>
    %add3A_96 = arith.addf %dot_general3A_93, %dot_general3A_95 : vector<2000x32xf32>
    %swap3A_97 = arith.constant 0 : index
    %swap3A_98 = arith.constant 64 : index
    %swap3A_99 = vector.load %arg7[%swap3A_97, %swap3A_98] : memref<2000x128xf32, #tpu.memory_space<vmem>>, vector<2000x32xf32>
    tpu.vector_store %arg7[%swap3A_97, %swap3A_98], %add3A_96 {strides = array<i32>} : memref<2000x128xf32, #tpu.memory_space<vmem>>, vector<2000x32xf32>,
    %get3A_100 = arith.constant 0 : index
    %get3A_101 = arith.constant 1536 : index
    %get3A_102 = vector.load %arg3[%get3A_100, %get3A_101] : memref<128x2048xbf16, #tpu.memory_space<vmem>>, vector<128x512xbf16>
    %get3A_103 = arith.constant 0 : index
    %get3A_104 = arith.constant 1536 : index
    %get3A_105 = vector.load %arg4[%get3A_103, %get3A_104] : memref<128x2048xbf16, #tpu.memory_space<vmem>>, vector<128x512xbf16>
    %get3A_106 = arith.constant 1536 : index
    %get3A_107 = arith.constant 96 : index
    %get3A_108 = vector.load %arg6[%get3A_106, %get3A_107] : memref<2048x128xbf16, #tpu.memory_space<vmem>>, vector<512x32xbf16>
    %dot_general3A_109 = arith.constant dense<0.000000e+00> : vector<2000x512xf32>
    %dot_general3A_110 = tpu.matmul %convert_element_type3A, %get3A_102, %dot_general3A_109 {dimension_numbers = #tpu.dot_dimension_numbers<[1], [0], [0], [1], [0, 0, 1, 1], [], []>, transpose_lhs_hint = false} : vector<2000x128xbf16>, vector<128x512xbf16>, vector<2000x512xf32> -> vector<2000x512xf32>
    %dot_general3A_111 = arith.constant dense<0.000000e+00> : vector<2000x512xf32>
    %dot_general3A_112 = tpu.matmul %convert_element_type3A_5, %get3A_105, %dot_general3A_111 {dimension_numbers = #tpu.dot_dimension_numbers<[1], [0], [0], [1], [0, 0, 1, 1], [], []>, transpose_lhs_hint = false} : vector<2000x128xbf16>, vector<128x512xbf16>, vector<2000x512xf32> -> vector<2000x512xf32>
    %get3A_113 = arith.constant 0 : index
    %get3A_114 = arith.constant 1536 : index
    %get3A_115 = vector.load %arg5[%get3A_113, %get3A_114] : memref<1x2048xf32, #tpu.memory_space<vmem>>, vector<1x512xf32>
    %add3A_116 = vector.broadcast %get3A_115 : vector<1x512xf32> to vector<2000x512xf32>
    %add3A_117 = arith.addf %dot_general3A_112, %add3A_116 : vector<2000x512xf32>
    %convert_element_type3A_118 = arith.truncf %add3A_117 : vector<2000x512xf32> to vector<2000x512xbf16>
    %convert_element_type3A_119 = arith.extf %convert_element_type3A_118 : vector<2000x512xbf16> to vector<2000x512xf32>
    %mul3A_120 = arith.mulf %dot_general3A_110, %convert_element_type3A_119 : vector<2000x512xf32>
    %convert_element_type3A_121 = arith.truncf %mul3A_120 : vector<2000x512xf32> to vector<2000x512xbf16>
    %convert_element_type3A_122 = arith.extf %convert_element_type3A_121 : vector<2000x512xbf16> to vector<2000x512xf32>
    %sub3A_123 = arith.subf %mul3A_120, %convert_element_type3A_122 : vector<2000x512xf32>
    %convert_element_type3A_124 = arith.truncf %sub3A_123 : vector<2000x512xf32> to vector<2000x512xbf16>
    %dot_general3A_125 = arith.constant dense<0.000000e+00> : vector<2000x32xf32>
    %dot_general3A_126 = tpu.matmul %convert_element_type3A_121, %get3A_108, %dot_general3A_125 {dimension_numbers = #tpu.dot_dimension_numbers<[1], [0], [0], [1], [0, 0, 1, 1], [], []>, transpose_lhs_hint = false} : vector<2000x512xbf16>, vector<512x32xbf16>, vector<2000x32xf32> -> vector<2000x32xf32>
    %dot_general3A_127 = arith.constant dense<0.000000e+00> : vector<2000x32xf32>
    %dot_general3A_128 = tpu.matmul %convert_element_type3A_124, %get3A_108, %dot_general3A_127 {dimension_numbers = #tpu.dot_dimension_numbers<[1], [0], [0], [1], [0, 0, 1, 1], [], []>, transpose_lhs_hint = false} : vector<2000x512xbf16>, vector<512x32xbf16>, vector<2000x32xf32> -> vector<2000x32xf32>
    %add3A_129 = arith.addf %dot_general3A_126, %dot_general3A_128 : vector<2000x32xf32>
    %swap3A_130 = arith.constant 0 : index
    %swap3A_131 = arith.constant 96 : index
    %swap3A_132 = vector.load %arg7[%swap3A_130, %swap3A_131] : memref<2000x128xf32, #tpu.memory_space<vmem>>, vector<2000x32xf32>
    tpu.vector_store %arg7[%swap3A_130, %swap3A_131], %add3A_129 {strides = array<i32>} : memref<2000x128xf32, #tpu.memory_space<vmem>>, vector<2000x32xf32>,
    return
  }
  func.func @transform_0(%arg0: i32) -> (i32, i32) {
    %c0_i32 = arith.constant 0 : i32
    %c0_i32_0 = arith.constant 0 : i32
    return %arg0, %c0_i32 : i32, i32
  }
  func.func @transform_1(%arg0: i32) -> (i32, i32) {
    %c0_i32 = arith.constant 0 : i32
    %c0_i32_0 = arith.constant 0 : i32
    return %arg0, %c0_i32 : i32, i32
  }
  func.func @transform_2(%arg0: i32) -> (i32, i32) {
    %c0_i32 = arith.constant 0 : i32
    %c0_i32_0 = arith.constant 0 : i32
    %c0_i32_1 = arith.constant 0 : i32
    return %c0_i32, %c0_i32_0 : i32, i32
  }
  func.func @transform_3(%arg0: i32) -> (i32, i32) {
    %c0_i32 = arith.constant 0 : i32
    %c0_i32_0 = arith.constant 0 : i32
    %c0_i32_1 = arith.constant 0 : i32
    return %c0_i32, %c0_i32_0 : i32, i32
  }
  func.func @transform_4(%arg0: i32) -> (i32, i32) {
    %c0_i32 = arith.constant 0 : i32
    %c0_i32_0 = arith.constant 0 : i32
    %c0_i32_1 = arith.constant 0 : i32
    return %c0_i32, %c0_i32_0 : i32, i32
  }
  func.func @transform_5(%arg0: i32) -> (i32, i32) {
    %c0_i32 = arith.constant 0 : i32
    %c0_i32_0 = arith.constant 0 : i32
    %c0_i32_1 = arith.constant 0 : i32
    return %c0_i32, %c0_i32_0 : i32, i32
  }
  func.func @transform_6(%arg0: i32) -> (i32, i32) {
    %c0_i32 = arith.constant 0 : i32
    %c0_i32_0 = arith.constant 0 : i32
    return %arg0, %c0_i32 : i32, i32
  }
}

module attributes {stable_mosaic.version = 14 : i64} {
  func.func @_gru_body(%arg0: i32, %arg1: memref<1x1250x128xf32, #tpu.memory_space<vmem>>, %arg2: memref<1x1250x128xf32, #tpu.memory_space<vmem>>, %arg3: memref<1250x128xf32, #tpu.memory_space<vmem>>, %arg4: memref<1x128xf32, #tpu.memory_space<vmem>>, %arg5: memref<128x128xf32, #tpu.memory_space<vmem>>, %arg6: memref<128x128xf32, #tpu.memory_space<vmem>>, %arg7: memref<128x128xf32, #tpu.memory_space<vmem>>, %arg8: memref<128x128xf32, #tpu.memory_space<vmem>>, %arg9: memref<128x128xf32, #tpu.memory_space<vmem>>, %arg10: memref<128x128xf32, #tpu.memory_space<vmem>>, %arg11: memref<1x128xf32, #tpu.memory_space<vmem>>, %arg12: memref<1x128xf32, #tpu.memory_space<vmem>>, %arg13: memref<1x128xf32, #tpu.memory_space<vmem>>, %arg14: memref<1x128xf32, #tpu.memory_space<vmem>>, %arg15: memref<1250x128xf32, #tpu.memory_space<vmem>>) attributes {dimension_semantics = [#tpu.dimension_semantics<arbitrary>], iteration_bounds = array<i64: 1>, scalar_prefetch = 0 : i64, scratch_operands = 0 : i64, tpu.core_type = #tpu.core_type<tc>, window_params = [{transform_indices = @transform_0, window_bounds = array<i64: 1, 1250, 128>}, {transform_indices = @transform_1, window_bounds = array<i64: 1, 1250, 128>}, {pipeline_mode = #tpu.pipeline_mode<synchronous>, transform_indices = @transform_2, window_bounds = array<i64: 1250, 128>}, {pipeline_mode = #tpu.pipeline_mode<synchronous>, transform_indices = @transform_3, window_bounds = array<i64: 1, 128>}, {pipeline_mode = #tpu.pipeline_mode<synchronous>, transform_indices = @transform_4, window_bounds = array<i64: 128, 128>}, {pipeline_mode = #tpu.pipeline_mode<synchronous>, transform_indices = @transform_5, window_bounds = array<i64: 128, 128>}, {pipeline_mode = #tpu.pipeline_mode<synchronous>, transform_indices = @transform_6, window_bounds = array<i64: 128, 128>}, {pipeline_mode = #tpu.pipeline_mode<synchronous>, transform_indices = @transform_7, window_bounds = array<i64: 128, 128>}, {pipeline_mode = #tpu.pipeline_mode<synchronous>, transform_indices = @transform_8, window_bounds = array<i64: 128, 128>}, {pipeline_mode = #tpu.pipeline_mode<synchronous>, transform_indices = @transform_9, window_bounds = array<i64: 128, 128>}, {pipeline_mode = #tpu.pipeline_mode<synchronous>, transform_indices = @transform_10, window_bounds = array<i64: 1, 128>}, {pipeline_mode = #tpu.pipeline_mode<synchronous>, transform_indices = @transform_11, window_bounds = array<i64: 1, 128>}, {pipeline_mode = #tpu.pipeline_mode<synchronous>, transform_indices = @transform_12, window_bounds = array<i64: 1, 128>}, {pipeline_mode = #tpu.pipeline_mode<synchronous>, transform_indices = @transform_13, window_bounds = array<i64: 1, 128>}, {pipeline_mode = #tpu.pipeline_mode<synchronous>, transform_indices = @transform_14, window_bounds = array<i64: 1250, 128>}]} {
    %get3A = arith.constant 0 : index
    %get3A_0 = arith.constant 0 : index
    %get3A_1 = arith.constant 0 : index
    %get3A_2 = vector.load %arg1[%get3A, %get3A_0, %get3A_1] : memref<1x1250x128xf32, #tpu.memory_space<vmem>>, vector<1x1250x128xf32>
    %get3A_3 = vector.shape_cast %get3A_2 : vector<1x1250x128xf32> to vector<1250x128xf32>
    %get3A_4 = arith.constant 0 : index
    %get3A_5 = arith.constant 0 : index
    %get3A_6 = arith.constant 0 : index
    %get3A_7 = vector.load %arg2[%get3A_4, %get3A_5, %get3A_6] : memref<1x1250x128xf32, #tpu.memory_space<vmem>>, vector<1x1250x128xf32>
    %get3A_8 = vector.shape_cast %get3A_7 : vector<1x1250x128xf32> to vector<1250x128xf32>
    %add3A = arith.addf %get3A_3, %get3A_8 : vector<1250x128xf32>
    %get3A_9 = arith.constant 0 : index
    %get3A_10 = arith.constant 0 : index
    %get3A_11 = vector.load %arg4[%get3A_9, %get3A_10] : memref<1x128xf32, #tpu.memory_space<vmem>>, vector<1x128xf32>
    %add3A_12 = vector.broadcast %get3A_11 : vector<1x128xf32> to vector<1250x128xf32>
    %add3A_13 = arith.addf %add3A, %add3A_12 : vector<1250x128xf32>
    %max3A = arith.constant 0.000000e+00 : f32
    %max3A_14 = vector.broadcast %max3A : f32 to vector<1250x128xf32>
    %max3A_15 = arith.maximumf %add3A_13, %max3A_14 : vector<1250x128xf32>
    %get3A_16 = arith.constant 0 : index
    %get3A_17 = arith.constant 0 : index
    %get3A_18 = vector.load %arg3[%get3A_16, %get3A_17] : memref<1250x128xf32, #tpu.memory_space<vmem>>, vector<1250x128xf32>
    %get3A_19 = arith.constant 0 : index
    %get3A_20 = arith.constant 0 : index
    %get3A_21 = vector.load %arg5[%get3A_19, %get3A_20] : memref<128x128xf32, #tpu.memory_space<vmem>>, vector<128x128xf32>
    %convert_element_type3A = arith.truncf %max3A_15 : vector<1250x128xf32> to vector<1250x128xbf16>
    %convert_element_type3A_22 = arith.truncf %get3A_21 : vector<128x128xf32> to vector<128x128xbf16>
    %dot_general3A = arith.constant dense<0.000000e+00> : vector<1250x128xf32>
    %dot_general3A_23 = tpu.matmul %convert_element_type3A, %convert_element_type3A_22, %dot_general3A {dimension_numbers = #tpu.dot_dimension_numbers<[1], [0], [0], [1], [0, 0, 1, 1], [], []>, transpose_lhs_hint = false} : vector<1250x128xbf16>, vector<128x128xbf16>, vector<1250x128xf32> -> vector<1250x128xf32>
    %get3A_24 = arith.constant 0 : index
    %get3A_25 = arith.constant 0 : index
    %get3A_26 = vector.load %arg8[%get3A_24, %get3A_25] : memref<128x128xf32, #tpu.memory_space<vmem>>, vector<128x128xf32>
    %convert_element_type3A_27 = arith.truncf %get3A_18 : vector<1250x128xf32> to vector<1250x128xbf16>
    %convert_element_type3A_28 = arith.truncf %get3A_26 : vector<128x128xf32> to vector<128x128xbf16>
    %dot_general3A_29 = arith.constant dense<0.000000e+00> : vector<1250x128xf32>
    %dot_general3A_30 = tpu.matmul %convert_element_type3A_27, %convert_element_type3A_28, %dot_general3A_29 {dimension_numbers = #tpu.dot_dimension_numbers<[1], [0], [0], [1], [0, 0, 1, 1], [], []>, transpose_lhs_hint = false} : vector<1250x128xbf16>, vector<128x128xbf16>, vector<1250x128xf32> -> vector<1250x128xf32>
    %add3A_31 = arith.addf %dot_general3A_23, %dot_general3A_30 : vector<1250x128xf32>
    %get3A_32 = arith.constant 0 : index
    %get3A_33 = arith.constant 0 : index
    %get3A_34 = vector.load %arg11[%get3A_32, %get3A_33] : memref<1x128xf32, #tpu.memory_space<vmem>>, vector<1x128xf32>
    %add3A_35 = vector.broadcast %get3A_34 : vector<1x128xf32> to vector<1250x128xf32>
    %add3A_36 = arith.addf %add3A_31, %add3A_35 : vector<1250x128xf32>
    %logistic3A = arith.negf %add3A_36 : vector<1250x128xf32>
    %logistic3A_37 = math.exp %logistic3A : vector<1250x128xf32>
    %logistic3A_38 = arith.constant 1.000000e+00 : f32
    %logistic3A_39 = vector.broadcast %logistic3A_38 : f32 to vector<1250x128xf32>
    %logistic3A_40 = arith.addf %logistic3A_39, %logistic3A_37 : vector<1250x128xf32>
    %logistic3A_41 = arith.divf %logistic3A_39, %logistic3A_40 : vector<1250x128xf32>
    %get3A_42 = arith.constant 0 : index
    %get3A_43 = arith.constant 0 : index
    %get3A_44 = vector.load %arg6[%get3A_42, %get3A_43] : memref<128x128xf32, #tpu.memory_space<vmem>>, vector<128x128xf32>
    %convert_element_type3A_45 = arith.truncf %max3A_15 : vector<1250x128xf32> to vector<1250x128xbf16>
    %convert_element_type3A_46 = arith.truncf %get3A_44 : vector<128x128xf32> to vector<128x128xbf16>
    %dot_general3A_47 = arith.constant dense<0.000000e+00> : vector<1250x128xf32>
    %dot_general3A_48 = tpu.matmul %convert_element_type3A_45, %convert_element_type3A_46, %dot_general3A_47 {dimension_numbers = #tpu.dot_dimension_numbers<[1], [0], [0], [1], [0, 0, 1, 1], [], []>, transpose_lhs_hint = false} : vector<1250x128xbf16>, vector<128x128xbf16>, vector<1250x128xf32> -> vector<1250x128xf32>
    %get3A_49 = arith.constant 0 : index
    %get3A_50 = arith.constant 0 : index
    %get3A_51 = vector.load %arg9[%get3A_49, %get3A_50] : memref<128x128xf32, #tpu.memory_space<vmem>>, vector<128x128xf32>
    %convert_element_type3A_52 = arith.truncf %get3A_18 : vector<1250x128xf32> to vector<1250x128xbf16>
    %convert_element_type3A_53 = arith.truncf %get3A_51 : vector<128x128xf32> to vector<128x128xbf16>
    %dot_general3A_54 = arith.constant dense<0.000000e+00> : vector<1250x128xf32>
    %dot_general3A_55 = tpu.matmul %convert_element_type3A_52, %convert_element_type3A_53, %dot_general3A_54 {dimension_numbers = #tpu.dot_dimension_numbers<[1], [0], [0], [1], [0, 0, 1, 1], [], []>, transpose_lhs_hint = false} : vector<1250x128xbf16>, vector<128x128xbf16>, vector<1250x128xf32> -> vector<1250x128xf32>
    %add3A_56 = arith.addf %dot_general3A_48, %dot_general3A_55 : vector<1250x128xf32>
    %get3A_57 = arith.constant 0 : index
    %get3A_58 = arith.constant 0 : index
    %get3A_59 = vector.load %arg12[%get3A_57, %get3A_58] : memref<1x128xf32, #tpu.memory_space<vmem>>, vector<1x128xf32>
    %add3A_60 = vector.broadcast %get3A_59 : vector<1x128xf32> to vector<1250x128xf32>
    %add3A_61 = arith.addf %add3A_56, %add3A_60 : vector<1250x128xf32>
    %logistic3A_62 = arith.negf %add3A_61 : vector<1250x128xf32>
    %logistic3A_63 = math.exp %logistic3A_62 : vector<1250x128xf32>
    %logistic3A_64 = arith.constant 1.000000e+00 : f32
    %logistic3A_65 = vector.broadcast %logistic3A_64 : f32 to vector<1250x128xf32>
    %logistic3A_66 = arith.addf %logistic3A_65, %logistic3A_63 : vector<1250x128xf32>
    %logistic3A_67 = arith.divf %logistic3A_65, %logistic3A_66 : vector<1250x128xf32>
    %get3A_68 = arith.constant 0 : index
    %get3A_69 = arith.constant 0 : index
    %get3A_70 = vector.load %arg7[%get3A_68, %get3A_69] : memref<128x128xf32, #tpu.memory_space<vmem>>, vector<128x128xf32>
    %convert_element_type3A_71 = arith.truncf %max3A_15 : vector<1250x128xf32> to vector<1250x128xbf16>
    %convert_element_type3A_72 = arith.truncf %get3A_70 : vector<128x128xf32> to vector<128x128xbf16>
    %dot_general3A_73 = arith.constant dense<0.000000e+00> : vector<1250x128xf32>
    %dot_general3A_74 = tpu.matmul %convert_element_type3A_71, %convert_element_type3A_72, %dot_general3A_73 {dimension_numbers = #tpu.dot_dimension_numbers<[1], [0], [0], [1], [0, 0, 1, 1], [], []>, transpose_lhs_hint = false} : vector<1250x128xbf16>, vector<128x128xbf16>, vector<1250x128xf32> -> vector<1250x128xf32>
    %get3A_75 = arith.constant 0 : index
    %get3A_76 = arith.constant 0 : index
    %get3A_77 = vector.load %arg13[%get3A_75, %get3A_76] : memref<1x128xf32, #tpu.memory_space<vmem>>, vector<1x128xf32>
    %add3A_78 = vector.broadcast %get3A_77 : vector<1x128xf32> to vector<1250x128xf32>
    %add3A_79 = arith.addf %dot_general3A_74, %add3A_78 : vector<1250x128xf32>
    %get3A_80 = arith.constant 0 : index
    %get3A_81 = arith.constant 0 : index
    %get3A_82 = vector.load %arg10[%get3A_80, %get3A_81] : memref<128x128xf32, #tpu.memory_space<vmem>>, vector<128x128xf32>
    %convert_element_type3A_83 = arith.truncf %get3A_18 : vector<1250x128xf32> to vector<1250x128xbf16>
    %convert_element_type3A_84 = arith.truncf %get3A_82 : vector<128x128xf32> to vector<128x128xbf16>
    %dot_general3A_85 = arith.constant dense<0.000000e+00> : vector<1250x128xf32>
    %dot_general3A_86 = tpu.matmul %convert_element_type3A_83, %convert_element_type3A_84, %dot_general3A_85 {dimension_numbers = #tpu.dot_dimension_numbers<[1], [0], [0], [1], [0, 0, 1, 1], [], []>, transpose_lhs_hint = false} : vector<1250x128xbf16>, vector<128x128xbf16>, vector<1250x128xf32> -> vector<1250x128xf32>
    %get3A_87 = arith.constant 0 : index
    %get3A_88 = arith.constant 0 : index
    %get3A_89 = vector.load %arg14[%get3A_87, %get3A_88] : memref<1x128xf32, #tpu.memory_space<vmem>>, vector<1x128xf32>
    %add3A_90 = vector.broadcast %get3A_89 : vector<1x128xf32> to vector<1250x128xf32>
    %add3A_91 = arith.addf %dot_general3A_86, %add3A_90 : vector<1250x128xf32>
    %mul3A = arith.mulf %logistic3A_41, %add3A_91 : vector<1250x128xf32>
    %add3A_92 = arith.addf %add3A_79, %mul3A : vector<1250x128xf32>
    %tanh3A = math.tanh %add3A_92 : vector<1250x128xf32>
    %sub3A = arith.constant 1.000000e+00 : f32
    %sub3A_93 = vector.broadcast %sub3A : f32 to vector<1250x128xf32>
    %sub3A_94 = arith.subf %sub3A_93, %logistic3A_67 : vector<1250x128xf32>
    %mul3A_95 = arith.mulf %sub3A_94, %tanh3A : vector<1250x128xf32>
    %mul3A_96 = arith.mulf %logistic3A_67, %get3A_18 : vector<1250x128xf32>
    %add3A_97 = arith.addf %mul3A_95, %mul3A_96 : vector<1250x128xf32>
    %swap3A = arith.constant 0 : index
    %swap3A_98 = arith.constant 0 : index
    %swap3A_99 = vector.load %arg15[%swap3A, %swap3A_98] : memref<1250x128xf32, #tpu.memory_space<vmem>>, vector<1250x128xf32>
    tpu.vector_store %arg15[%swap3A, %swap3A_98], %add3A_97 {strides = array<i32>} : memref<1250x128xf32, #tpu.memory_space<vmem>>, vector<1250x128xf32>,
    return
  }
  func.func @transform_0(%arg0: i32) -> (i32, i32, i32) {
    %c0_i32 = arith.constant 0 : i32
    %c0_i32_0 = arith.constant 0 : i32
    %c0_i32_1 = arith.constant 0 : i32
    %c0_i32_2 = arith.constant 0 : i32
    return %c0_i32, %c0_i32_0, %c0_i32_1 : i32, i32, i32
  }
  func.func @transform_1(%arg0: i32) -> (i32, i32, i32) {
    %c1_i32 = arith.constant 1 : i32
    %c0_i32 = arith.constant 0 : i32
    %c0_i32_0 = arith.constant 0 : i32
    %c0_i32_1 = arith.constant 0 : i32
    return %c1_i32, %c0_i32, %c0_i32_0 : i32, i32, i32
  }
  func.func @transform_2(%arg0: i32) -> (i32, i32) {
    %c0_i32 = arith.constant 0 : i32
    %c0_i32_0 = arith.constant 0 : i32
    %c0_i32_1 = arith.constant 0 : i32
    return %c0_i32, %c0_i32_0 : i32, i32
  }
  func.func @transform_3(%arg0: i32) -> (i32, i32) {
    %c0_i32 = arith.constant 0 : i32
    %c0_i32_0 = arith.constant 0 : i32
    %c0_i32_1 = arith.constant 0 : i32
    return %c0_i32, %c0_i32_0 : i32, i32
  }
  func.func @transform_4(%arg0: i32) -> (i32, i32) {
    %c0_i32 = arith.constant 0 : i32
    %c0_i32_0 = arith.constant 0 : i32
    %c0_i32_1 = arith.constant 0 : i32
    return %c0_i32, %c0_i32_0 : i32, i32
  }
  func.func @transform_5(%arg0: i32) -> (i32, i32) {
    %c0_i32 = arith.constant 0 : i32
    %c0_i32_0 = arith.constant 0 : i32
    %c0_i32_1 = arith.constant 0 : i32
    return %c0_i32, %c0_i32_0 : i32, i32
  }
  func.func @transform_6(%arg0: i32) -> (i32, i32) {
    %c0_i32 = arith.constant 0 : i32
    %c0_i32_0 = arith.constant 0 : i32
    %c0_i32_1 = arith.constant 0 : i32
    return %c0_i32, %c0_i32_0 : i32, i32
  }
  func.func @transform_7(%arg0: i32) -> (i32, i32) {
    %c0_i32 = arith.constant 0 : i32
    %c0_i32_0 = arith.constant 0 : i32
    %c0_i32_1 = arith.constant 0 : i32
    return %c0_i32, %c0_i32_0 : i32, i32
  }
  func.func @transform_8(%arg0: i32) -> (i32, i32) {
    %c0_i32 = arith.constant 0 : i32
    %c0_i32_0 = arith.constant 0 : i32
    %c0_i32_1 = arith.constant 0 : i32
    return %c0_i32, %c0_i32_0 : i32, i32
  }
  func.func @transform_9(%arg0: i32) -> (i32, i32) {
    %c0_i32 = arith.constant 0 : i32
    %c0_i32_0 = arith.constant 0 : i32
    %c0_i32_1 = arith.constant 0 : i32
    return %c0_i32, %c0_i32_0 : i32, i32
  }
  func.func @transform_10(%arg0: i32) -> (i32, i32) {
    %c0_i32 = arith.constant 0 : i32
    %c0_i32_0 = arith.constant 0 : i32
    %c0_i32_1 = arith.constant 0 : i32
    return %c0_i32, %c0_i32_0 : i32, i32
  }
  func.func @transform_11(%arg0: i32) -> (i32, i32) {
    %c0_i32 = arith.constant 0 : i32
    %c0_i32_0 = arith.constant 0 : i32
    %c0_i32_1 = arith.constant 0 : i32
    return %c0_i32, %c0_i32_0 : i32, i32
  }
  func.func @transform_12(%arg0: i32) -> (i32, i32) {
    %c0_i32 = arith.constant 0 : i32
    %c0_i32_0 = arith.constant 0 : i32
    %c0_i32_1 = arith.constant 0 : i32
    return %c0_i32, %c0_i32_0 : i32, i32
  }
  func.func @transform_13(%arg0: i32) -> (i32, i32) {
    %c0_i32 = arith.constant 0 : i32
    %c0_i32_0 = arith.constant 0 : i32
    %c0_i32_1 = arith.constant 0 : i32
    return %c0_i32, %c0_i32_0 : i32, i32
  }
  func.func @transform_14(%arg0: i32) -> (i32, i32) {
    %c0_i32 = arith.constant 0 : i32
    %c0_i32_0 = arith.constant 0 : i32
    %c0_i32_1 = arith.constant 0 : i32
    return %c0_i32, %c0_i32_0 : i32, i32
  }
}

module attributes {stable_mosaic.version = 14 : i64} {
  func.func @_cls_body(%arg0: i32, %arg1: memref<2000x16xf32, #tpu.memory_space<vmem>>, %arg2: memref<2000x16xf32, #tpu.memory_space<vmem>>, %arg3: memref<16x1024xbf16, #tpu.memory_space<vmem>>, %arg4: memref<16x1024xbf16, #tpu.memory_space<vmem>>, %arg5: memref<1x1024xf32, #tpu.memory_space<vmem>>, %arg6: memref<1024x1024xbf16, #tpu.memory_space<vmem>>, %arg7: memref<1x1024xf32, #tpu.memory_space<vmem>>, %arg8: memref<1024x206xbf16, #tpu.memory_space<vmem>>, %arg9: memref<1x206xf32, #tpu.memory_space<vmem>>, %arg10: memref<2000x206xf32, #tpu.memory_space<vmem>>) attributes {dimension_semantics = [#tpu.dimension_semantics<arbitrary>], iteration_bounds = array<i64: 5>, scalar_prefetch = 0 : i64, scratch_operands = 0 : i64, tpu.core_type = #tpu.core_type<tc>, window_params = [{transform_indices = @transform_0, window_bounds = array<i64: 2000, 16>}, {transform_indices = @transform_1, window_bounds = array<i64: 2000, 16>}, {pipeline_mode = #tpu.pipeline_mode<synchronous>, transform_indices = @transform_2, window_bounds = array<i64: 16, 1024>}, {pipeline_mode = #tpu.pipeline_mode<synchronous>, transform_indices = @transform_3, window_bounds = array<i64: 16, 1024>}, {pipeline_mode = #tpu.pipeline_mode<synchronous>, transform_indices = @transform_4, window_bounds = array<i64: 1, 1024>}, {pipeline_mode = #tpu.pipeline_mode<synchronous>, transform_indices = @transform_5, window_bounds = array<i64: 1024, 1024>}, {pipeline_mode = #tpu.pipeline_mode<synchronous>, transform_indices = @transform_6, window_bounds = array<i64: 1, 1024>}, {pipeline_mode = #tpu.pipeline_mode<synchronous>, transform_indices = @transform_7, window_bounds = array<i64: 1024, 206>}, {pipeline_mode = #tpu.pipeline_mode<synchronous>, transform_indices = @transform_8, window_bounds = array<i64: 1, 206>}, {transform_indices = @transform_9, window_bounds = array<i64: 2000, 206>}]} {
    %get3A = arith.constant 0 : index
    %get3A_0 = arith.constant 0 : index
    %get3A_1 = vector.load %arg1[%get3A, %get3A_0] : memref<2000x16xf32, #tpu.memory_space<vmem>>, vector<2000x16xf32>
    %convert_element_type3A = arith.truncf %get3A_1 : vector<2000x16xf32> to vector<2000x16xbf16>
    %get3A_2 = arith.constant 0 : index
    %get3A_3 = arith.constant 0 : index
    %get3A_4 = vector.load %arg3[%get3A_2, %get3A_3] : memref<16x1024xbf16, #tpu.memory_space<vmem>>, vector<16x1024xbf16>
    %dot_general3A = arith.constant dense<0.000000e+00> : vector<2000x1024xf32>
    %dot_general3A_5 = tpu.matmul %convert_element_type3A, %get3A_4, %dot_general3A {dimension_numbers = #tpu.dot_dimension_numbers<[1], [0], [0], [1], [0, 0, 1, 1], [], []>, transpose_lhs_hint = false} : vector<2000x16xbf16>, vector<16x1024xbf16>, vector<2000x1024xf32> -> vector<2000x1024xf32>
    %get3A_6 = arith.constant 0 : index
    %get3A_7 = arith.constant 0 : index
    %get3A_8 = vector.load %arg2[%get3A_6, %get3A_7] : memref<2000x16xf32, #tpu.memory_space<vmem>>, vector<2000x16xf32>
    %convert_element_type3A_9 = arith.truncf %get3A_8 : vector<2000x16xf32> to vector<2000x16xbf16>
    %get3A_10 = arith.constant 0 : index
    %get3A_11 = arith.constant 0 : index
    %get3A_12 = vector.load %arg4[%get3A_10, %get3A_11] : memref<16x1024xbf16, #tpu.memory_space<vmem>>, vector<16x1024xbf16>
    %dot_general3A_13 = arith.constant dense<0.000000e+00> : vector<2000x1024xf32>
    %dot_general3A_14 = tpu.matmul %convert_element_type3A_9, %get3A_12, %dot_general3A_13 {dimension_numbers = #tpu.dot_dimension_numbers<[1], [0], [0], [1], [0, 0, 1, 1], [], []>, transpose_lhs_hint = false} : vector<2000x16xbf16>, vector<16x1024xbf16>, vector<2000x1024xf32> -> vector<2000x1024xf32>
    %add3A = arith.addf %dot_general3A_5, %dot_general3A_14 : vector<2000x1024xf32>
    %get3A_15 = arith.constant 0 : index
    %get3A_16 = arith.constant 0 : index
    %get3A_17 = vector.load %arg5[%get3A_15, %get3A_16] : memref<1x1024xf32, #tpu.memory_space<vmem>>, vector<1x1024xf32>
    %add3A_18 = vector.broadcast %get3A_17 : vector<1x1024xf32> to vector<2000x1024xf32>
    %add3A_19 = arith.addf %add3A, %add3A_18 : vector<2000x1024xf32>
    %max3A = arith.constant 0.000000e+00 : f32
    %max3A_20 = vector.broadcast %max3A : f32 to vector<2000x1024xf32>
    %max3A_21 = arith.maximumf %add3A_19, %max3A_20 : vector<2000x1024xf32>
    %convert_element_type3A_22 = arith.truncf %max3A_21 : vector<2000x1024xf32> to vector<2000x1024xbf16>
    %get3A_23 = arith.constant 0 : index
    %get3A_24 = arith.constant 0 : index
    %get3A_25 = vector.load %arg6[%get3A_23, %get3A_24] : memref<1024x1024xbf16, #tpu.memory_space<vmem>>, vector<1024x1024xbf16>
    %dot_general3A_26 = arith.constant dense<0.000000e+00> : vector<2000x1024xf32>
    %dot_general3A_27 = tpu.matmul %convert_element_type3A_22, %get3A_25, %dot_general3A_26 {dimension_numbers = #tpu.dot_dimension_numbers<[1], [0], [0], [1], [0, 0, 1, 1], [], []>, transpose_lhs_hint = false} : vector<2000x1024xbf16>, vector<1024x1024xbf16>, vector<2000x1024xf32> -> vector<2000x1024xf32>
    %get3A_28 = arith.constant 0 : index
    %get3A_29 = arith.constant 0 : index
    %get3A_30 = vector.load %arg7[%get3A_28, %get3A_29] : memref<1x1024xf32, #tpu.memory_space<vmem>>, vector<1x1024xf32>
    %add3A_31 = vector.broadcast %get3A_30 : vector<1x1024xf32> to vector<2000x1024xf32>
    %add3A_32 = arith.addf %dot_general3A_27, %add3A_31 : vector<2000x1024xf32>
    %max3A_33 = arith.constant 0.000000e+00 : f32
    %max3A_34 = vector.broadcast %max3A_33 : f32 to vector<2000x1024xf32>
    %max3A_35 = arith.maximumf %add3A_32, %max3A_34 : vector<2000x1024xf32>
    %convert_element_type3A_36 = arith.truncf %max3A_35 : vector<2000x1024xf32> to vector<2000x1024xbf16>
    %get3A_37 = arith.constant 0 : index
    %get3A_38 = arith.constant 0 : index
    %get3A_39 = vector.load %arg8[%get3A_37, %get3A_38] : memref<1024x206xbf16, #tpu.memory_space<vmem>>, vector<1024x206xbf16>
    %dot_general3A_40 = arith.constant dense<0.000000e+00> : vector<2000x206xf32>
    %dot_general3A_41 = tpu.matmul %convert_element_type3A_36, %get3A_39, %dot_general3A_40 {dimension_numbers = #tpu.dot_dimension_numbers<[1], [0], [0], [1], [0, 0, 1, 1], [], []>, transpose_lhs_hint = false} : vector<2000x1024xbf16>, vector<1024x206xbf16>, vector<2000x206xf32> -> vector<2000x206xf32>
    %get3A_42 = arith.constant 0 : index
    %get3A_43 = arith.constant 0 : index
    %get3A_44 = vector.load %arg9[%get3A_42, %get3A_43] : memref<1x206xf32, #tpu.memory_space<vmem>>, vector<1x206xf32>
    %add3A_45 = vector.broadcast %get3A_44 : vector<1x206xf32> to vector<2000x206xf32>
    %add3A_46 = arith.addf %dot_general3A_41, %add3A_45 : vector<2000x206xf32>
    %swap3A = arith.constant 0 : index
    %swap3A_47 = arith.constant 0 : index
    %swap3A_48 = vector.load %arg10[%swap3A, %swap3A_47] : memref<2000x206xf32, #tpu.memory_space<vmem>>, vector<2000x206xf32>
    tpu.vector_store %arg10[%swap3A, %swap3A_47], %add3A_46 {strides = array<i32>} : memref<2000x206xf32, #tpu.memory_space<vmem>>, vector<2000x206xf32>,
    return
  }
  func.func @transform_0(%arg0: i32) -> (i32, i32) {
    %c0_i32 = arith.constant 0 : i32
    %c0_i32_0 = arith.constant 0 : i32
    return %arg0, %c0_i32 : i32, i32
  }
  func.func @transform_1(%arg0: i32) -> (i32, i32) {
    %c0_i32 = arith.constant 0 : i32
    %c0_i32_0 = arith.constant 0 : i32
    return %arg0, %c0_i32 : i32, i32
  }
  func.func @transform_2(%arg0: i32) -> (i32, i32) {
    %c0_i32 = arith.constant 0 : i32
    %c0_i32_0 = arith.constant 0 : i32
    %c0_i32_1 = arith.constant 0 : i32
    return %c0_i32, %c0_i32_0 : i32, i32
  }
  func.func @transform_3(%arg0: i32) -> (i32, i32) {
    %c0_i32 = arith.constant 0 : i32
    %c0_i32_0 = arith.constant 0 : i32
    %c0_i32_1 = arith.constant 0 : i32
    return %c0_i32, %c0_i32_0 : i32, i32
  }
  func.func @transform_4(%arg0: i32) -> (i32, i32) {
    %c0_i32 = arith.constant 0 : i32
    %c0_i32_0 = arith.constant 0 : i32
    %c0_i32_1 = arith.constant 0 : i32
    return %c0_i32, %c0_i32_0 : i32, i32
  }
  func.func @transform_5(%arg0: i32) -> (i32, i32) {
    %c0_i32 = arith.constant 0 : i32
    %c0_i32_0 = arith.constant 0 : i32
    %c0_i32_1 = arith.constant 0 : i32
    return %c0_i32, %c0_i32_0 : i32, i32
  }
  func.func @transform_6(%arg0: i32) -> (i32, i32) {
    %c0_i32 = arith.constant 0 : i32
    %c0_i32_0 = arith.constant 0 : i32
    %c0_i32_1 = arith.constant 0 : i32
    return %c0_i32, %c0_i32_0 : i32, i32
  }
  func.func @transform_7(%arg0: i32) -> (i32, i32) {
    %c0_i32 = arith.constant 0 : i32
    %c0_i32_0 = arith.constant 0 : i32
    %c0_i32_1 = arith.constant 0 : i32
    return %c0_i32, %c0_i32_0 : i32, i32
  }
  func.func @transform_8(%arg0: i32) -> (i32, i32) {
    %c0_i32 = arith.constant 0 : i32
    %c0_i32_0 = arith.constant 0 : i32
    %c0_i32_1 = arith.constant 0 : i32
    return %c0_i32, %c0_i32_0 : i32, i32
  }
  func.func @transform_9(%arg0: i32) -> (i32, i32) {
    %c0_i32 = arith.constant 0 : i32
    %c0_i32_0 = arith.constant 0 : i32
    return %arg0, %c0_i32 : i32, i32
  }
}

</mosaic_0001>

<sc_bundles>
// kernel: kernel.17.cloned.1.call-start
scs
__scs_entry_jumppad:
0x0: {  	(pc) =	sbr.rel $0x88, $3  }
0x1: {  	(tag) =	ssettag $0x0;
	lr =	simm.s32 $0x1  }
0x2: {  	[smem:$0x3F8E] =	sst lr;
	_ =	strace $0xD0000000  }
0x3: {  	_ = 	snop  }
0x4: {  	_ = 	snop  }
0x5: {  	_ = 	snop  }
0x6: {  	_ = 	snop  }
0x7: {  	_ = 	snop  }
__scs_overlays_trampoline_lowered:
0x8: {  	[smem:$0x3F9D] =	sst s0  }
0x9: {  	[smem:$0x3F9E] =	sst s1  }
0xa: {  	[smem:$0x3F9F] =	sst s2  }
0xb: {  	[smem:$0x3FA0] =	sst s3  }
0xc: {  	[smem:$0x3FA1] =	sst s4  }
0xd: {  	[smem:$0x3FA2] =	sst s5  }
0xe: {  	[smem:$0x3FA3] =	sst s6  }
0xf: {  	[smem:$0x3FA4] =	sst s7  }
0x10: {  	[smem:$0x3FA5] =	sst s8  }
0x11: {  	[smem:$0x3FA6] =	sst s9;
	s0 =	simm.s32 @!p0 $0x0  }
0x12: {  	s1 =	sld [smem:$0x3F8C];
	s0 =	simm.s32 @p0 $0x1  }
0x13: {  	[smem:$0x3FA7] =	sst s0;
	s0 =	simm.s32 @!p1 $0x0  }
0x14: {  	s2 =	sld [smem:$0x3F8B];
	s0 =	simm.s32 @p1 $0x1  }
0x15: {  	[smem:$0x3FA8] =	sst s0;
	s0 =	simm.s32 @!p2 $0x0  }
0x16: {  	s3 =	sld [smem:$0x3FDB];
	s0 =	simm.s32 @p2 $0x1  }
0x17: {  	s4 =	simm.s32 $0x1BF5;
	[smem:$0x3FAA] =	sst s0  }
0x18: {  	s0 =	sld [smem:$0x3F8D];
	_ =	swait.ge [sflag:s4], $0x0  }
0x19: {  	s7 =	sld [smem:$0x3F8E]  }
0x1a: {  	s8 =	sadd.s32 $0xFFFFE003, lr  }
0x1b: {  	s9 =	sadd.s32 $0xFFFFFEF7, lr;
	s5 =	simm.s32 $0xFFFFFFFF;
	p2 =	slt.u32 s8, $0xFFFFF086  }
0x1c: {  	p1 =	slt.u32 s9, $0xF7A;
	s5 =	simm.s32 @!p2 $0x0  }
0x1d: {  	s5 =	simm.s32 @p1 $0x1;
	p0 =	seq.s32 s7, s2  }
0x1e: {  	s7 =	smul.u32 @!p0 $0xF7A, s2;
	p2 =	seq.s32 @!p0 s5, $0x0  }
0x1f: {  	s9 =	smul.u32 $0xF7A, s1;
	s8 =	simm.s32 @!p0 $0x1BF5;
	p2 =	por !p2, p0  }
0x20: {  	[sflag:s8] =	ssyncset.s32 @!p0 $0xFFFFF086;
	s6 =	sadd.s32 @!p0 s3, s7;
	s7 =	simm.s32 @!p0 $0x108  }
0x21: {  	s3 =	sadd.s32 s3, s9;
	s6 =	sadd.s32 @!p0 $0x88, s6;
	s7 =	simm.s32 @p2 $0x1082  }
0x22: {  	[simem:s7], [sflag:s8] =	dma.local @!p0 [hbm:s6], $0xF7A  }
0x23: {  	s9 =	sor.u32 $0xD0000000, s2;
	s6 =	simm.s32 $0x108;
	_ =	swait.ge @!p0 [sflag:s8], $0x0  }
0x24: {  	s3 =	sadd.s32 $0x88, s3;
	s6 =	simm.s32 @!p1 $0x1082;
	[sflag:s4] =	ssyncset.s32 $0xFFFFF086  }
0x25: {  	[simem:s6], [sflag:s4] =	dma.local [hbm:s3], $0xF7A  }
0x26: {  	[smem:$0x3F8E] =	sst s1;
	(tag) =	ssettag s2;
	_ =	strace s9  }
0x27: {  	s1 =	sld [smem:$0x3F9E]  }
0x28: {  	s2 =	sld [smem:$0x3F9F]  }
0x29: {  	s4 =	sld [smem:$0x3FA1]  }
0x2a: {  	p0 =	seq.s32 s5, $0x0;
	s5 =	sld [smem:$0x3FA2]  }
0x2b: {  	s6 =	sld [smem:$0x3FA3]  }
0x2c: {  	s7 =	sld [smem:$0x3FA4]  }
0x2d: {  	s3 =	simm.s32 $0x108;
	s8 =	sld [smem:$0x3FA5]  }
0x2e: {  	s3 =	simm.s32 @!p0 $0x1082;
	s9 =	sld [smem:$0x3FA6]  }
0x2f: {  	lr =	sadd.s32 s0, s3;
	s0 =	sld [smem:$0x3F9D]  }
0x30: {  	s3 =	sld [smem:$0x3FA0]  }
0x31: {  	[smem:$0x3FA9] =	sst s10  }
0x32: {  	s10 =	sld [smem:$0x3FA7];
	_ =	sdelay $0x3  }
0x33: {  	p0 =	seq.s32 s10, $0x1;
	s10 =	sld [smem:$0x3FA9];
	_ =	sdelay $0x3  }
0x34: {  	[smem:$0x3FA9] =	sst s10  }
0x35: {  	s10 =	sld [smem:$0x3FA8];
	_ =	sdelay $0x3  }
0x36: {  	p1 =	seq.s32 s10, $0x1;
	s10 =	sld [smem:$0x3FA9];
	_ =	sdelay $0x3  }
0x37: {  	[smem:$0x3FA9] =	sst s10  }
0x38: {  	s10 =	sld [smem:$0x3FAA]  }
0x39: {  	_ = 	snop;
	(pc) =	sbr.ind lr, $3  }
0x3a: {  	_ = 	snop  }
0x3b: {  	_ = 	snop  }
0x3c: {  	p2 =	seq.s32 s10, $0x1;
	s10 =	sld [smem:$0x3FA9]  }
0x3d: {  	_ =	shalt  }
0x3e: {  	_ =	shalt  }
0x3f: {  	_ =	shalt  }
0x40: {  	_ =	shalt  }
0x41: {  	_ =	shalt  }
0x42: {  	_ =	shalt  }
0x43: {  	_ =	shalt  }
0x44: {  	_ =	shalt  }
0x45: {  	_ =	shalt  }
0x46: {  	_ =	shalt  }
0x47: {  	_ =	shalt  }
0x48: {  	_ =	shalt  }
0x49: {  	_ =	shalt  }
0x4a: {  	_ =	shalt  }
0x4b: {  	_ =	shalt  }
0x4c: {  	_ =	shalt  }
0x4d: {  	_ =	shalt  }
0x4e: {  	_ =	shalt  }
0x4f: {  	_ =	shalt  }
0x50: {  	_ =	shalt  }
0x51: {  	_ =	shalt  }
0x52: {  	_ =	shalt  }
0x53: {  	_ =	shalt  }
0x54: {  	_ =	shalt  }
0x55: {  	_ =	shalt  }
0x56: {  	_ =	shalt  }
0x57: {  	_ =	shalt  }
0x58: {  	_ =	shalt  }
0x59: {  	_ =	shalt  }
0x5a: {  	_ =	shalt  }
0x5b: {  	_ =	shalt  }
0x5c: {  	_ =	shalt  }
0x5d: {  	_ =	shalt  }
0x5e: {  	_ =	shalt  }
0x5f: {  	_ =	shalt  }
0x60: {  	_ =	shalt  }
0x61: {  	_ =	shalt  }
0x62: {  	_ =	shalt  }
0x63: {  	_ =	shalt  }
0x64: {  	_ =	shalt  }
0x65: {  	_ =	shalt  }
0x66: {  	_ =	shalt  }
0x67: {  	_ =	shalt  }
0x68: {  	_ =	shalt  }
0x69: {  	_ =	shalt  }
0x6a: {  	_ =	shalt  }
0x6b: {  	_ =	shalt  }
0x6c: {  	_ =	shalt  }
0x6d: {  	_ =	shalt  }
0x6e: {  	_ =	shalt  }
0x6f: {  	_ =	shalt  }
0x70: {  	_ =	shalt  }
0x71: {  	_ =	shalt  }
0x72: {  	_ =	shalt  }
0x73: {  	_ =	shalt  }
0x74: {  	_ =	shalt  }
0x75: {  	_ =	shalt  }
0x76: {  	_ =	shalt  }
0x77: {  	_ =	shalt  }
0x78: {  	_ =	shalt  }
0x79: {  	_ =	shalt  }
0x7a: {  	_ =	shalt  }
0x7b: {  	_ =	shalt  }
0x7c: {  	_ =	shalt  }
0x7d: {  	_ =	shalt  }
0x7e: {  	_ =	shalt  }
0x7f: {  	_ =	shalt  }
0x80: {  	_ =	shalt  }
0x81: {  	_ =	shalt  }
0x82: {  	_ =	shalt  }
0x83: {  	_ =	shalt  }
0x84: {  	_ =	shalt  }
0x85: {  	_ =	shalt  }
0x86: {  	_ =	shalt  }
0x87: {  	_ =	shalt  }
.Lfunc_end0:
.L_simem_size_0:
called_computation_lowered:
.L_overlay_start_0:
0x88: {  	s2 =	sld [smem:$0x3FD9]  }
0x89: {  	s3 =	sld [smem:$0x3FFE];
	_ =	sdelay $0x1  }
0x8a: {  	s1 =	srdreg.scid  }
0x8b: {  	s0 =	sand.u32 $0x1, s1  }
0x8c: {  	s16 =	sshll.u32 s0, $0xA;
	s2 =	sadd.s32 s3, s2  }
0x8d: {  	s2 =	sadd.s32 s2, s16  }
0x8e: {  	[smem:$0x3FB5] =	sst s2  }
0x8f: {  	_ = 	snop  }
0x90: {  	(tm) =	ssettm $0x1  }
0x91: {  	s17 =	sld [smem:$0x3FFB];
	_ =	sdelay $0x3  }
0x92: {  	_ =	strace s17  }
0x93: {  	s2 =	sld [smem:$0x3FFC];
	_ =	sdelay $0x3  }
0x94: {  	_ =	strace s2  }
0x95: {  	s2 =	sld [smem:$0x3FFD];
	_ =	sdelay $0x3  }
0x96: {  	_ =	strace s2  }
0x97: {  	_ =	strace $0x8FFFFFFF  }
0x98: {  	s18 =	sld [smem:$0x3FDB];
	_ =	sdelay $0x1  }
0x99: {  	s19 =	simm.s32 $_scs_section_size  }
0x9a: {  	s4 =	simm.s32 $_size__tile_overlayer_lowered;
	s5 =	simm.s32 $_tile_overlayer_lowered  }
0x9b: {  	s22 =	simm.s32 $0x1BFF;
	s21 =	sshll.u32 s5, $0x1;
	s2 =	sadd.s32 s19, s18  }
0x9c: {  	s6 =	simm.s32 $0x0;
	s20 =	sshll.u32 s4, $0x1;
	s4 =	sadd.s32 s21, s2  }
0x9d: {  	[timem:s6], [sflag:s22] =	dma.local [hbm:s4], s20  }
0x9e: {  	_ =	swait.ge [sflag:s22], s20  }
0x9f: {  	s3 =	ssub.s32 $0x0, s20;
	[sflag:s22] =	ssyncset.done $0x0  }
0xa0: {  	[sflag:s22] =	ssyncadd.s32 s3;
	_ =	sdelay $0x1  }
0xa1: {  	s23 =	simm.s32 $0x1B8B  }
0xa2: {  	_ =	swait.ge [sflag:s23], $0x1  }
0xa3: {  	[sflag:s23] =	ssyncset.done $0x0  }
0xa4: {  	s25 =	simm.s32 $0x1B8E;
	s24 =	sld [smem:$0x3FFE];
	[sflag:s23] =	ssyncadd.s32 $0xFFFFFFFF  }
0xa5: {  	s26 =	simm.s32 $execute0_lowered;
	[smem:$0x3FD2] =	sst s25  }
0xa6: {  	s4 =	sshll.u32 s26, $0x1;
	_ =	strace $0x80000046;
	[dreg:$0x1] =	wrdreg $0xFFFFFFFF  }
0xa7: {  	s28 =	simm.s32 $_size_execute0_lowered;
	s2 =	sadd.s32 s2, s4;
	[dreg:$0x0] =	wrdreg $0x0  }
0xa8: {  	s4 =	sshll.u32 s28, $0x1;
	[dreg:$0x2] =	wrdreg s2  }
0xa9: {  	[dreg:$0x3] =	wrdreg s4  }
0xaa: {  	[dreg:$0x4] =	wrdreg $0xC0  }
0xab: {  	_ =	task [dreg:s6], $0x5FFFF  }
0xac: {  	[dreg:$0x1] =	wrdreg $0xFFFFFFFF  }
0xad: {  	[dreg:$0x0] =	wrdreg $0x60  }
0xae: {  	[dreg:$0x2] =	wrdreg s24  }
0xaf: {  	[dreg:$0x3] =	wrdreg $0x9  }
0xb0: {  	_ =	task.clear_ibuf [dreg:s6], $0x4FFFF;
	_ =	strace $0x90000046  }
0xb1: {  	s29 =	simm.s32 $0x9;
	_ =	strace $0x80000048  }
0xb2: {  	_ =	swait.ge [sflag:s29], $0x1  }
0xb3: {  	[sflag:s29] =	ssyncadd.s32 $0xFFFFFFFF  }
0xb4: {  	_ =	strace $0x90000048  }
0xb5: {  	_ =	sfence  }
0xb6: {  	s30 =	sld [smem:$0x0];
	_ =	sdelay $0x2  }
0xb7: {  	s31 =	sshll.u32 s1, $0xD;
	s1 =	sshrl.u32 s1, $0x2  }
0xb8: {  	s3 =	sand.u32 $0x4000, s31;
	s1 =	sadd.s32 s1, s30  }
0xb9: {  	s0 =	sor.u32 s3, s0;
	s1 =	sshll.u32 s1, $0x11  }
0xba: {  	s0 =	sor.u32 s1, s0  }
0xbb: {  	s0 =	sadd.s32 $0x8F2B, s0  }
0xbc: {  	[sflag:s0] =	ssyncadd.remote.s32 $0x1  }
0xbd: {  	_ =	sfence.sel $0xFFFF  }
0xbe: {  	[dreg:$0x0] =	wrdreg $0xFFFFFFFF;
	(pc) =	sbr.abs _section_cstart, $3  }
0xbf: {  	[dreg:$0x1] =	wrdreg $0xFFFFFFFF  }
0xc0: {  	_ =	task.clear_ibuf [dreg:s6], $0x2FFFF;
	_ =	strace $0x9FFFFFFF  }
0xc1: {  	(tm) =	ssettm $0x7FFFFFFF  }
tec
execute0_lowered:
.L_overlay_start_1:
0x0: {  	(tag) =	ssettag $0x1  }
0x1: {  	s0 =	srdreg.scid;
	s5 =	rddreg [dreg:$0x0]  }
0x2: {  	s2 =	simm.s32 $0x0;
	s8 =	simm.s32 $0x7D;
	s4 =	sand.u32 $0x1, s0  }
0x3: {  	s9 =	simm.s32 $0x1;
	s0 =	stileid.u32;
	s1 =	sshll.u32 s4, $0x4  }
0x4: {  	s10 =	simm.s32 $0x1400;
	s11 =	simm.s32 $0x0;
	s3 =	sor.u32 s0, s1  }
0x5: {  	[smem:$0x7FF] =	sst s2;
	s4 =	ssub.s32 $0x2, s4;
	s6 =	smul.u32 $0x280, s3  }
0x6: {  	s1 =	rddreg [dreg:$0x1];
	_ =	strace $0x80000047;
	s7 =	smul.u32 $0x2710, s3  }
0x7: {  	s31 =	sshrl.u32 s4, $0x1;
	s3 =	sadd.s32 $0xE600, s5;
	s6 =	sadd.s32 s6, s5  }
0x8: {  	s5 =	sadd.s32 s7, s5;
	s7 =	ssub.s32 s4, s31;
	s4 =	sadd.s32 $0x9600, s6  }
0x9: {  	s5 =	sadd.s32 $0x13600, s5;
	s6 =	smax.u32 s7, $0x1;
	s7 =	simm.s32 $0x2  }
.LBB2_1:
0xa: {  	[tilespmem:s2], [sflag:$0x2] =	stream.linear.gather [hbm4b:s4+s2], $0x1400, $0x38;
	[tilespmem:$0x14C80] =	vst v63  }
0xb: {  	_ =	swait.ge [sflag:s7], $0x1400  }
0xc: {  	s12 =	simm.s32 $0x200;
	s15 =	simm.s32 $0x0;
	[sflag:s7] =	ssyncset.done $0x0  }
0xd: {  	s13 =	simm.s32 $0x1BD0;
	s14 =	simm.s32 $0x1400;
	[sflag:s7] =	ssyncadd.s32 $0xFFFFEC00  }
.LBB2_2:
0xe: {  	[tilespmem:s14], [sflag:$0x1] =	stream.indirect.gather [hbm4b:s3+s8], $0x10, s15, s8, $0xb8;
	[tilespmem:$0x14C80] =	vst v63  }
0xf: {  	s15 =	smov.u32 s12;
	s14 =	smov.u32 s13;
	p0 =	sne.s32 s12, $0x4E00  }
.Ltmp0:
0x10: {  	s12 =	sadd.s32 $0x200, s12;
	(pc) =	sbr.rel @p0 .LBB2_2-.Ltmp0, $2  }
0x11: {  	_ =	sdelay $0x2  }
0x12: {  	s13 =	sadd.s32 $0x7D0, s13;
	s15 =	sshra.s32 s15, $0x2  }
0x13: {  	[tilespmem:s14], [sflag:$0x1] =	stream.indirect.gather [hbm4b:s3+s8], $0x10, s15, s8, $0xb8;
	[tilespmem:$0x14C80] =	vst v63  }
0x14: {  	s11 =	sadd.s32 $0x1, s11;
	_ =	swait.ge [sflag:s9], $0x13880  }
0x15: {  	p0 =	sne.s32 s11, s6;
	[sflag:s9] =	ssyncset.done $0x0  }
.Ltmp1:
0x16: {  	[sflag:s9] =	ssyncadd.s32 $0xFFFEC780;
	(pc) =	sbr.rel @p0 .LBB2_1-.Ltmp1, $4  }
0x17: {  	[hbm4b:s5+s2] =	stream.linear.scatter [tilespmem:s10], [sflag:$0x2], $0x13880, $0x38;
	[tilespmem:$0x14C80] =	vst v63  }
0x18: {  	_ =	swait.ge [sflag:s7], $0x13880  }
0x19: {  	[sflag:s7] =	ssyncset.done $0x0  }
0x1a: {  	[sflag:s7] =	ssyncadd.s32 $0xFFFEC780  }
0x1b: {  	_ =	sfence.sel $0x180000  }
0x1c: {  	[bflag:$0x0] =	sbarrier.arrive $0xFFFF  }
0x1d: {  	p0 =	sne.s32 s0, $0x0;
	_ =	strace $0x90000047  }
0x1e: {  	s0 =	sadd.s32 @!p0 $0x100000, s1;
	[bflag:$0x2] =	sbarrier.arrive $0xFFFF  }
0x1f: {  	[sflag:s0] =	ssyncadd.tile.s32 @!p0 $0x1;
	_ =	shalt  }
.Lfunc_end2:
_tile_overlayer_lowered:
.L_overlay_start_2:
0x20: {  	(tag) =	ssettag $0x2  }
0x21: {  	s0 =	rddreg [dreg:$0x0];
	s2 =	stileid.u32  }
0x22: {  	s1 =	rddreg [dreg:$0x1];
	p0 =	sne.s32 s2, $0x0  }
0x23: {  	s3 =	rddreg [dreg:$0x2];
	[bflag:$0x3] =	sbarrier.arrive $0xFFFF;
	s2 =	simm.s32 @!p0 $0x1C02  }
0x24: {  	[timem:s3], [sflag:s2] =	dma.local @!p0 [hbm:s0], s1  }
0x25: {  	s0 =	simm.s32 @!p0 $0x2  }
0x26: {  	_ =	swait.ge @!p0 [sflag:s0], s1  }
0x27: {  	s1 =	ssub.s32 @!p0 $0x0, s1;
	[sflag:s0] =	ssyncset.done @!p0 $0x0  }
0x28: {  	[sflag:s0] =	ssyncadd.s32 @!p0 s1  }
0x29: {  	[bflag:$0x3] =	sbarrier.arrive $0xFFFF  }
0x2a: {  	_ =	shalt  }

// kernel: kernel.20.cloned.1.call-start
scs
__scs_entry_jumppad:
0x0: {  	(pc) =	sbr.rel $0x88, $3  }
0x1: {  	(tag) =	ssettag $0x0;
	lr =	simm.s32 $0x1  }
0x2: {  	[smem:$0x3F8E] =	sst lr;
	_ =	strace $0xD0000000  }
0x3: {  	_ = 	snop  }
0x4: {  	_ = 	snop  }
0x5: {  	_ = 	snop  }
0x6: {  	_ = 	snop  }
0x7: {  	_ = 	snop  }
__scs_overlays_trampoline_lowered:
0x8: {  	[smem:$0x3F9D] =	sst s0  }
0x9: {  	[smem:$0x3F9E] =	sst s1  }
0xa: {  	[smem:$0x3F9F] =	sst s2  }
0xb: {  	[smem:$0x3FA0] =	sst s3  }
0xc: {  	[smem:$0x3FA1] =	sst s4  }
0xd: {  	[smem:$0x3FA2] =	sst s5  }
0xe: {  	[smem:$0x3FA3] =	sst s6  }
0xf: {  	[smem:$0x3FA4] =	sst s7  }
0x10: {  	[smem:$0x3FA5] =	sst s8  }
0x11: {  	[smem:$0x3FA6] =	sst s9;
	s0 =	simm.s32 @!p0 $0x0  }
0x12: {  	s1 =	sld [smem:$0x3F8C];
	s0 =	simm.s32 @p0 $0x1  }
0x13: {  	[smem:$0x3FA7] =	sst s0;
	s0 =	simm.s32 @!p1 $0x0  }
0x14: {  	s2 =	sld [smem:$0x3F8B];
	s0 =	simm.s32 @p1 $0x1  }
0x15: {  	[smem:$0x3FA8] =	sst s0;
	s0 =	simm.s32 @!p2 $0x0  }
0x16: {  	s3 =	sld [smem:$0x3FDB];
	s0 =	simm.s32 @p2 $0x1  }
0x17: {  	s4 =	simm.s32 $0x1BF5;
	[smem:$0x3FAA] =	sst s0  }
0x18: {  	s0 =	sld [smem:$0x3F8D];
	_ =	swait.ge [sflag:s4], $0x0  }
0x19: {  	s7 =	sld [smem:$0x3F8E]  }
0x1a: {  	s8 =	sadd.s32 $0xFFFFE003, lr  }
0x1b: {  	s9 =	sadd.s32 $0xFFFFFEF7, lr;
	s5 =	simm.s32 $0xFFFFFFFF;
	p2 =	slt.u32 s8, $0xFFFFF086  }
0x1c: {  	p1 =	slt.u32 s9, $0xF7A;
	s5 =	simm.s32 @!p2 $0x0  }
0x1d: {  	s5 =	simm.s32 @p1 $0x1;
	p0 =	seq.s32 s7, s2  }
0x1e: {  	s7 =	smul.u32 @!p0 $0xF7A, s2;
	p2 =	seq.s32 @!p0 s5, $0x0  }
0x1f: {  	s9 =	smul.u32 $0xF7A, s1;
	s8 =	simm.s32 @!p0 $0x1BF5;
	p2 =	por !p2, p0  }
0x20: {  	[sflag:s8] =	ssyncset.s32 @!p0 $0xFFFFF086;
	s6 =	sadd.s32 @!p0 s3, s7;
	s7 =	simm.s32 @!p0 $0x108  }
0x21: {  	s3 =	sadd.s32 s3, s9;
	s6 =	sadd.s32 @!p0 $0x88, s6;
	s7 =	simm.s32 @p2 $0x1082  }
0x22: {  	[simem:s7], [sflag:s8] =	dma.local @!p0 [hbm:s6], $0xF7A  }
0x23: {  	s9 =	sor.u32 $0xD0000000, s2;
	s6 =	simm.s32 $0x108;
	_ =	swait.ge @!p0 [sflag:s8], $0x0  }
0x24: {  	s3 =	sadd.s32 $0x88, s3;
	s6 =	simm.s32 @!p1 $0x1082;
	[sflag:s4] =	ssyncset.s32 $0xFFFFF086  }
0x25: {  	[simem:s6], [sflag:s4] =	dma.local [hbm:s3], $0xF7A  }
0x26: {  	[smem:$0x3F8E] =	sst s1;
	(tag) =	ssettag s2;
	_ =	strace s9  }
0x27: {  	s1 =	sld [smem:$0x3F9E]  }
0x28: {  	s2 =	sld [smem:$0x3F9F]  }
0x29: {  	s4 =	sld [smem:$0x3FA1]  }
0x2a: {  	p0 =	seq.s32 s5, $0x0;
	s5 =	sld [smem:$0x3FA2]  }
0x2b: {  	s6 =	sld [smem:$0x3FA3]  }
0x2c: {  	s7 =	sld [smem:$0x3FA4]  }
0x2d: {  	s3 =	simm.s32 $0x108;
	s8 =	sld [smem:$0x3FA5]  }
0x2e: {  	s3 =	simm.s32 @!p0 $0x1082;
	s9 =	sld [smem:$0x3FA6]  }
0x2f: {  	lr =	sadd.s32 s0, s3;
	s0 =	sld [smem:$0x3F9D]  }
0x30: {  	s3 =	sld [smem:$0x3FA0]  }
0x31: {  	[smem:$0x3FA9] =	sst s10  }
0x32: {  	s10 =	sld [smem:$0x3FA7];
	_ =	sdelay $0x3  }
0x33: {  	p0 =	seq.s32 s10, $0x1;
	s10 =	sld [smem:$0x3FA9];
	_ =	sdelay $0x3  }
0x34: {  	[smem:$0x3FA9] =	sst s10  }
0x35: {  	s10 =	sld [smem:$0x3FA8];
	_ =	sdelay $0x3  }
0x36: {  	p1 =	seq.s32 s10, $0x1;
	s10 =	sld [smem:$0x3FA9];
	_ =	sdelay $0x3  }
0x37: {  	[smem:$0x3FA9] =	sst s10  }
0x38: {  	s10 =	sld [smem:$0x3FAA]  }
0x39: {  	_ = 	snop;
	(pc) =	sbr.ind lr, $3  }
0x3a: {  	_ = 	snop  }
0x3b: {  	_ = 	snop  }
0x3c: {  	p2 =	seq.s32 s10, $0x1;
	s10 =	sld [smem:$0x3FA9]  }
0x3d: {  	_ =	shalt  }
0x3e: {  	_ =	shalt  }
0x3f: {  	_ =	shalt  }
0x40: {  	_ =	shalt  }
0x41: {  	_ =	shalt  }
0x42: {  	_ =	shalt  }
0x43: {  	_ =	shalt  }
0x44: {  	_ =	shalt  }
0x45: {  	_ =	shalt  }
0x46: {  	_ =	shalt  }
0x47: {  	_ =	shalt  }
0x48: {  	_ =	shalt  }
0x49: {  	_ =	shalt  }
0x4a: {  	_ =	shalt  }
0x4b: {  	_ =	shalt  }
0x4c: {  	_ =	shalt  }
0x4d: {  	_ =	shalt  }
0x4e: {  	_ =	shalt  }
0x4f: {  	_ =	shalt  }
0x50: {  	_ =	shalt  }
0x51: {  	_ =	shalt  }
0x52: {  	_ =	shalt  }
0x53: {  	_ =	shalt  }
0x54: {  	_ =	shalt  }
0x55: {  	_ =	shalt  }
0x56: {  	_ =	shalt  }
0x57: {  	_ =	shalt  }
0x58: {  	_ =	shalt  }
0x59: {  	_ =	shalt  }
0x5a: {  	_ =	shalt  }
0x5b: {  	_ =	shalt  }
0x5c: {  	_ =	shalt  }
0x5d: {  	_ =	shalt  }
0x5e: {  	_ =	shalt  }
0x5f: {  	_ =	shalt  }
0x60: {  	_ =	shalt  }
0x61: {  	_ =	shalt  }
0x62: {  	_ =	shalt  }
0x63: {  	_ =	shalt  }
0x64: {  	_ =	shalt  }
0x65: {  	_ =	shalt  }
0x66: {  	_ =	shalt  }
0x67: {  	_ =	shalt  }
0x68: {  	_ =	shalt  }
0x69: {  	_ =	shalt  }
0x6a: {  	_ =	shalt  }
0x6b: {  	_ =	shalt  }
0x6c: {  	_ =	shalt  }
0x6d: {  	_ =	shalt  }
0x6e: {  	_ =	shalt  }
0x6f: {  	_ =	shalt  }
0x70: {  	_ =	shalt  }
0x71: {  	_ =	shalt  }
0x72: {  	_ =	shalt  }
0x73: {  	_ =	shalt  }
0x74: {  	_ =	shalt  }
0x75: {  	_ =	shalt  }
0x76: {  	_ =	shalt  }
0x77: {  	_ =	shalt  }
0x78: {  	_ =	shalt  }
0x79: {  	_ =	shalt  }
0x7a: {  	_ =	shalt  }
0x7b: {  	_ =	shalt  }
0x7c: {  	_ =	shalt  }
0x7d: {  	_ =	shalt  }
0x7e: {  	_ =	shalt  }
0x7f: {  	_ =	shalt  }
0x80: {  	_ =	shalt  }
0x81: {  	_ =	shalt  }
0x82: {  	_ =	shalt  }
0x83: {  	_ =	shalt  }
0x84: {  	_ =	shalt  }
0x85: {  	_ =	shalt  }
0x86: {  	_ =	shalt  }
0x87: {  	_ =	shalt  }
.Lfunc_end0:
.L_simem_size_0:
called_computation.1_lowered:
.L_overlay_start_0:
0x88: {  	s2 =	sld [smem:$0x3FD9]  }
0x89: {  	s3 =	sld [smem:$0x3FFE];
	_ =	sdelay $0x1  }
0x8a: {  	s1 =	srdreg.scid  }
0x8b: {  	s0 =	sand.u32 $0x1, s1  }
0x8c: {  	s17 =	sshll.u32 s0, $0xA;
	s2 =	sadd.s32 s3, s2  }
0x8d: {  	s2 =	sadd.s32 s2, s17  }
0x8e: {  	[smem:$0x3FB5] =	sst s2  }
0x8f: {  	_ = 	snop  }
0x90: {  	s2 =	sld [smem:$0x3FD0];
	(tm) =	ssettm $0x1  }
0x91: {  	s18 =	sld [smem:$0x3FFB];
	_ =	sdelay $0x3  }
0x92: {  	_ =	strace s18  }
0x93: {  	s3 =	sld [smem:$0x3FFC];
	_ =	sdelay $0x3  }
0x94: {  	_ =	strace s3  }
0x95: {  	s3 =	sld [smem:$0x3FFD];
	_ =	sdelay $0x3  }
0x96: {  	_ =	strace s3  }
0x97: {  	_ =	strace $0x8FFFFFFF  }
0x98: {  	s19 =	sld [smem:$0x3FDB];
	_ =	sdelay $0x1  }
0x99: {  	s4 =	simm.s32 $_scs_section_size  }
0x9a: {  	s5 =	simm.s32 $_size__tile_overlayer_lowered;
	s6 =	simm.s32 $_tile_overlayer_lowered  }
0x9b: {  	s22 =	simm.s32 $0x1BFF;
	s21 =	sshll.u32 s6, $0x1;
	s3 =	sadd.s32 s4, s19  }
0x9c: {  	s7 =	simm.s32 $0x0;
	s20 =	sshll.u32 s5, $0x1;
	s5 =	sadd.s32 s21, s3  }
0x9d: {  	[timem:s7], [sflag:s22] =	dma.local [hbm:s5], s20  }
0x9e: {  	_ =	swait.ge [sflag:s22], s20  }
0x9f: {  	s4 =	ssub.s32 $0x0, s20;
	[sflag:s22] =	ssyncset.done $0x0  }
0xa0: {  	[sflag:s22] =	ssyncadd.s32 s4;
	_ =	sdelay $0x1  }
0xa1: {  	s23 =	simm.s32 $0x1B8B  }
0xa2: {  	_ =	swait.ge [sflag:s23], $0x1  }
0xa3: {  	[sflag:s23] =	ssyncset.done $0x0  }
0xa4: {  	s25 =	simm.s32 $0x1B8E;
	s24 =	sld [smem:$0x3FFE];
	[sflag:s23] =	ssyncadd.s32 $0xFFFFFFFF  }
0xa5: {  	s26 =	simm.s32 $execute0_lowered;
	[smem:$0x3FD2] =	sst s25  }
0xa6: {  	s5 =	sshll.u32 s26, $0x1;
	_ =	strace $0x80000049;
	[dreg:$0x1] =	wrdreg $0xFFFFFFFF  }
0xa7: {  	s28 =	simm.s32 $_size_execute0_lowered;
	s3 =	sadd.s32 s3, s5;
	[dreg:$0x0] =	wrdreg $0x0  }
0xa8: {  	s5 =	sshll.u32 s28, $0x1;
	[dreg:$0x2] =	wrdreg s3  }
0xa9: {  	[dreg:$0x3] =	wrdreg s5  }
0xaa: {  	[dreg:$0x4] =	wrdreg $0xC0  }
0xab: {  	_ =	task [dreg:s7], $0x5FFFF  }
0xac: {  	[dreg:$0x1] =	wrdreg $0xFFFFFFFF  }
0xad: {  	[dreg:$0x0] =	wrdreg $0x60  }
0xae: {  	[dreg:$0x2] =	wrdreg s24  }
0xaf: {  	[dreg:$0x3] =	wrdreg s2  }
0xb0: {  	[dreg:$0x4] =	wrdreg $0x173900  }
0xb1: {  	[dreg:$0x5] =	wrdreg $0x9  }
0xb2: {  	_ =	task.clear_ibuf [dreg:s7], $0x6FFFF;
	_ =	strace $0x90000049  }
0xb3: {  	s29 =	simm.s32 $0x9;
	_ =	strace $0x8000004B  }
0xb4: {  	_ =	swait.ge [sflag:s29], $0x1  }
0xb5: {  	[sflag:s29] =	ssyncadd.s32 $0xFFFFFFFF  }
0xb6: {  	_ =	strace $0x9000004B  }
0xb7: {  	_ =	sfence  }
0xb8: {  	s30 =	sld [smem:$0x0];
	_ =	sdelay $0x2  }
0xb9: {  	s31 =	sshll.u32 s1, $0xD;
	s1 =	sshrl.u32 s1, $0x2  }
0xba: {  	s3 =	sand.u32 $0x4000, s31;
	s1 =	sadd.s32 s1, s30  }
0xbb: {  	s0 =	sor.u32 s3, s0;
	s1 =	sshll.u32 s1, $0x11  }
0xbc: {  	s0 =	sor.u32 s1, s0  }
0xbd: {  	s0 =	sadd.s32 $0x8F2B, s0  }
0xbe: {  	[sflag:s0] =	ssyncadd.remote.s32 $0x1  }
0xbf: {  	_ =	sfence.sel $0xFFFF  }
0xc0: {  	[dreg:$0x0] =	wrdreg $0xFFFFFFFF;
	(pc) =	sbr.abs _section_cstart, $3  }
0xc1: {  	[dreg:$0x1] =	wrdreg $0xFFFFFFFF  }
0xc2: {  	_ =	task.clear_ibuf [dreg:s7], $0x2FFFF;
	_ =	strace $0x9FFFFFFF  }
0xc3: {  	(tm) =	ssettm $0x7FFFFFFF  }
tec
execute0_lowered:
.L_overlay_start_1:
0x0: {  	(tag) =	ssettag $0x1  }
0x1: {  	s0 =	srdreg.scid;
	s5 =	rddreg [dreg:$0x0]  }
0x2: {  	s7 =	rddreg [dreg:$0x1];
	s4 =	sand.u32 $0x1, s0;
	s0 =	stileid.u32  }
0x3: {  	s2 =	rddreg [dreg:$0x2];
	s3 =	simm.s32 $0x0;
	s9 =	smul.u32 $0x4E2, s0  }
0x4: {  	s16 =	simm.s32 $0x0;
	[smem:$0x7FF] =	sst s3;
	s11 =	smul.u32 $0x9C40, s0  }
0x5: {  	s1 =	sshll.u32 s4, $0x4;
	s10 =	ssub.s32 $0x2, s4;
	s13 =	smul.u32 $0x4E20, s4  }
0x6: {  	s14 =	sshll.u32 s0, $0x6;
	s6 =	sor.u32 s0, s1;
	s1 =	rddreg [dreg:$0x3]  }
0x7: {  	_ =	strace $0x8000004A;
	s12 =	sshrl.u32 s10, $0x1;
	s8 =	smul.u32 $0x2710, s6  }
0x8: {  	s14 =	sor.u32 $0x1C02, s14;
	s6 =	smul.u32 $0x280, s6;
	s10 =	ssub.s32 s10, s12  }
0x9: {  	s30 =	sshrl.u32 s11, $0x2;
	s31 =	sadd.s32 s9, s13;
	s9 =	simm.s32 $0x1400  }
0xa: {  	s11 =	simm.s32 $0x14C80;
	s12 =	simm.s32 $0x1;
	s13 =	simm.s32 $0x7D  }
0xb: {  	s7 =	sadd.s32 s7, s31;
	s8 =	sadd.s32 s8, s5;
	s5 =	sadd.s32 s6, s5  }
0xc: {  	s6 =	sadd.s32 s30, s2;
	s4 =	sadd.s32 $0xBCE00, s8;
	s5 =	sadd.s32 $0xB7E00, s5  }
0xd: {  	v0 =	vimm.f32 $0.0e+00;
	s8 =	smax.u32 s10, $0x1;
	s10 =	simm.s32 $0x2;
	s15 =	sshrl.u32 s6, $0x3  }
.LBB2_1:
0xe: {  	[tilespmem:s9], [sflag:$0x1] =	stream.linear.gather [hbm4b:s4+s3], $0x13880, $0x38;
	[tilespmem:$0x19AA0] =	vst v63  }
0xf: {  	_ = 	snop  }
0x10: {  	[tilespmem:s3], [sflag:$0x2] =	stream.linear.gather [hbm4b:s5+s3], $0x1400, $0x38;
	[tilespmem:$0x19AA0] =	vst v63  }
0x11: {  	_ =	swait.ge [sflag:s10], $0x1400  }
0x12: {  	[sflag:s10] =	ssyncset.done $0x0  }
0x13: {  	s17 =	simm.s32 $0x40;
	s18 =	simm.s32 $0x0;
	[sflag:s10] =	ssyncadd.s32 $0xFFFFEC00  }
.LBB2_2:
0x14: {  	p0 =	sne.s32 s17, $0x9C00;
	[tilespmem:s18+$0x14C80] =	vst v0;
	s18 =	smov.u32 s17;
	s17 =	sadd.s32 $0x40, s17  }
.Ltmp0:
0x15: {  	(pc) =	sbr.rel @p0 .LBB2_2-.Ltmp0, $2  }
0x16: {  	_ =	sdelay $0x2  }
0x17: {  	s18 =	sshra.s32 s18, $0x2  }
0x18: {  	[tilespmem:s18+$0x14C80] =	vst v0  }
0x19: {  	[spmem:s6] =	stream.linear.scatter [tilespmem:s11], [sflag:$0x2], $0x2710, $0x38;
	[tilespmem:$0x19AA0] =	vst v63  }
0x1a: {  	_ =	swait.ge [sflag:s10], $0x2710  }
0x1b: {  	[sflag:s10] =	ssyncset.done $0x0  }
0x1c: {  	[sflag:s10] =	ssyncadd.s32 $0xFFFFD8F0  }
0x1d: {  	[bflag:$0x0] =	sbarrier.arrive $0xFFFF  }
0x1e: {  	_ =	swait.ge [sflag:s12], $0x13880  }
0x1f: {  	s17 =	simm.s32 $0x1400;
	s18 =	simm.s32 $0x200;
	[sflag:s12] =	ssyncset.done $0x0  }
0x20: {  	s20 =	simm.s32 $0x0;
	s19 =	simm.s32 $0x1BD0;
	[sflag:s12] =	ssyncadd.s32 $0xFFFEC780  }
.LBB2_4:
0x21: {  	[spmem:s2] =	stream.indirect.scatter.add.f32 [tilespmem:s17], [sflag:$0x1], $0x10, s20, s13, $0xb8;
	[tilespmem:$0x19AA0] =	vst v63  }
0x22: {  	s20 =	smov.u32 s18;
	s17 =	smov.u32 s19;
	p0 =	sne.s32 s18, $0x4E00  }
.Ltmp1:
0x23: {  	s18 =	sadd.s32 $0x200, s18;
	(pc) =	sbr.rel @p0 .LBB2_4-.Ltmp1, $2  }
0x24: {  	_ =	sdelay $0x2  }
0x25: {  	s19 =	sadd.s32 $0x7D0, s19;
	s20 =	sshra.s32 s20, $0x2  }
0x26: {  	[spmem:s2] =	stream.indirect.scatter.add.f32 [tilespmem:s17], [sflag:$0x1], $0x10, s20, s13, $0xb8;
	[tilespmem:$0x19AA0] =	vst v63  }
0x27: {  	_ =	swait.ge [sflag:s12], $0x13880  }
0x28: {  	s16 =	sadd.s32 $0x1, s16;
	[sflag:s12] =	ssyncset.done $0x0  }
0x29: {  	p0 =	sne.s32 s16, s8;
	[sflag:s12] =	ssyncadd.s32 $0xFFFEC780  }
.Ltmp2:
0x2a: {  	[bflag:$0x0] =	sbarrier.arrive $0xFFFF;
	(pc) =	sbr.rel @p0 .LBB2_1-.Ltmp2, $4  }
0x2b: {  	[hbm:s7], [sflag:s14] =	dma.local [spmem:s15], $0x4E2  }
0x2c: {  	_ =	swait.ge [sflag:s10], $0x4E2  }
0x2d: {  	[sflag:s10] =	ssyncset.done $0x0  }
0x2e: {  	[sflag:s10] =	ssyncadd.s32 $0xFFFFFB1E  }
0x2f: {  	_ =	sfence.sel $0x180000  }
0x30: {  	[bflag:$0x0] =	sbarrier.arrive $0xFFFF  }
0x31: {  	p0 =	sne.s32 s0, $0x0;
	_ =	strace $0x9000004A  }
0x32: {  	s0 =	sadd.s32 @!p0 $0x100000, s1;
	[bflag:$0x2] =	sbarrier.arrive $0xFFFF  }
0x33: {  	[sflag:s0] =	ssyncadd.tile.s32 @!p0 $0x1;
	_ =	shalt  }
.Lfunc_end2:
_tile_overlayer_lowered:
.L_overlay_start_2:
0x34: {  	(tag) =	ssettag $0x2  }
0x35: {  	s0 =	rddreg [dreg:$0x0];
	s2 =	stileid.u32  }
0x36: {  	s1 =	rddreg [dreg:$0x1];
	p0 =	sne.s32 s2, $0x0  }
0x37: {  	s3 =	rddreg [dreg:$0x2];
	[bflag:$0x3] =	sbarrier.arrive $0xFFFF;
	s2 =	simm.s32 @!p0 $0x1C02  }
0x38: {  	[timem:s3], [sflag:s2] =	dma.local @!p0 [hbm:s0], s1  }
0x39: {  	s0 =	simm.s32 @!p0 $0x2  }
0x3a: {  	_ =	swait.ge @!p0 [sflag:s0], s1  }
0x3b: {  	s1 =	ssub.s32 @!p0 $0x0, s1;
	[sflag:s0] =	ssyncset.done @!p0 $0x0  }
0x3c: {  	[sflag:s0] =	ssyncadd.s32 @!p0 s1  }
0x3d: {  	[bflag:$0x3] =	sbarrier.arrive $0xFFFF  }
0x3e: {  	_ =	shalt  }

// kernel: kernel.23.cloned.1.call-start
scs
__scs_entry_jumppad:
0x0: {  	(pc) =	sbr.rel $0x88, $3  }
0x1: {  	(tag) =	ssettag $0x0;
	lr =	simm.s32 $0x1  }
0x2: {  	[smem:$0x3F8E] =	sst lr;
	_ =	strace $0xD0000000  }
0x3: {  	_ = 	snop  }
0x4: {  	_ = 	snop  }
0x5: {  	_ = 	snop  }
0x6: {  	_ = 	snop  }
0x7: {  	_ = 	snop  }
__scs_overlays_trampoline_lowered:
0x8: {  	[smem:$0x3F9D] =	sst s0  }
0x9: {  	[smem:$0x3F9E] =	sst s1  }
0xa: {  	[smem:$0x3F9F] =	sst s2  }
0xb: {  	[smem:$0x3FA0] =	sst s3  }
0xc: {  	[smem:$0x3FA1] =	sst s4  }
0xd: {  	[smem:$0x3FA2] =	sst s5  }
0xe: {  	[smem:$0x3FA3] =	sst s6  }
0xf: {  	[smem:$0x3FA4] =	sst s7  }
0x10: {  	[smem:$0x3FA5] =	sst s8  }
0x11: {  	[smem:$0x3FA6] =	sst s9;
	s0 =	simm.s32 @!p0 $0x0  }
0x12: {  	s1 =	sld [smem:$0x3F8C];
	s0 =	simm.s32 @p0 $0x1  }
0x13: {  	[smem:$0x3FA7] =	sst s0;
	s0 =	simm.s32 @!p1 $0x0  }
0x14: {  	s2 =	sld [smem:$0x3F8B];
	s0 =	simm.s32 @p1 $0x1  }
0x15: {  	[smem:$0x3FA8] =	sst s0;
	s0 =	simm.s32 @!p2 $0x0  }
0x16: {  	s3 =	sld [smem:$0x3FDB];
	s0 =	simm.s32 @p2 $0x1  }
0x17: {  	s4 =	simm.s32 $0x1BF5;
	[smem:$0x3FAA] =	sst s0  }
0x18: {  	s0 =	sld [smem:$0x3F8D];
	_ =	swait.ge [sflag:s4], $0x0  }
0x19: {  	s7 =	sld [smem:$0x3F8E]  }
0x1a: {  	s8 =	sadd.s32 $0xFFFFE003, lr  }
0x1b: {  	s9 =	sadd.s32 $0xFFFFFEF7, lr;
	s5 =	simm.s32 $0xFFFFFFFF;
	p2 =	slt.u32 s8, $0xFFFFF086  }
0x1c: {  	p1 =	slt.u32 s9, $0xF7A;
	s5 =	simm.s32 @!p2 $0x0  }
0x1d: {  	s5 =	simm.s32 @p1 $0x1;
	p0 =	seq.s32 s7, s2  }
0x1e: {  	s7 =	smul.u32 @!p0 $0xF7A, s2;
	p2 =	seq.s32 @!p0 s5, $0x0  }
0x1f: {  	s9 =	smul.u32 $0xF7A, s1;
	s8 =	simm.s32 @!p0 $0x1BF5;
	p2 =	por !p2, p0  }
0x20: {  	[sflag:s8] =	ssyncset.s32 @!p0 $0xFFFFF086;
	s6 =	sadd.s32 @!p0 s3, s7;
	s7 =	simm.s32 @!p0 $0x108  }
0x21: {  	s3 =	sadd.s32 s3, s9;
	s6 =	sadd.s32 @!p0 $0x88, s6;
	s7 =	simm.s32 @p2 $0x1082  }
0x22: {  	[simem:s7], [sflag:s8] =	dma.local @!p0 [hbm:s6], $0xF7A  }
0x23: {  	s9 =	sor.u32 $0xD0000000, s2;
	s6 =	simm.s32 $0x108;
	_ =	swait.ge @!p0 [sflag:s8], $0x0  }
0x24: {  	s3 =	sadd.s32 $0x88, s3;
	s6 =	simm.s32 @!p1 $0x1082;
	[sflag:s4] =	ssyncset.s32 $0xFFFFF086  }
0x25: {  	[simem:s6], [sflag:s4] =	dma.local [hbm:s3], $0xF7A  }
0x26: {  	[smem:$0x3F8E] =	sst s1;
	(tag) =	ssettag s2;
	_ =	strace s9  }
0x27: {  	s1 =	sld [smem:$0x3F9E]  }
0x28: {  	s2 =	sld [smem:$0x3F9F]  }
0x29: {  	s4 =	sld [smem:$0x3FA1]  }
0x2a: {  	p0 =	seq.s32 s5, $0x0;
	s5 =	sld [smem:$0x3FA2]  }
0x2b: {  	s6 =	sld [smem:$0x3FA3]  }
0x2c: {  	s7 =	sld [smem:$0x3FA4]  }
0x2d: {  	s3 =	simm.s32 $0x108;
	s8 =	sld [smem:$0x3FA5]  }
0x2e: {  	s3 =	simm.s32 @!p0 $0x1082;
	s9 =	sld [smem:$0x3FA6]  }
0x2f: {  	lr =	sadd.s32 s0, s3;
	s0 =	sld [smem:$0x3F9D]  }
0x30: {  	s3 =	sld [smem:$0x3FA0]  }
0x31: {  	[smem:$0x3FA9] =	sst s10  }
0x32: {  	s10 =	sld [smem:$0x3FA7];
	_ =	sdelay $0x3  }
0x33: {  	p0 =	seq.s32 s10, $0x1;
	s10 =	sld [smem:$0x3FA9];
	_ =	sdelay $0x3  }
0x34: {  	[smem:$0x3FA9] =	sst s10  }
0x35: {  	s10 =	sld [smem:$0x3FA8];
	_ =	sdelay $0x3  }
0x36: {  	p1 =	seq.s32 s10, $0x1;
	s10 =	sld [smem:$0x3FA9];
	_ =	sdelay $0x3  }
0x37: {  	[smem:$0x3FA9] =	sst s10  }
0x38: {  	s10 =	sld [smem:$0x3FAA]  }
0x39: {  	_ = 	snop;
	(pc) =	sbr.ind lr, $3  }
0x3a: {  	_ = 	snop  }
0x3b: {  	_ = 	snop  }
0x3c: {  	p2 =	seq.s32 s10, $0x1;
	s10 =	sld [smem:$0x3FA9]  }
0x3d: {  	_ =	shalt  }
0x3e: {  	_ =	shalt  }
0x3f: {  	_ =	shalt  }
0x40: {  	_ =	shalt  }
0x41: {  	_ =	shalt  }
0x42: {  	_ =	shalt  }
0x43: {  	_ =	shalt  }
0x44: {  	_ =	shalt  }
0x45: {  	_ =	shalt  }
0x46: {  	_ =	shalt  }
0x47: {  	_ =	shalt  }
0x48: {  	_ =	shalt  }
0x49: {  	_ =	shalt  }
0x4a: {  	_ =	shalt  }
0x4b: {  	_ =	shalt  }
0x4c: {  	_ =	shalt  }
0x4d: {  	_ =	shalt  }
0x4e: {  	_ =	shalt  }
0x4f: {  	_ =	shalt  }
0x50: {  	_ =	shalt  }
0x51: {  	_ =	shalt  }
0x52: {  	_ =	shalt  }
0x53: {  	_ =	shalt  }
0x54: {  	_ =	shalt  }
0x55: {  	_ =	shalt  }
0x56: {  	_ =	shalt  }
0x57: {  	_ =	shalt  }
0x58: {  	_ =	shalt  }
0x59: {  	_ =	shalt  }
0x5a: {  	_ =	shalt  }
0x5b: {  	_ =	shalt  }
0x5c: {  	_ =	shalt  }
0x5d: {  	_ =	shalt  }
0x5e: {  	_ =	shalt  }
0x5f: {  	_ =	shalt  }
0x60: {  	_ =	shalt  }
0x61: {  	_ =	shalt  }
0x62: {  	_ =	shalt  }
0x63: {  	_ =	shalt  }
0x64: {  	_ =	shalt  }
0x65: {  	_ =	shalt  }
0x66: {  	_ =	shalt  }
0x67: {  	_ =	shalt  }
0x68: {  	_ =	shalt  }
0x69: {  	_ =	shalt  }
0x6a: {  	_ =	shalt  }
0x6b: {  	_ =	shalt  }
0x6c: {  	_ =	shalt  }
0x6d: {  	_ =	shalt  }
0x6e: {  	_ =	shalt  }
0x6f: {  	_ =	shalt  }
0x70: {  	_ =	shalt  }
0x71: {  	_ =	shalt  }
0x72: {  	_ =	shalt  }
0x73: {  	_ =	shalt  }
0x74: {  	_ =	shalt  }
0x75: {  	_ =	shalt  }
0x76: {  	_ =	shalt  }
0x77: {  	_ =	shalt  }
0x78: {  	_ =	shalt  }
0x79: {  	_ =	shalt  }
0x7a: {  	_ =	shalt  }
0x7b: {  	_ =	shalt  }
0x7c: {  	_ =	shalt  }
0x7d: {  	_ =	shalt  }
0x7e: {  	_ =	shalt  }
0x7f: {  	_ =	shalt  }
0x80: {  	_ =	shalt  }
0x81: {  	_ =	shalt  }
0x82: {  	_ =	shalt  }
0x83: {  	_ =	shalt  }
0x84: {  	_ =	shalt  }
0x85: {  	_ =	shalt  }
0x86: {  	_ =	shalt  }
0x87: {  	_ =	shalt  }
.Lfunc_end0:
.L_simem_size_0:
called_computation.2_lowered:
.L_overlay_start_0:
0x88: {  	s2 =	sld [smem:$0x3FD9]  }
0x89: {  	s3 =	sld [smem:$0x3FFE];
	_ =	sdelay $0x1  }
0x8a: {  	s1 =	srdreg.scid  }
0x8b: {  	s0 =	sand.u32 $0x1, s1  }
0x8c: {  	s16 =	sshll.u32 s0, $0xA;
	s2 =	sadd.s32 s3, s2  }
0x8d: {  	s2 =	sadd.s32 s2, s16  }
0x8e: {  	[smem:$0x3FB5] =	sst s2  }
0x8f: {  	_ = 	snop  }
0x90: {  	(tm) =	ssettm $0x1  }
0x91: {  	s17 =	sld [smem:$0x3FFB];
	_ =	sdelay $0x3  }
0x92: {  	_ =	strace s17  }
0x93: {  	s2 =	sld [smem:$0x3FFC];
	_ =	sdelay $0x3  }
0x94: {  	_ =	strace s2  }
0x95: {  	s2 =	sld [smem:$0x3FFD];
	_ =	sdelay $0x3  }
0x96: {  	_ =	strace s2  }
0x97: {  	_ =	strace $0x8FFFFFFF  }
0x98: {  	s18 =	sld [smem:$0x3FDB];
	_ =	sdelay $0x1  }
0x99: {  	s19 =	simm.s32 $_scs_section_size  }
0x9a: {  	s4 =	simm.s32 $_size__tile_overlayer_lowered;
	s5 =	simm.s32 $_tile_overlayer_lowered  }
0x9b: {  	s22 =	simm.s32 $0x1BFF;
	s21 =	sshll.u32 s5, $0x1;
	s2 =	sadd.s32 s19, s18  }
0x9c: {  	s6 =	simm.s32 $0x0;
	s20 =	sshll.u32 s4, $0x1;
	s4 =	sadd.s32 s21, s2  }
0x9d: {  	[timem:s6], [sflag:s22] =	dma.local [hbm:s4], s20  }
0x9e: {  	_ =	swait.ge [sflag:s22], s20  }
0x9f: {  	s3 =	ssub.s32 $0x0, s20;
	[sflag:s22] =	ssyncset.done $0x0  }
0xa0: {  	[sflag:s22] =	ssyncadd.s32 s3;
	_ =	sdelay $0x1  }
0xa1: {  	s23 =	simm.s32 $0x1B8B  }
0xa2: {  	_ =	swait.ge [sflag:s23], $0x1  }
0xa3: {  	[sflag:s23] =	ssyncset.done $0x0  }
0xa4: {  	s25 =	simm.s32 $0x1B8E;
	s24 =	sld [smem:$0x3FFE];
	[sflag:s23] =	ssyncadd.s32 $0xFFFFFFFF  }
0xa5: {  	s26 =	simm.s32 $execute0_lowered;
	[smem:$0x3FD2] =	sst s25  }
0xa6: {  	s4 =	sshll.u32 s26, $0x1;
	_ =	strace $0x8000004C;
	[dreg:$0x1] =	wrdreg $0xFFFFFFFF  }
0xa7: {  	s28 =	simm.s32 $_size_execute0_lowered;
	s2 =	sadd.s32 s2, s4;
	[dreg:$0x0] =	wrdreg $0x0  }
0xa8: {  	s4 =	sshll.u32 s28, $0x1;
	[dreg:$0x2] =	wrdreg s2  }
0xa9: {  	[dreg:$0x3] =	wrdreg s4  }
0xaa: {  	[dreg:$0x4] =	wrdreg $0xC0  }
0xab: {  	_ =	task [dreg:s6], $0x5FFFF  }
0xac: {  	[dreg:$0x1] =	wrdreg $0xFFFFFFFF  }
0xad: {  	[dreg:$0x0] =	wrdreg $0x60  }
0xae: {  	[dreg:$0x2] =	wrdreg s24  }
0xaf: {  	[dreg:$0x3] =	wrdreg $0x9  }
0xb0: {  	_ =	task.clear_ibuf [dreg:s6], $0x4FFFF;
	_ =	strace $0x9000004C  }
0xb1: {  	s29 =	simm.s32 $0x9;
	_ =	strace $0x8000004E  }
0xb2: {  	_ =	swait.ge [sflag:s29], $0x1  }
0xb3: {  	[sflag:s29] =	ssyncadd.s32 $0xFFFFFFFF  }
0xb4: {  	_ =	strace $0x9000004E  }
0xb5: {  	_ =	sfence  }
0xb6: {  	s30 =	sld [smem:$0x0];
	_ =	sdelay $0x2  }
0xb7: {  	s31 =	sshll.u32 s1, $0xD;
	s1 =	sshrl.u32 s1, $0x2  }
0xb8: {  	s3 =	sand.u32 $0x4000, s31;
	s1 =	sadd.s32 s1, s30  }
0xb9: {  	s0 =	sor.u32 s3, s0;
	s1 =	sshll.u32 s1, $0x11  }
0xba: {  	s0 =	sor.u32 s1, s0  }
0xbb: {  	s0 =	sadd.s32 $0x8F2B, s0  }
0xbc: {  	[sflag:s0] =	ssyncadd.remote.s32 $0x1  }
0xbd: {  	_ =	sfence.sel $0xFFFF  }
0xbe: {  	[dreg:$0x0] =	wrdreg $0xFFFFFFFF;
	(pc) =	sbr.abs _section_cstart, $3  }
0xbf: {  	[dreg:$0x1] =	wrdreg $0xFFFFFFFF  }
0xc0: {  	_ =	task.clear_ibuf [dreg:s6], $0x2FFFF;
	_ =	strace $0x9FFFFFFF  }
0xc1: {  	(tm) =	ssettm $0x7FFFFFFF  }
tec
execute0_lowered:
.L_overlay_start_1:
0x0: {  	(tag) =	ssettag $0x1  }
0x1: {  	s0 =	srdreg.scid;
	s5 =	rddreg [dreg:$0x0]  }
0x2: {  	s2 =	simm.s32 $0x0;
	s8 =	simm.s32 $0x7D;
	s4 =	sand.u32 $0x1, s0  }
0x3: {  	s9 =	simm.s32 $0x1;
	s0 =	stileid.u32;
	s1 =	sshll.u32 s4, $0x4  }
0x4: {  	s10 =	simm.s32 $0x1400;
	s11 =	simm.s32 $0x0;
	s3 =	sor.u32 s0, s1  }
0x5: {  	[smem:$0x7FF] =	sst s2;
	s4 =	ssub.s32 $0x2, s4;
	s6 =	smul.u32 $0x280, s3  }
0x6: {  	s1 =	rddreg [dreg:$0x1];
	_ =	strace $0x8000004D;
	s7 =	smul.u32 $0x2710, s3  }
0x7: {  	s31 =	sshrl.u32 s4, $0x1;
	s3 =	sadd.s32 $0x17000, s5;
	s6 =	sadd.s32 s6, s5  }
0x8: {  	s5 =	sadd.s32 s7, s5;
	s7 =	ssub.s32 s4, s31;
	s4 =	sadd.s32 $0x9600, s6  }
0x9: {  	s5 =	sadd.s32 $0xBCE00, s5;
	s6 =	smax.u32 s7, $0x1;
	s7 =	simm.s32 $0x2  }
.LBB2_1:
0xa: {  	[tilespmem:s2], [sflag:$0x2] =	stream.linear.gather [hbm4b:s4+s2], $0x1400, $0x38;
	[tilespmem:$0x14C80] =	vst v63  }
0xb: {  	_ =	swait.ge [sflag:s7], $0x1400  }
0xc: {  	s12 =	simm.s32 $0x200;
	s15 =	simm.s32 $0x0;
	[sflag:s7] =	ssyncset.done $0x0  }
0xd: {  	s13 =	simm.s32 $0x1BD0;
	s14 =	simm.s32 $0x1400;
	[sflag:s7] =	ssyncadd.s32 $0xFFFFEC00  }
.LBB2_2:
0xe: {  	[tilespmem:s14], [sflag:$0x1] =	stream.indirect.gather [hbm4b:s3+s8], $0x10, s15, s8, $0xb8;
	[tilespmem:$0x14C80] =	vst v63  }
0xf: {  	s15 =	smov.u32 s12;
	s14 =	smov.u32 s13;
	p0 =	sne.s32 s12, $0x4E00  }
.Ltmp0:
0x10: {  	s12 =	sadd.s32 $0x200, s12;
	(pc) =	sbr.rel @p0 .LBB2_2-.Ltmp0, $2  }
0x11: {  	_ =	sdelay $0x2  }
0x12: {  	s13 =	sadd.s32 $0x7D0, s13;
	s15 =	sshra.s32 s15, $0x2  }
0x13: {  	[tilespmem:s14], [sflag:$0x1] =	stream.indirect.gather [hbm4b:s3+s8], $0x10, s15, s8, $0xb8;
	[tilespmem:$0x14C80] =	vst v63  }
0x14: {  	s11 =	sadd.s32 $0x1, s11;
	_ =	swait.ge [sflag:s9], $0x13880  }
0x15: {  	p0 =	sne.s32 s11, s6;
	[sflag:s9] =	ssyncset.done $0x0  }
.Ltmp1:
0x16: {  	[sflag:s9] =	ssyncadd.s32 $0xFFFEC780;
	(pc) =	sbr.rel @p0 .LBB2_1-.Ltmp1, $4  }
0x17: {  	[hbm4b:s5+s2] =	stream.linear.scatter [tilespmem:s10], [sflag:$0x2], $0x13880, $0x38;
	[tilespmem:$0x14C80] =	vst v63  }
0x18: {  	_ =	swait.ge [sflag:s7], $0x13880  }
0x19: {  	[sflag:s7] =	ssyncset.done $0x0  }
0x1a: {  	[sflag:s7] =	ssyncadd.s32 $0xFFFEC780  }
0x1b: {  	_ =	sfence.sel $0x180000  }
0x1c: {  	[bflag:$0x0] =	sbarrier.arrive $0xFFFF  }
0x1d: {  	p0 =	sne.s32 s0, $0x0;
	_ =	strace $0x9000004D  }
0x1e: {  	s0 =	sadd.s32 @!p0 $0x100000, s1;
	[bflag:$0x2] =	sbarrier.arrive $0xFFFF  }
0x1f: {  	[sflag:s0] =	ssyncadd.tile.s32 @!p0 $0x1;
	_ =	shalt  }
.Lfunc_end2:
_tile_overlayer_lowered:
.L_overlay_start_2:
0x20: {  	(tag) =	ssettag $0x2  }
0x21: {  	s0 =	rddreg [dreg:$0x0];
	s2 =	stileid.u32  }
0x22: {  	s1 =	rddreg [dreg:$0x1];
	p0 =	sne.s32 s2, $0x0  }
0x23: {  	s3 =	rddreg [dreg:$0x2];
	[bflag:$0x3] =	sbarrier.arrive $0xFFFF;
	s2 =	simm.s32 @!p0 $0x1C02  }
0x24: {  	[timem:s3], [sflag:s2] =	dma.local @!p0 [hbm:s0], s1  }
0x25: {  	s0 =	simm.s32 @!p0 $0x2  }
0x26: {  	_ =	swait.ge @!p0 [sflag:s0], s1  }
0x27: {  	s1 =	ssub.s32 @!p0 $0x0, s1;
	[sflag:s0] =	ssyncset.done @!p0 $0x0  }
0x28: {  	[sflag:s0] =	ssyncadd.s32 @!p0 s1  }
0x29: {  	[bflag:$0x3] =	sbarrier.arrive $0xFFFF  }
0x2a: {  	_ =	shalt  }

// kernel: kernel.26.cloned.1.call-start
scs
__scs_entry_jumppad:
0x0: {  	(pc) =	sbr.rel $0x88, $3  }
0x1: {  	(tag) =	ssettag $0x0;
	lr =	simm.s32 $0x1  }
0x2: {  	[smem:$0x3F8E] =	sst lr;
	_ =	strace $0xD0000000  }
0x3: {  	_ = 	snop  }
0x4: {  	_ = 	snop  }
0x5: {  	_ = 	snop  }
0x6: {  	_ = 	snop  }
0x7: {  	_ = 	snop  }
__scs_overlays_trampoline_lowered:
0x8: {  	[smem:$0x3F9D] =	sst s0  }
0x9: {  	[smem:$0x3F9E] =	sst s1  }
0xa: {  	[smem:$0x3F9F] =	sst s2  }
0xb: {  	[smem:$0x3FA0] =	sst s3  }
0xc: {  	[smem:$0x3FA1] =	sst s4  }
0xd: {  	[smem:$0x3FA2] =	sst s5  }
0xe: {  	[smem:$0x3FA3] =	sst s6  }
0xf: {  	[smem:$0x3FA4] =	sst s7  }
0x10: {  	[smem:$0x3FA5] =	sst s8  }
0x11: {  	[smem:$0x3FA6] =	sst s9;
	s0 =	simm.s32 @!p0 $0x0  }
0x12: {  	s1 =	sld [smem:$0x3F8C];
	s0 =	simm.s32 @p0 $0x1  }
0x13: {  	[smem:$0x3FA7] =	sst s0;
	s0 =	simm.s32 @!p1 $0x0  }
0x14: {  	s2 =	sld [smem:$0x3F8B];
	s0 =	simm.s32 @p1 $0x1  }
0x15: {  	[smem:$0x3FA8] =	sst s0;
	s0 =	simm.s32 @!p2 $0x0  }
0x16: {  	s3 =	sld [smem:$0x3FDB];
	s0 =	simm.s32 @p2 $0x1  }
0x17: {  	s4 =	simm.s32 $0x1BF5;
	[smem:$0x3FAA] =	sst s0  }
0x18: {  	s0 =	sld [smem:$0x3F8D];
	_ =	swait.ge [sflag:s4], $0x0  }
0x19: {  	s7 =	sld [smem:$0x3F8E]  }
0x1a: {  	s8 =	sadd.s32 $0xFFFFE003, lr  }
0x1b: {  	s9 =	sadd.s32 $0xFFFFFEF7, lr;
	s5 =	simm.s32 $0xFFFFFFFF;
	p2 =	slt.u32 s8, $0xFFFFF086  }
0x1c: {  	p1 =	slt.u32 s9, $0xF7A;
	s5 =	simm.s32 @!p2 $0x0  }
0x1d: {  	s5 =	simm.s32 @p1 $0x1;
	p0 =	seq.s32 s7, s2  }
0x1e: {  	s7 =	smul.u32 @!p0 $0xF7A, s2;
	p2 =	seq.s32 @!p0 s5, $0x0  }
0x1f: {  	s9 =	smul.u32 $0xF7A, s1;
	s8 =	simm.s32 @!p0 $0x1BF5;
	p2 =	por !p2, p0  }
0x20: {  	[sflag:s8] =	ssyncset.s32 @!p0 $0xFFFFF086;
	s6 =	sadd.s32 @!p0 s3, s7;
	s7 =	simm.s32 @!p0 $0x108  }
0x21: {  	s3 =	sadd.s32 s3, s9;
	s6 =	sadd.s32 @!p0 $0x88, s6;
	s7 =	simm.s32 @p2 $0x1082  }
0x22: {  	[simem:s7], [sflag:s8] =	dma.local @!p0 [hbm:s6], $0xF7A  }
0x23: {  	s9 =	sor.u32 $0xD0000000, s2;
	s6 =	simm.s32 $0x108;
	_ =	swait.ge @!p0 [sflag:s8], $0x0  }
0x24: {  	s3 =	sadd.s32 $0x88, s3;
	s6 =	simm.s32 @!p1 $0x1082;
	[sflag:s4] =	ssyncset.s32 $0xFFFFF086  }
0x25: {  	[simem:s6], [sflag:s4] =	dma.local [hbm:s3], $0xF7A  }
0x26: {  	[smem:$0x3F8E] =	sst s1;
	(tag) =	ssettag s2;
	_ =	strace s9  }
0x27: {  	s1 =	sld [smem:$0x3F9E]  }
0x28: {  	s2 =	sld [smem:$0x3F9F]  }
0x29: {  	s4 =	sld [smem:$0x3FA1]  }
0x2a: {  	p0 =	seq.s32 s5, $0x0;
	s5 =	sld [smem:$0x3FA2]  }
0x2b: {  	s6 =	sld [smem:$0x3FA3]  }
0x2c: {  	s7 =	sld [smem:$0x3FA4]  }
0x2d: {  	s3 =	simm.s32 $0x108;
	s8 =	sld [smem:$0x3FA5]  }
0x2e: {  	s3 =	simm.s32 @!p0 $0x1082;
	s9 =	sld [smem:$0x3FA6]  }
0x2f: {  	lr =	sadd.s32 s0, s3;
	s0 =	sld [smem:$0x3F9D]  }
0x30: {  	s3 =	sld [smem:$0x3FA0]  }
0x31: {  	[smem:$0x3FA9] =	sst s10  }
0x32: {  	s10 =	sld [smem:$0x3FA7];
	_ =	sdelay $0x3  }
0x33: {  	p0 =	seq.s32 s10, $0x1;
	s10 =	sld [smem:$0x3FA9];
	_ =	sdelay $0x3  }
0x34: {  	[smem:$0x3FA9] =	sst s10  }
0x35: {  	s10 =	sld [smem:$0x3FA8];
	_ =	sdelay $0x3  }
0x36: {  	p1 =	seq.s32 s10, $0x1;
	s10 =	sld [smem:$0x3FA9];
	_ =	sdelay $0x3  }
0x37: {  	[smem:$0x3FA9] =	sst s10  }
0x38: {  	s10 =	sld [smem:$0x3FAA]  }
0x39: {  	_ = 	snop;
	(pc) =	sbr.ind lr, $3  }
0x3a: {  	_ = 	snop  }
0x3b: {  	_ = 	snop  }
0x3c: {  	p2 =	seq.s32 s10, $0x1;
	s10 =	sld [smem:$0x3FA9]  }
0x3d: {  	_ =	shalt  }
0x3e: {  	_ =	shalt  }
0x3f: {  	_ =	shalt  }
0x40: {  	_ =	shalt  }
0x41: {  	_ =	shalt  }
0x42: {  	_ =	shalt  }
0x43: {  	_ =	shalt  }
0x44: {  	_ =	shalt  }
0x45: {  	_ =	shalt  }
0x46: {  	_ =	shalt  }
0x47: {  	_ =	shalt  }
0x48: {  	_ =	shalt  }
0x49: {  	_ =	shalt  }
0x4a: {  	_ =	shalt  }
0x4b: {  	_ =	shalt  }
0x4c: {  	_ =	shalt  }
0x4d: {  	_ =	shalt  }
0x4e: {  	_ =	shalt  }
0x4f: {  	_ =	shalt  }
0x50: {  	_ =	shalt  }
0x51: {  	_ =	shalt  }
0x52: {  	_ =	shalt  }
0x53: {  	_ =	shalt  }
0x54: {  	_ =	shalt  }
0x55: {  	_ =	shalt  }
0x56: {  	_ =	shalt  }
0x57: {  	_ =	shalt  }
0x58: {  	_ =	shalt  }
0x59: {  	_ =	shalt  }
0x5a: {  	_ =	shalt  }
0x5b: {  	_ =	shalt  }
0x5c: {  	_ =	shalt  }
0x5d: {  	_ =	shalt  }
0x5e: {  	_ =	shalt  }
0x5f: {  	_ =	shalt  }
0x60: {  	_ =	shalt  }
0x61: {  	_ =	shalt  }
0x62: {  	_ =	shalt  }
0x63: {  	_ =	shalt  }
0x64: {  	_ =	shalt  }
0x65: {  	_ =	shalt  }
0x66: {  	_ =	shalt  }
0x67: {  	_ =	shalt  }
0x68: {  	_ =	shalt  }
0x69: {  	_ =	shalt  }
0x6a: {  	_ =	shalt  }
0x6b: {  	_ =	shalt  }
0x6c: {  	_ =	shalt  }
0x6d: {  	_ =	shalt  }
0x6e: {  	_ =	shalt  }
0x6f: {  	_ =	shalt  }
0x70: {  	_ =	shalt  }
0x71: {  	_ =	shalt  }
0x72: {  	_ =	shalt  }
0x73: {  	_ =	shalt  }
0x74: {  	_ =	shalt  }
0x75: {  	_ =	shalt  }
0x76: {  	_ =	shalt  }
0x77: {  	_ =	shalt  }
0x78: {  	_ =	shalt  }
0x79: {  	_ =	shalt  }
0x7a: {  	_ =	shalt  }
0x7b: {  	_ =	shalt  }
0x7c: {  	_ =	shalt  }
0x7d: {  	_ =	shalt  }
0x7e: {  	_ =	shalt  }
0x7f: {  	_ =	shalt  }
0x80: {  	_ =	shalt  }
0x81: {  	_ =	shalt  }
0x82: {  	_ =	shalt  }
0x83: {  	_ =	shalt  }
0x84: {  	_ =	shalt  }
0x85: {  	_ =	shalt  }
0x86: {  	_ =	shalt  }
0x87: {  	_ =	shalt  }
.Lfunc_end0:
.L_simem_size_0:
called_computation.3_lowered:
.L_overlay_start_0:
0x88: {  	s2 =	sld [smem:$0x3FD9]  }
0x89: {  	s3 =	sld [smem:$0x3FFE];
	_ =	sdelay $0x1  }
0x8a: {  	s1 =	srdreg.scid  }
0x8b: {  	s0 =	sand.u32 $0x1, s1  }
0x8c: {  	s17 =	sshll.u32 s0, $0xA;
	s2 =	sadd.s32 s3, s2  }
0x8d: {  	s2 =	sadd.s32 s2, s17  }
0x8e: {  	[smem:$0x3FB5] =	sst s2  }
0x8f: {  	_ = 	snop  }
0x90: {  	s2 =	sld [smem:$0x3FD0];
	(tm) =	ssettm $0x1  }
0x91: {  	s18 =	sld [smem:$0x3FFB];
	_ =	sdelay $0x3  }
0x92: {  	_ =	strace s18  }
0x93: {  	s3 =	sld [smem:$0x3FFC];
	_ =	sdelay $0x3  }
0x94: {  	_ =	strace s3  }
0x95: {  	s3 =	sld [smem:$0x3FFD];
	_ =	sdelay $0x3  }
0x96: {  	_ =	strace s3  }
0x97: {  	_ =	strace $0x8FFFFFFF  }
0x98: {  	s19 =	sld [smem:$0x3FDB];
	_ =	sdelay $0x1  }
0x99: {  	s4 =	simm.s32 $_scs_section_size  }
0x9a: {  	s5 =	simm.s32 $_size__tile_overlayer_lowered;
	s6 =	simm.s32 $_tile_overlayer_lowered  }
0x9b: {  	s22 =	simm.s32 $0x1BFF;
	s21 =	sshll.u32 s6, $0x1;
	s3 =	sadd.s32 s4, s19  }
0x9c: {  	s7 =	simm.s32 $0x0;
	s20 =	sshll.u32 s5, $0x1;
	s5 =	sadd.s32 s21, s3  }
0x9d: {  	[timem:s7], [sflag:s22] =	dma.local [hbm:s5], s20  }
0x9e: {  	_ =	swait.ge [sflag:s22], s20  }
0x9f: {  	s4 =	ssub.s32 $0x0, s20;
	[sflag:s22] =	ssyncset.done $0x0  }
0xa0: {  	[sflag:s22] =	ssyncadd.s32 s4;
	_ =	sdelay $0x1  }
0xa1: {  	s23 =	simm.s32 $0x1B8B  }
0xa2: {  	_ =	swait.ge [sflag:s23], $0x1  }
0xa3: {  	[sflag:s23] =	ssyncset.done $0x0  }
0xa4: {  	s25 =	simm.s32 $0x1B8E;
	s24 =	sld [smem:$0x3FFE];
	[sflag:s23] =	ssyncadd.s32 $0xFFFFFFFF  }
0xa5: {  	s26 =	simm.s32 $execute0_lowered;
	[smem:$0x3FD2] =	sst s25  }
0xa6: {  	s5 =	sshll.u32 s26, $0x1;
	_ =	strace $0x8000004F;
	[dreg:$0x1] =	wrdreg $0xFFFFFFFF  }
0xa7: {  	s28 =	simm.s32 $_size_execute0_lowered;
	s3 =	sadd.s32 s3, s5;
	[dreg:$0x0] =	wrdreg $0x0  }
0xa8: {  	s5 =	sshll.u32 s28, $0x1;
	[dreg:$0x2] =	wrdreg s3  }
0xa9: {  	[dreg:$0x3] =	wrdreg s5  }
0xaa: {  	[dreg:$0x4] =	wrdreg $0xC0  }
0xab: {  	_ =	task [dreg:s7], $0x5FFFF  }
0xac: {  	[dreg:$0x1] =	wrdreg $0xFFFFFFFF  }
0xad: {  	[dreg:$0x0] =	wrdreg $0x60  }
0xae: {  	[dreg:$0x2] =	wrdreg s24  }
0xaf: {  	[dreg:$0x3] =	wrdreg s2  }
0xb0: {  	[dreg:$0x4] =	wrdreg $0x173900  }
0xb1: {  	[dreg:$0x5] =	wrdreg $0x9  }
0xb2: {  	_ =	task.clear_ibuf [dreg:s7], $0x6FFFF;
	_ =	strace $0x9000004F  }
0xb3: {  	s29 =	simm.s32 $0x9;
	_ =	strace $0x80000051  }
0xb4: {  	_ =	swait.ge [sflag:s29], $0x1  }
0xb5: {  	[sflag:s29] =	ssyncadd.s32 $0xFFFFFFFF  }
0xb6: {  	_ =	strace $0x90000051  }
0xb7: {  	_ =	sfence  }
0xb8: {  	s30 =	sld [smem:$0x0];
	_ =	sdelay $0x2  }
0xb9: {  	s31 =	sshll.u32 s1, $0xD;
	s1 =	sshrl.u32 s1, $0x2  }
0xba: {  	s3 =	sand.u32 $0x4000, s31;
	s1 =	sadd.s32 s1, s30  }
0xbb: {  	s0 =	sor.u32 s3, s0;
	s1 =	sshll.u32 s1, $0x11  }
0xbc: {  	s0 =	sor.u32 s1, s0  }
0xbd: {  	s0 =	sadd.s32 $0x8F2B, s0  }
0xbe: {  	[sflag:s0] =	ssyncadd.remote.s32 $0x1  }
0xbf: {  	_ =	sfence.sel $0xFFFF  }
0xc0: {  	[dreg:$0x0] =	wrdreg $0xFFFFFFFF;
	(pc) =	sbr.abs _section_cstart, $3  }
0xc1: {  	[dreg:$0x1] =	wrdreg $0xFFFFFFFF  }
0xc2: {  	_ =	task.clear_ibuf [dreg:s7], $0x2FFFF;
	_ =	strace $0x9FFFFFFF  }
0xc3: {  	(tm) =	ssettm $0x7FFFFFFF  }
tec
execute0_lowered:
.L_overlay_start_1:
0x0: {  	(tag) =	ssettag $0x1  }
0x1: {  	s0 =	srdreg.scid;
	s5 =	rddreg [dreg:$0x0]  }
0x2: {  	s7 =	rddreg [dreg:$0x1];
	s4 =	sand.u32 $0x1, s0;
	s0 =	stileid.u32  }
0x3: {  	s2 =	rddreg [dreg:$0x2];
	s3 =	simm.s32 $0x0;
	s9 =	smul.u32 $0x4E2, s0  }
0x4: {  	s16 =	simm.s32 $0x0;
	[smem:$0x7FF] =	sst s3;
	s11 =	smul.u32 $0x9C40, s0  }
0x5: {  	s1 =	sshll.u32 s4, $0x4;
	s10 =	ssub.s32 $0x2, s4;
	s13 =	smul.u32 $0x4E20, s4  }
0x6: {  	s14 =	sshll.u32 s0, $0x6;
	s6 =	sor.u32 s0, s1;
	s1 =	rddreg [dreg:$0x3]  }
0x7: {  	_ =	strace $0x80000050;
	s12 =	sshrl.u32 s10, $0x1;
	s8 =	smul.u32 $0x2710, s6  }
0x8: {  	s14 =	sor.u32 $0x1C02, s14;
	s6 =	smul.u32 $0x280, s6;
	s10 =	ssub.s32 s10, s12  }
0x9: {  	s30 =	sshrl.u32 s11, $0x2;
	s31 =	sadd.s32 s9, s13;
	s9 =	simm.s32 $0x1400  }
0xa: {  	s11 =	simm.s32 $0x14C80;
	s12 =	simm.s32 $0x1;
	s13 =	simm.s32 $0x7D  }
0xb: {  	s7 =	sadd.s32 s7, s31;
	s8 =	sadd.s32 s8, s5;
	s5 =	sadd.s32 s6, s5  }
0xc: {  	s6 =	sadd.s32 s30, s2;
	s4 =	sadd.s32 $0x10B000, s8;
	s5 =	sadd.s32 $0xB7E00, s5  }
0xd: {  	v0 =	vimm.f32 $0.0e+00;
	s8 =	smax.u32 s10, $0x1;
	s10 =	simm.s32 $0x2;
	s15 =	sshrl.u32 s6, $0x3  }
.LBB2_1:
0xe: {  	[tilespmem:s9], [sflag:$0x1] =	stream.linear.gather [hbm4b:s4+s3], $0x13880, $0x38;
	[tilespmem:$0x19AA0] =	vst v63  }
0xf: {  	_ = 	snop  }
0x10: {  	[tilespmem:s3], [sflag:$0x2] =	stream.linear.gather [hbm4b:s5+s3], $0x1400, $0x38;
	[tilespmem:$0x19AA0] =	vst v63  }
0x11: {  	_ =	swait.ge [sflag:s10], $0x1400  }
0x12: {  	[sflag:s10] =	ssyncset.done $0x0  }
0x13: {  	s17 =	simm.s32 $0x40;
	s18 =	simm.s32 $0x0;
	[sflag:s10] =	ssyncadd.s32 $0xFFFFEC00  }
.LBB2_2:
0x14: {  	p0 =	sne.s32 s17, $0x9C00;
	[tilespmem:s18+$0x14C80] =	vst v0;
	s18 =	smov.u32 s17;
	s17 =	sadd.s32 $0x40, s17  }
.Ltmp0:
0x15: {  	(pc) =	sbr.rel @p0 .LBB2_2-.Ltmp0, $2  }
0x16: {  	_ =	sdelay $0x2  }
0x17: {  	s18 =	sshra.s32 s18, $0x2  }
0x18: {  	[tilespmem:s18+$0x14C80] =	vst v0  }
0x19: {  	[spmem:s6] =	stream.linear.scatter [tilespmem:s11], [sflag:$0x2], $0x2710, $0x38;
	[tilespmem:$0x19AA0] =	vst v63  }
0x1a: {  	_ =	swait.ge [sflag:s10], $0x2710  }
0x1b: {  	[sflag:s10] =	ssyncset.done $0x0  }
0x1c: {  	[sflag:s10] =	ssyncadd.s32 $0xFFFFD8F0  }
0x1d: {  	[bflag:$0x0] =	sbarrier.arrive $0xFFFF  }
0x1e: {  	_ =	swait.ge [sflag:s12], $0x13880  }
0x1f: {  	s17 =	simm.s32 $0x1400;
	s18 =	simm.s32 $0x200;
	[sflag:s12] =	ssyncset.done $0x0  }
0x20: {  	s20 =	simm.s32 $0x0;
	s19 =	simm.s32 $0x1BD0;
	[sflag:s12] =	ssyncadd.s32 $0xFFFEC780  }
.LBB2_4:
0x21: {  	[spmem:s2] =	stream.indirect.scatter.add.f32 [tilespmem:s17], [sflag:$0x1], $0x10, s20, s13, $0xb8;
	[tilespmem:$0x19AA0] =	vst v63  }
0x22: {  	s20 =	smov.u32 s18;
	s17 =	smov.u32 s19;
	p0 =	sne.s32 s18, $0x4E00  }
.Ltmp1:
0x23: {  	s18 =	sadd.s32 $0x200, s18;
	(pc) =	sbr.rel @p0 .LBB2_4-.Ltmp1, $2  }
0x24: {  	_ =	sdelay $0x2  }
0x25: {  	s19 =	sadd.s32 $0x7D0, s19;
	s20 =	sshra.s32 s20, $0x2  }
0x26: {  	[spmem:s2] =	stream.indirect.scatter.add.f32 [tilespmem:s17], [sflag:$0x1], $0x10, s20, s13, $0xb8;
	[tilespmem:$0x19AA0] =	vst v63  }
0x27: {  	_ =	swait.ge [sflag:s12], $0x13880  }
0x28: {  	s16 =	sadd.s32 $0x1, s16;
	[sflag:s12] =	ssyncset.done $0x0  }
0x29: {  	p0 =	sne.s32 s16, s8;
	[sflag:s12] =	ssyncadd.s32 $0xFFFEC780  }
.Ltmp2:
0x2a: {  	[bflag:$0x0] =	sbarrier.arrive $0xFFFF;
	(pc) =	sbr.rel @p0 .LBB2_1-.Ltmp2, $4  }
0x2b: {  	[hbm:s7], [sflag:s14] =	dma.local [spmem:s15], $0x4E2  }
0x2c: {  	_ =	swait.ge [sflag:s10], $0x4E2  }
0x2d: {  	[sflag:s10] =	ssyncset.done $0x0  }
0x2e: {  	[sflag:s10] =	ssyncadd.s32 $0xFFFFFB1E  }
0x2f: {  	_ =	sfence.sel $0x180000  }
0x30: {  	[bflag:$0x0] =	sbarrier.arrive $0xFFFF  }
0x31: {  	p0 =	sne.s32 s0, $0x0;
	_ =	strace $0x90000050  }
0x32: {  	s0 =	sadd.s32 @!p0 $0x100000, s1;
	[bflag:$0x2] =	sbarrier.arrive $0xFFFF  }
0x33: {  	[sflag:s0] =	ssyncadd.tile.s32 @!p0 $0x1;
	_ =	shalt  }
.Lfunc_end2:
_tile_overlayer_lowered:
.L_overlay_start_2:
0x34: {  	(tag) =	ssettag $0x2  }
0x35: {  	s0 =	rddreg [dreg:$0x0];
	s2 =	stileid.u32  }
0x36: {  	s1 =	rddreg [dreg:$0x1];
	p0 =	sne.s32 s2, $0x0  }
0x37: {  	s3 =	rddreg [dreg:$0x2];
	[bflag:$0x3] =	sbarrier.arrive $0xFFFF;
	s2 =	simm.s32 @!p0 $0x1C02  }
0x38: {  	[timem:s3], [sflag:s2] =	dma.local @!p0 [hbm:s0], s1  }
0x39: {  	s0 =	simm.s32 @!p0 $0x2  }
0x3a: {  	_ =	swait.ge @!p0 [sflag:s0], s1  }
0x3b: {  	s1 =	ssub.s32 @!p0 $0x0, s1;
	[sflag:s0] =	ssyncset.done @!p0 $0x0  }
0x3c: {  	[sflag:s0] =	ssyncadd.s32 @!p0 s1  }
0x3d: {  	[bflag:$0x3] =	sbarrier.arrive $0xFFFF  }
0x3e: {  	_ =	shalt  }

// kernel: kernel.29.cloned.1.call-start
scs
__scs_entry_jumppad:
0x0: {  	(pc) =	sbr.rel $0x88, $3  }
0x1: {  	(tag) =	ssettag $0x0;
	lr =	simm.s32 $0x1  }
0x2: {  	[smem:$0x3F8E] =	sst lr;
	_ =	strace $0xD0000000  }
0x3: {  	_ = 	snop  }
0x4: {  	_ = 	snop  }
0x5: {  	_ = 	snop  }
0x6: {  	_ = 	snop  }
0x7: {  	_ = 	snop  }
__scs_overlays_trampoline_lowered:
0x8: {  	[smem:$0x3F9D] =	sst s0  }
0x9: {  	[smem:$0x3F9E] =	sst s1  }
0xa: {  	[smem:$0x3F9F] =	sst s2  }
0xb: {  	[smem:$0x3FA0] =	sst s3  }
0xc: {  	[smem:$0x3FA1] =	sst s4  }
0xd: {  	[smem:$0x3FA2] =	sst s5  }
0xe: {  	[smem:$0x3FA3] =	sst s6  }
0xf: {  	[smem:$0x3FA4] =	sst s7  }
0x10: {  	[smem:$0x3FA5] =	sst s8  }
0x11: {  	[smem:$0x3FA6] =	sst s9;
	s0 =	simm.s32 @!p0 $0x0  }
0x12: {  	s1 =	sld [smem:$0x3F8C];
	s0 =	simm.s32 @p0 $0x1  }
0x13: {  	[smem:$0x3FA7] =	sst s0;
	s0 =	simm.s32 @!p1 $0x0  }
0x14: {  	s2 =	sld [smem:$0x3F8B];
	s0 =	simm.s32 @p1 $0x1  }
0x15: {  	[smem:$0x3FA8] =	sst s0;
	s0 =	simm.s32 @!p2 $0x0  }
0x16: {  	s3 =	sld [smem:$0x3FDB];
	s0 =	simm.s32 @p2 $0x1  }
0x17: {  	s4 =	simm.s32 $0x1BF5;
	[smem:$0x3FAA] =	sst s0  }
0x18: {  	s0 =	sld [smem:$0x3F8D];
	_ =	swait.ge [sflag:s4], $0x0  }
0x19: {  	s7 =	sld [smem:$0x3F8E]  }
0x1a: {  	s8 =	sadd.s32 $0xFFFFE003, lr  }
0x1b: {  	s9 =	sadd.s32 $0xFFFFFEF7, lr;
	s5 =	simm.s32 $0xFFFFFFFF;
	p2 =	slt.u32 s8, $0xFFFFF086  }
0x1c: {  	p1 =	slt.u32 s9, $0xF7A;
	s5 =	simm.s32 @!p2 $0x0  }
0x1d: {  	s5 =	simm.s32 @p1 $0x1;
	p0 =	seq.s32 s7, s2  }
0x1e: {  	s7 =	smul.u32 @!p0 $0xF7A, s2;
	p2 =	seq.s32 @!p0 s5, $0x0  }
0x1f: {  	s9 =	smul.u32 $0xF7A, s1;
	s8 =	simm.s32 @!p0 $0x1BF5;
	p2 =	por !p2, p0  }
0x20: {  	[sflag:s8] =	ssyncset.s32 @!p0 $0xFFFFF086;
	s6 =	sadd.s32 @!p0 s3, s7;
	s7 =	simm.s32 @!p0 $0x108  }
0x21: {  	s3 =	sadd.s32 s3, s9;
	s6 =	sadd.s32 @!p0 $0x88, s6;
	s7 =	simm.s32 @p2 $0x1082  }
0x22: {  	[simem:s7], [sflag:s8] =	dma.local @!p0 [hbm:s6], $0xF7A  }
0x23: {  	s9 =	sor.u32 $0xD0000000, s2;
	s6 =	simm.s32 $0x108;
	_ =	swait.ge @!p0 [sflag:s8], $0x0  }
0x24: {  	s3 =	sadd.s32 $0x88, s3;
	s6 =	simm.s32 @!p1 $0x1082;
	[sflag:s4] =	ssyncset.s32 $0xFFFFF086  }
0x25: {  	[simem:s6], [sflag:s4] =	dma.local [hbm:s3], $0xF7A  }
0x26: {  	[smem:$0x3F8E] =	sst s1;
	(tag) =	ssettag s2;
	_ =	strace s9  }
0x27: {  	s1 =	sld [smem:$0x3F9E]  }
0x28: {  	s2 =	sld [smem:$0x3F9F]  }
0x29: {  	s4 =	sld [smem:$0x3FA1]  }
0x2a: {  	p0 =	seq.s32 s5, $0x0;
	s5 =	sld [smem:$0x3FA2]  }
0x2b: {  	s6 =	sld [smem:$0x3FA3]  }
0x2c: {  	s7 =	sld [smem:$0x3FA4]  }
0x2d: {  	s3 =	simm.s32 $0x108;
	s8 =	sld [smem:$0x3FA5]  }
0x2e: {  	s3 =	simm.s32 @!p0 $0x1082;
	s9 =	sld [smem:$0x3FA6]  }
0x2f: {  	lr =	sadd.s32 s0, s3;
	s0 =	sld [smem:$0x3F9D]  }
0x30: {  	s3 =	sld [smem:$0x3FA0]  }
0x31: {  	[smem:$0x3FA9] =	sst s10  }
0x32: {  	s10 =	sld [smem:$0x3FA7];
	_ =	sdelay $0x3  }
0x33: {  	p0 =	seq.s32 s10, $0x1;
	s10 =	sld [smem:$0x3FA9];
	_ =	sdelay $0x3  }
0x34: {  	[smem:$0x3FA9] =	sst s10  }
0x35: {  	s10 =	sld [smem:$0x3FA8];
	_ =	sdelay $0x3  }
0x36: {  	p1 =	seq.s32 s10, $0x1;
	s10 =	sld [smem:$0x3FA9];
	_ =	sdelay $0x3  }
0x37: {  	[smem:$0x3FA9] =	sst s10  }
0x38: {  	s10 =	sld [smem:$0x3FAA]  }
0x39: {  	_ = 	snop;
	(pc) =	sbr.ind lr, $3  }
0x3a: {  	_ = 	snop  }
0x3b: {  	_ = 	snop  }
0x3c: {  	p2 =	seq.s32 s10, $0x1;
	s10 =	sld [smem:$0x3FA9]  }
0x3d: {  	_ =	shalt  }
0x3e: {  	_ =	shalt  }
0x3f: {  	_ =	shalt  }
0x40: {  	_ =	shalt  }
0x41: {  	_ =	shalt  }
0x42: {  	_ =	shalt  }
0x43: {  	_ =	shalt  }
0x44: {  	_ =	shalt  }
0x45: {  	_ =	shalt  }
0x46: {  	_ =	shalt  }
0x47: {  	_ =	shalt  }
0x48: {  	_ =	shalt  }
0x49: {  	_ =	shalt  }
0x4a: {  	_ =	shalt  }
0x4b: {  	_ =	shalt  }
0x4c: {  	_ =	shalt  }
0x4d: {  	_ =	shalt  }
0x4e: {  	_ =	shalt  }
0x4f: {  	_ =	shalt  }
0x50: {  	_ =	shalt  }
0x51: {  	_ =	shalt  }
0x52: {  	_ =	shalt  }
0x53: {  	_ =	shalt  }
0x54: {  	_ =	shalt  }
0x55: {  	_ =	shalt  }
0x56: {  	_ =	shalt  }
0x57: {  	_ =	shalt  }
0x58: {  	_ =	shalt  }
0x59: {  	_ =	shalt  }
0x5a: {  	_ =	shalt  }
0x5b: {  	_ =	shalt  }
0x5c: {  	_ =	shalt  }
0x5d: {  	_ =	shalt  }
0x5e: {  	_ =	shalt  }
0x5f: {  	_ =	shalt  }
0x60: {  	_ =	shalt  }
0x61: {  	_ =	shalt  }
0x62: {  	_ =	shalt  }
0x63: {  	_ =	shalt  }
0x64: {  	_ =	shalt  }
0x65: {  	_ =	shalt  }
0x66: {  	_ =	shalt  }
0x67: {  	_ =	shalt  }
0x68: {  	_ =	shalt  }
0x69: {  	_ =	shalt  }
0x6a: {  	_ =	shalt  }
0x6b: {  	_ =	shalt  }
0x6c: {  	_ =	shalt  }
0x6d: {  	_ =	shalt  }
0x6e: {  	_ =	shalt  }
0x6f: {  	_ =	shalt  }
0x70: {  	_ =	shalt  }
0x71: {  	_ =	shalt  }
0x72: {  	_ =	shalt  }
0x73: {  	_ =	shalt  }
0x74: {  	_ =	shalt  }
0x75: {  	_ =	shalt  }
0x76: {  	_ =	shalt  }
0x77: {  	_ =	shalt  }
0x78: {  	_ =	shalt  }
0x79: {  	_ =	shalt  }
0x7a: {  	_ =	shalt  }
0x7b: {  	_ =	shalt  }
0x7c: {  	_ =	shalt  }
0x7d: {  	_ =	shalt  }
0x7e: {  	_ =	shalt  }
0x7f: {  	_ =	shalt  }
0x80: {  	_ =	shalt  }
0x81: {  	_ =	shalt  }
0x82: {  	_ =	shalt  }
0x83: {  	_ =	shalt  }
0x84: {  	_ =	shalt  }
0x85: {  	_ =	shalt  }
0x86: {  	_ =	shalt  }
0x87: {  	_ =	shalt  }
.Lfunc_end0:
.L_simem_size_0:
called_computation.4_lowered:
.L_overlay_start_0:
0x88: {  	s2 =	sld [smem:$0x3FD9]  }
0x89: {  	s3 =	sld [smem:$0x3FFE];
	_ =	sdelay $0x1  }
0x8a: {  	s1 =	srdreg.scid  }
0x8b: {  	s0 =	sand.u32 $0x1, s1  }
0x8c: {  	s16 =	sshll.u32 s0, $0xA;
	s2 =	sadd.s32 s3, s2  }
0x8d: {  	s2 =	sadd.s32 s2, s16  }
0x8e: {  	[smem:$0x3FB5] =	sst s2  }
0x8f: {  	_ = 	snop  }
0x90: {  	(tm) =	ssettm $0x1  }
0x91: {  	s17 =	sld [smem:$0x3FFB];
	_ =	sdelay $0x3  }
0x92: {  	_ =	strace s17  }
0x93: {  	s2 =	sld [smem:$0x3FFC];
	_ =	sdelay $0x3  }
0x94: {  	_ =	strace s2  }
0x95: {  	s2 =	sld [smem:$0x3FFD];
	_ =	sdelay $0x3  }
0x96: {  	_ =	strace s2  }
0x97: {  	_ =	strace $0x8FFFFFFF  }
0x98: {  	s18 =	sld [smem:$0x3FDB];
	_ =	sdelay $0x1  }
0x99: {  	s19 =	simm.s32 $_scs_section_size  }
0x9a: {  	s4 =	simm.s32 $_size__tile_overlayer_lowered;
	s5 =	simm.s32 $_tile_overlayer_lowered  }
0x9b: {  	s22 =	simm.s32 $0x1BFF;
	s21 =	sshll.u32 s5, $0x1;
	s2 =	sadd.s32 s19, s18  }
0x9c: {  	s6 =	simm.s32 $0x0;
	s20 =	sshll.u32 s4, $0x1;
	s4 =	sadd.s32 s21, s2  }
0x9d: {  	[timem:s6], [sflag:s22] =	dma.local [hbm:s4], s20  }
0x9e: {  	_ =	swait.ge [sflag:s22], s20  }
0x9f: {  	s3 =	ssub.s32 $0x0, s20;
	[sflag:s22] =	ssyncset.done $0x0  }
0xa0: {  	[sflag:s22] =	ssyncadd.s32 s3;
	_ =	sdelay $0x1  }
0xa1: {  	s23 =	simm.s32 $0x1B8B  }
0xa2: {  	_ =	swait.ge [sflag:s23], $0x1  }
0xa3: {  	[sflag:s23] =	ssyncset.done $0x0  }
0xa4: {  	s25 =	simm.s32 $0x1B8E;
	s24 =	sld [smem:$0x3FFE];
	[sflag:s23] =	ssyncadd.s32 $0xFFFFFFFF  }
0xa5: {  	s26 =	simm.s32 $execute0_lowered;
	[smem:$0x3FD2] =	sst s25  }
0xa6: {  	s4 =	sshll.u32 s26, $0x1;
	_ =	strace $0x80000052;
	[dreg:$0x1] =	wrdreg $0xFFFFFFFF  }
0xa7: {  	s28 =	simm.s32 $_size_execute0_lowered;
	s2 =	sadd.s32 s2, s4;
	[dreg:$0x0] =	wrdreg $0x0  }
0xa8: {  	s4 =	sshll.u32 s28, $0x1;
	[dreg:$0x2] =	wrdreg s2  }
0xa9: {  	[dreg:$0x3] =	wrdreg s4  }
0xaa: {  	[dreg:$0x4] =	wrdreg $0xC0  }
0xab: {  	_ =	task [dreg:s6], $0x5FFFF  }
0xac: {  	[dreg:$0x1] =	wrdreg $0xFFFFFFFF  }
0xad: {  	[dreg:$0x0] =	wrdreg $0x60  }
0xae: {  	[dreg:$0x2] =	wrdreg s24  }
0xaf: {  	[dreg:$0x3] =	wrdreg $0x9  }
0xb0: {  	_ =	task.clear_ibuf [dreg:s6], $0x4FFFF;
	_ =	strace $0x90000052  }
0xb1: {  	s29 =	simm.s32 $0x9;
	_ =	strace $0x80000054  }
0xb2: {  	_ =	swait.ge [sflag:s29], $0x1  }
0xb3: {  	[sflag:s29] =	ssyncadd.s32 $0xFFFFFFFF  }
0xb4: {  	_ =	strace $0x90000054  }
0xb5: {  	_ =	sfence  }
0xb6: {  	s30 =	sld [smem:$0x0];
	_ =	sdelay $0x2  }
0xb7: {  	s31 =	sshll.u32 s1, $0xD;
	s1 =	sshrl.u32 s1, $0x2  }
0xb8: {  	s3 =	sand.u32 $0x4000, s31;
	s1 =	sadd.s32 s1, s30  }
0xb9: {  	s0 =	sor.u32 s3, s0;
	s1 =	sshll.u32 s1, $0x11  }
0xba: {  	s0 =	sor.u32 s1, s0  }
0xbb: {  	s0 =	sadd.s32 $0x8F2B, s0  }
0xbc: {  	[sflag:s0] =	ssyncadd.remote.s32 $0x1  }
0xbd: {  	_ =	sfence.sel $0xFFFF  }
0xbe: {  	[dreg:$0x0] =	wrdreg $0xFFFFFFFF;
	(pc) =	sbr.abs _section_cstart, $3  }
0xbf: {  	[dreg:$0x1] =	wrdreg $0xFFFFFFFF  }
0xc0: {  	_ =	task.clear_ibuf [dreg:s6], $0x2FFFF;
	_ =	strace $0x9FFFFFFF  }
0xc1: {  	(tm) =	ssettm $0x7FFFFFFF  }
tec
execute0_lowered:
.L_overlay_start_1:
0x0: {  	(tag) =	ssettag $0x1  }
0x1: {  	s0 =	srdreg.scid;
	s5 =	rddreg [dreg:$0x0]  }
0x2: {  	s2 =	simm.s32 $0x0;
	s8 =	simm.s32 $0x7D;
	s4 =	sand.u32 $0x1, s0  }
0x3: {  	s9 =	simm.s32 $0x1;
	s0 =	stileid.u32;
	s1 =	sshll.u32 s4, $0x4  }
0x4: {  	s10 =	simm.s32 $0x1400;
	s11 =	simm.s32 $0x0;
	s3 =	sor.u32 s0, s1  }
0x5: {  	[smem:$0x7FF] =	sst s2;
	s4 =	ssub.s32 $0x2, s4;
	s6 =	smul.u32 $0x280, s3  }
0x6: {  	s1 =	rddreg [dreg:$0x1];
	_ =	strace $0x80000053;
	s7 =	smul.u32 $0x2710, s3  }
0x7: {  	s31 =	sshrl.u32 s4, $0x1;
	s3 =	sadd.s32 $0x17000, s5;
	s6 =	sadd.s32 s6, s5  }
0x8: {  	s5 =	sadd.s32 s7, s5;
	s7 =	ssub.s32 s4, s31;
	s4 =	sadd.s32 $0x9600, s6  }
0x9: {  	s5 =	sadd.s32 $0xBCE00, s5;
	s6 =	smax.u32 s7, $0x1;
	s7 =	simm.s32 $0x2  }
.LBB2_1:
0xa: {  	[tilespmem:s2], [sflag:$0x2] =	stream.linear.gather [hbm4b:s4+s2], $0x1400, $0x38;
	[tilespmem:$0x14C80] =	vst v63  }
0xb: {  	_ =	swait.ge [sflag:s7], $0x1400  }
0xc: {  	s12 =	simm.s32 $0x200;
	s15 =	simm.s32 $0x0;
	[sflag:s7] =	ssyncset.done $0x0  }
0xd: {  	s13 =	simm.s32 $0x1BD0;
	s14 =	simm.s32 $0x1400;
	[sflag:s7] =	ssyncadd.s32 $0xFFFFEC00  }
.LBB2_2:
0xe: {  	[tilespmem:s14], [sflag:$0x1] =	stream.indirect.gather [hbm4b:s3+s8], $0x10, s15, s8, $0xb8;
	[tilespmem:$0x14C80] =	vst v63  }
0xf: {  	s15 =	smov.u32 s12;
	s14 =	smov.u32 s13;
	p0 =	sne.s32 s12, $0x4E00  }
.Ltmp0:
0x10: {  	s12 =	sadd.s32 $0x200, s12;
	(pc) =	sbr.rel @p0 .LBB2_2-.Ltmp0, $2  }
0x11: {  	_ =	sdelay $0x2  }
0x12: {  	s13 =	sadd.s32 $0x7D0, s13;
	s15 =	sshra.s32 s15, $0x2  }
0x13: {  	[tilespmem:s14], [sflag:$0x1] =	stream.indirect.gather [hbm4b:s3+s8], $0x10, s15, s8, $0xb8;
	[tilespmem:$0x14C80] =	vst v63  }
0x14: {  	s11 =	sadd.s32 $0x1, s11;
	_ =	swait.ge [sflag:s9], $0x13880  }
0x15: {  	p0 =	sne.s32 s11, s6;
	[sflag:s9] =	ssyncset.done $0x0  }
.Ltmp1:
0x16: {  	[sflag:s9] =	ssyncadd.s32 $0xFFFEC780;
	(pc) =	sbr.rel @p0 .LBB2_1-.Ltmp1, $4  }
0x17: {  	[hbm4b:s5+s2] =	stream.linear.scatter [tilespmem:s10], [sflag:$0x2], $0x13880, $0x38;
	[tilespmem:$0x14C80] =	vst v63  }
0x18: {  	_ =	swait.ge [sflag:s7], $0x13880  }
0x19: {  	[sflag:s7] =	ssyncset.done $0x0  }
0x1a: {  	[sflag:s7] =	ssyncadd.s32 $0xFFFEC780  }
0x1b: {  	_ =	sfence.sel $0x180000  }
0x1c: {  	[bflag:$0x0] =	sbarrier.arrive $0xFFFF  }
0x1d: {  	p0 =	sne.s32 s0, $0x0;
	_ =	strace $0x90000053  }
0x1e: {  	s0 =	sadd.s32 @!p0 $0x100000, s1;
	[bflag:$0x2] =	sbarrier.arrive $0xFFFF  }
0x1f: {  	[sflag:s0] =	ssyncadd.tile.s32 @!p0 $0x1;
	_ =	shalt  }
.Lfunc_end2:
_tile_overlayer_lowered:
.L_overlay_start_2:
0x20: {  	(tag) =	ssettag $0x2  }
0x21: {  	s0 =	rddreg [dreg:$0x0];
	s2 =	stileid.u32  }
0x22: {  	s1 =	rddreg [dreg:$0x1];
	p0 =	sne.s32 s2, $0x0  }
0x23: {  	s3 =	rddreg [dreg:$0x2];
	[bflag:$0x3] =	sbarrier.arrive $0xFFFF;
	s2 =	simm.s32 @!p0 $0x1C02  }
0x24: {  	[timem:s3], [sflag:s2] =	dma.local @!p0 [hbm:s0], s1  }
0x25: {  	s0 =	simm.s32 @!p0 $0x2  }
0x26: {  	_ =	swait.ge @!p0 [sflag:s0], s1  }
0x27: {  	s1 =	ssub.s32 @!p0 $0x0, s1;
	[sflag:s0] =	ssyncset.done @!p0 $0x0  }
0x28: {  	[sflag:s0] =	ssyncadd.s32 @!p0 s1  }
0x29: {  	[bflag:$0x3] =	sbarrier.arrive $0xFFFF  }
0x2a: {  	_ =	shalt  }

// kernel: kernel.32.cloned.1.call-start
scs
__scs_entry_jumppad:
0x0: {  	(pc) =	sbr.rel $0x88, $3  }
0x1: {  	(tag) =	ssettag $0x0;
	lr =	simm.s32 $0x1  }
0x2: {  	[smem:$0x3F8E] =	sst lr;
	_ =	strace $0xD0000000  }
0x3: {  	_ = 	snop  }
0x4: {  	_ = 	snop  }
0x5: {  	_ = 	snop  }
0x6: {  	_ = 	snop  }
0x7: {  	_ = 	snop  }
__scs_overlays_trampoline_lowered:
0x8: {  	[smem:$0x3F9D] =	sst s0  }
0x9: {  	[smem:$0x3F9E] =	sst s1  }
0xa: {  	[smem:$0x3F9F] =	sst s2  }
0xb: {  	[smem:$0x3FA0] =	sst s3  }
0xc: {  	[smem:$0x3FA1] =	sst s4  }
0xd: {  	[smem:$0x3FA2] =	sst s5  }
0xe: {  	[smem:$0x3FA3] =	sst s6  }
0xf: {  	[smem:$0x3FA4] =	sst s7  }
0x10: {  	[smem:$0x3FA5] =	sst s8  }
0x11: {  	[smem:$0x3FA6] =	sst s9;
	s0 =	simm.s32 @!p0 $0x0  }
0x12: {  	s1 =	sld [smem:$0x3F8C];
	s0 =	simm.s32 @p0 $0x1  }
0x13: {  	[smem:$0x3FA7] =	sst s0;
	s0 =	simm.s32 @!p1 $0x0  }
0x14: {  	s2 =	sld [smem:$0x3F8B];
	s0 =	simm.s32 @p1 $0x1  }
0x15: {  	[smem:$0x3FA8] =	sst s0;
	s0 =	simm.s32 @!p2 $0x0  }
0x16: {  	s3 =	sld [smem:$0x3FDB];
	s0 =	simm.s32 @p2 $0x1  }
0x17: {  	s4 =	simm.s32 $0x1BF5;
	[smem:$0x3FAA] =	sst s0  }
0x18: {  	s0 =	sld [smem:$0x3F8D];
	_ =	swait.ge [sflag:s4], $0x0  }
0x19: {  	s7 =	sld [smem:$0x3F8E]  }
0x1a: {  	s8 =	sadd.s32 $0xFFFFE003, lr  }
0x1b: {  	s9 =	sadd.s32 $0xFFFFFEF7, lr;
	s5 =	simm.s32 $0xFFFFFFFF;
	p2 =	slt.u32 s8, $0xFFFFF086  }
0x1c: {  	p1 =	slt.u32 s9, $0xF7A;
	s5 =	simm.s32 @!p2 $0x0  }
0x1d: {  	s5 =	simm.s32 @p1 $0x1;
	p0 =	seq.s32 s7, s2  }
0x1e: {  	s7 =	smul.u32 @!p0 $0xF7A, s2;
	p2 =	seq.s32 @!p0 s5, $0x0  }
0x1f: {  	s9 =	smul.u32 $0xF7A, s1;
	s8 =	simm.s32 @!p0 $0x1BF5;
	p2 =	por !p2, p0  }
0x20: {  	[sflag:s8] =	ssyncset.s32 @!p0 $0xFFFFF086;
	s6 =	sadd.s32 @!p0 s3, s7;
	s7 =	simm.s32 @!p0 $0x108  }
0x21: {  	s3 =	sadd.s32 s3, s9;
	s6 =	sadd.s32 @!p0 $0x88, s6;
	s7 =	simm.s32 @p2 $0x1082  }
0x22: {  	[simem:s7], [sflag:s8] =	dma.local @!p0 [hbm:s6], $0xF7A  }
0x23: {  	s9 =	sor.u32 $0xD0000000, s2;
	s6 =	simm.s32 $0x108;
	_ =	swait.ge @!p0 [sflag:s8], $0x0  }
0x24: {  	s3 =	sadd.s32 $0x88, s3;
	s6 =	simm.s32 @!p1 $0x1082;
	[sflag:s4] =	ssyncset.s32 $0xFFFFF086  }
0x25: {  	[simem:s6], [sflag:s4] =	dma.local [hbm:s3], $0xF7A  }
0x26: {  	[smem:$0x3F8E] =	sst s1;
	(tag) =	ssettag s2;
	_ =	strace s9  }
0x27: {  	s1 =	sld [smem:$0x3F9E]  }
0x28: {  	s2 =	sld [smem:$0x3F9F]  }
0x29: {  	s4 =	sld [smem:$0x3FA1]  }
0x2a: {  	p0 =	seq.s32 s5, $0x0;
	s5 =	sld [smem:$0x3FA2]  }
0x2b: {  	s6 =	sld [smem:$0x3FA3]  }
0x2c: {  	s7 =	sld [smem:$0x3FA4]  }
0x2d: {  	s3 =	simm.s32 $0x108;
	s8 =	sld [smem:$0x3FA5]  }
0x2e: {  	s3 =	simm.s32 @!p0 $0x1082;
	s9 =	sld [smem:$0x3FA6]  }
0x2f: {  	lr =	sadd.s32 s0, s3;
	s0 =	sld [smem:$0x3F9D]  }
0x30: {  	s3 =	sld [smem:$0x3FA0]  }
0x31: {  	[smem:$0x3FA9] =	sst s10  }
0x32: {  	s10 =	sld [smem:$0x3FA7];
	_ =	sdelay $0x3  }
0x33: {  	p0 =	seq.s32 s10, $0x1;
	s10 =	sld [smem:$0x3FA9];
	_ =	sdelay $0x3  }
0x34: {  	[smem:$0x3FA9] =	sst s10  }
0x35: {  	s10 =	sld [smem:$0x3FA8];
	_ =	sdelay $0x3  }
0x36: {  	p1 =	seq.s32 s10, $0x1;
	s10 =	sld [smem:$0x3FA9];
	_ =	sdelay $0x3  }
0x37: {  	[smem:$0x3FA9] =	sst s10  }
0x38: {  	s10 =	sld [smem:$0x3FAA]  }
0x39: {  	_ = 	snop;
	(pc) =	sbr.ind lr, $3  }
0x3a: {  	_ = 	snop  }
0x3b: {  	_ = 	snop  }
0x3c: {  	p2 =	seq.s32 s10, $0x1;
	s10 =	sld [smem:$0x3FA9]  }
0x3d: {  	_ =	shalt  }
0x3e: {  	_ =	shalt  }
0x3f: {  	_ =	shalt  }
0x40: {  	_ =	shalt  }
0x41: {  	_ =	shalt  }
0x42: {  	_ =	shalt  }
0x43: {  	_ =	shalt  }
0x44: {  	_ =	shalt  }
0x45: {  	_ =	shalt  }
0x46: {  	_ =	shalt  }
0x47: {  	_ =	shalt  }
0x48: {  	_ =	shalt  }
0x49: {  	_ =	shalt  }
0x4a: {  	_ =	shalt  }
0x4b: {  	_ =	shalt  }
0x4c: {  	_ =	shalt  }
0x4d: {  	_ =	shalt  }
0x4e: {  	_ =	shalt  }
0x4f: {  	_ =	shalt  }
0x50: {  	_ =	shalt  }
0x51: {  	_ =	shalt  }
0x52: {  	_ =	shalt  }
0x53: {  	_ =	shalt  }
0x54: {  	_ =	shalt  }
0x55: {  	_ =	shalt  }
0x56: {  	_ =	shalt  }
0x57: {  	_ =	shalt  }
0x58: {  	_ =	shalt  }
0x59: {  	_ =	shalt  }
0x5a: {  	_ =	shalt  }
0x5b: {  	_ =	shalt  }
0x5c: {  	_ =	shalt  }
0x5d: {  	_ =	shalt  }
0x5e: {  	_ =	shalt  }
0x5f: {  	_ =	shalt  }
0x60: {  	_ =	shalt  }
0x61: {  	_ =	shalt  }
0x62: {  	_ =	shalt  }
0x63: {  	_ =	shalt  }
0x64: {  	_ =	shalt  }
0x65: {  	_ =	shalt  }
0x66: {  	_ =	shalt  }
0x67: {  	_ =	shalt  }
0x68: {  	_ =	shalt  }
0x69: {  	_ =	shalt  }
0x6a: {  	_ =	shalt  }
0x6b: {  	_ =	shalt  }
0x6c: {  	_ =	shalt  }
0x6d: {  	_ =	shalt  }
0x6e: {  	_ =	shalt  }
0x6f: {  	_ =	shalt  }
0x70: {  	_ =	shalt  }
0x71: {  	_ =	shalt  }
0x72: {  	_ =	shalt  }
0x73: {  	_ =	shalt  }
0x74: {  	_ =	shalt  }
0x75: {  	_ =	shalt  }
0x76: {  	_ =	shalt  }
0x77: {  	_ =	shalt  }
0x78: {  	_ =	shalt  }
0x79: {  	_ =	shalt  }
0x7a: {  	_ =	shalt  }
0x7b: {  	_ =	shalt  }
0x7c: {  	_ =	shalt  }
0x7d: {  	_ =	shalt  }
0x7e: {  	_ =	shalt  }
0x7f: {  	_ =	shalt  }
0x80: {  	_ =	shalt  }
0x81: {  	_ =	shalt  }
0x82: {  	_ =	shalt  }
0x83: {  	_ =	shalt  }
0x84: {  	_ =	shalt  }
0x85: {  	_ =	shalt  }
0x86: {  	_ =	shalt  }
0x87: {  	_ =	shalt  }
.Lfunc_end0:
.L_simem_size_0:
called_computation.5_lowered:
.L_overlay_start_0:
0x88: {  	s2 =	sld [smem:$0x3FD9]  }
0x89: {  	s3 =	sld [smem:$0x3FFE];
	_ =	sdelay $0x1  }
0x8a: {  	s1 =	srdreg.scid  }
0x8b: {  	s0 =	sand.u32 $0x1, s1  }
0x8c: {  	s17 =	sshll.u32 s0, $0xA;
	s2 =	sadd.s32 s3, s2  }
0x8d: {  	s2 =	sadd.s32 s2, s17  }
0x8e: {  	[smem:$0x3FB5] =	sst s2  }
0x8f: {  	_ = 	snop  }
0x90: {  	s2 =	sld [smem:$0x3FD0];
	(tm) =	ssettm $0x1  }
0x91: {  	s18 =	sld [smem:$0x3FFB];
	_ =	sdelay $0x3  }
0x92: {  	_ =	strace s18  }
0x93: {  	s3 =	sld [smem:$0x3FFC];
	_ =	sdelay $0x3  }
0x94: {  	_ =	strace s3  }
0x95: {  	s3 =	sld [smem:$0x3FFD];
	_ =	sdelay $0x3  }
0x96: {  	_ =	strace s3  }
0x97: {  	_ =	strace $0x8FFFFFFF  }
0x98: {  	s19 =	sld [smem:$0x3FDB];
	_ =	sdelay $0x1  }
0x99: {  	s4 =	simm.s32 $_scs_section_size  }
0x9a: {  	s5 =	simm.s32 $_size__tile_overlayer_lowered;
	s6 =	simm.s32 $_tile_overlayer_lowered  }
0x9b: {  	s22 =	simm.s32 $0x1BFF;
	s21 =	sshll.u32 s6, $0x1;
	s3 =	sadd.s32 s4, s19  }
0x9c: {  	s7 =	simm.s32 $0x0;
	s20 =	sshll.u32 s5, $0x1;
	s5 =	sadd.s32 s21, s3  }
0x9d: {  	[timem:s7], [sflag:s22] =	dma.local [hbm:s5], s20  }
0x9e: {  	_ =	swait.ge [sflag:s22], s20  }
0x9f: {  	s4 =	ssub.s32 $0x0, s20;
	[sflag:s22] =	ssyncset.done $0x0  }
0xa0: {  	[sflag:s22] =	ssyncadd.s32 s4;
	_ =	sdelay $0x1  }
0xa1: {  	s23 =	simm.s32 $0x1B8B  }
0xa2: {  	_ =	swait.ge [sflag:s23], $0x1  }
0xa3: {  	[sflag:s23] =	ssyncset.done $0x0  }
0xa4: {  	s25 =	simm.s32 $0x1B8E;
	s24 =	sld [smem:$0x3FFE];
	[sflag:s23] =	ssyncadd.s32 $0xFFFFFFFF  }
0xa5: {  	s26 =	simm.s32 $execute0_lowered;
	[smem:$0x3FD2] =	sst s25  }
0xa6: {  	s5 =	sshll.u32 s26, $0x1;
	_ =	strace $0x80000055;
	[dreg:$0x1] =	wrdreg $0xFFFFFFFF  }
0xa7: {  	s28 =	simm.s32 $_size_execute0_lowered;
	s3 =	sadd.s32 s3, s5;
	[dreg:$0x0] =	wrdreg $0x0  }
0xa8: {  	s5 =	sshll.u32 s28, $0x1;
	[dreg:$0x2] =	wrdreg s3  }
0xa9: {  	[dreg:$0x3] =	wrdreg s5  }
0xaa: {  	[dreg:$0x4] =	wrdreg $0xC0  }
0xab: {  	_ =	task [dreg:s7], $0x5FFFF  }
0xac: {  	[dreg:$0x1] =	wrdreg $0xFFFFFFFF  }
0xad: {  	[dreg:$0x0] =	wrdreg $0x60  }
0xae: {  	[dreg:$0x2] =	wrdreg s24  }
0xaf: {  	[dreg:$0x3] =	wrdreg s2  }
0xb0: {  	[dreg:$0x4] =	wrdreg $0x173900  }
0xb1: {  	[dreg:$0x5] =	wrdreg $0x9  }
0xb2: {  	_ =	task.clear_ibuf [dreg:s7], $0x6FFFF;
	_ =	strace $0x90000055  }
0xb3: {  	s29 =	simm.s32 $0x9;
	_ =	strace $0x80000057  }
0xb4: {  	_ =	swait.ge [sflag:s29], $0x1  }
0xb5: {  	[sflag:s29] =	ssyncadd.s32 $0xFFFFFFFF  }
0xb6: {  	_ =	strace $0x90000057  }
0xb7: {  	_ =	sfence  }
0xb8: {  	s30 =	sld [smem:$0x0];
	_ =	sdelay $0x2  }
0xb9: {  	s31 =	sshll.u32 s1, $0xD;
	s1 =	sshrl.u32 s1, $0x2  }
0xba: {  	s3 =	sand.u32 $0x4000, s31;
	s1 =	sadd.s32 s1, s30  }
0xbb: {  	s0 =	sor.u32 s3, s0;
	s1 =	sshll.u32 s1, $0x11  }
0xbc: {  	s0 =	sor.u32 s1, s0  }
0xbd: {  	s0 =	sadd.s32 $0x8F2B, s0  }
0xbe: {  	[sflag:s0] =	ssyncadd.remote.s32 $0x1  }
0xbf: {  	_ =	sfence.sel $0xFFFF  }
0xc0: {  	[dreg:$0x0] =	wrdreg $0xFFFFFFFF;
	(pc) =	sbr.abs _section_cstart, $3  }
0xc1: {  	[dreg:$0x1] =	wrdreg $0xFFFFFFFF  }
0xc2: {  	_ =	task.clear_ibuf [dreg:s7], $0x2FFFF;
	_ =	strace $0x9FFFFFFF  }
0xc3: {  	(tm) =	ssettm $0x7FFFFFFF  }
tec
execute0_lowered:
.L_overlay_start_1:
0x0: {  	(tag) =	ssettag $0x1  }
0x1: {  	s0 =	srdreg.scid;
	s5 =	rddreg [dreg:$0x0]  }
0x2: {  	s7 =	rddreg [dreg:$0x1];
	s4 =	sand.u32 $0x1, s0;
	s0 =	stileid.u32  }
0x3: {  	s2 =	rddreg [dreg:$0x2];
	s3 =	simm.s32 $0x0;
	s9 =	smul.u32 $0x4E2, s0  }
0x4: {  	s16 =	simm.s32 $0x0;
	[smem:$0x7FF] =	sst s3;
	s11 =	smul.u32 $0x9C40, s0  }
0x5: {  	s1 =	sshll.u32 s4, $0x4;
	s10 =	ssub.s32 $0x2, s4;
	s13 =	smul.u32 $0x4E20, s4  }
0x6: {  	s14 =	sshll.u32 s0, $0x6;
	s6 =	sor.u32 s0, s1;
	s1 =	rddreg [dreg:$0x3]  }
0x7: {  	_ =	strace $0x80000056;
	s12 =	sshrl.u32 s10, $0x1;
	s8 =	smul.u32 $0x2710, s6  }
0x8: {  	s14 =	sor.u32 $0x1C02, s14;
	s6 =	smul.u32 $0x280, s6;
	s10 =	ssub.s32 s10, s12  }
0x9: {  	s30 =	sshrl.u32 s11, $0x2;
	s31 =	sadd.s32 s9, s13;
	s9 =	simm.s32 $0x1400  }
0xa: {  	s11 =	simm.s32 $0x14C80;
	s12 =	simm.s32 $0x1;
	s13 =	simm.s32 $0x7D  }
0xb: {  	s7 =	sadd.s32 s7, s31;
	s8 =	sadd.s32 s8, s5;
	s5 =	sadd.s32 s6, s5  }
0xc: {  	s6 =	sadd.s32 s30, s2;
	s4 =	sadd.s32 $0x10B000, s8;
	s5 =	sadd.s32 $0xB7E00, s5  }
0xd: {  	v0 =	vimm.f32 $0.0e+00;
	s8 =	smax.u32 s10, $0x1;
	s10 =	simm.s32 $0x2;
	s15 =	sshrl.u32 s6, $0x3  }
.LBB2_1:
0xe: {  	[tilespmem:s9], [sflag:$0x1] =	stream.linear.gather [hbm4b:s4+s3], $0x13880, $0x38;
	[tilespmem:$0x19AA0] =	vst v63  }
0xf: {  	_ = 	snop  }
0x10: {  	[tilespmem:s3], [sflag:$0x2] =	stream.linear.gather [hbm4b:s5+s3], $0x1400, $0x38;
	[tilespmem:$0x19AA0] =	vst v63  }
0x11: {  	_ =	swait.ge [sflag:s10], $0x1400  }
0x12: {  	[sflag:s10] =	ssyncset.done $0x0  }
0x13: {  	s17 =	simm.s32 $0x40;
	s18 =	simm.s32 $0x0;
	[sflag:s10] =	ssyncadd.s32 $0xFFFFEC00  }
.LBB2_2:
0x14: {  	p0 =	sne.s32 s17, $0x9C00;
	[tilespmem:s18+$0x14C80] =	vst v0;
	s18 =	smov.u32 s17;
	s17 =	sadd.s32 $0x40, s17  }
.Ltmp0:
0x15: {  	(pc) =	sbr.rel @p0 .LBB2_2-.Ltmp0, $2  }
0x16: {  	_ =	sdelay $0x2  }
0x17: {  	s18 =	sshra.s32 s18, $0x2  }
0x18: {  	[tilespmem:s18+$0x14C80] =	vst v0  }
0x19: {  	[spmem:s6] =	stream.linear.scatter [tilespmem:s11], [sflag:$0x2], $0x2710, $0x38;
	[tilespmem:$0x19AA0] =	vst v63  }
0x1a: {  	_ =	swait.ge [sflag:s10], $0x2710  }
0x1b: {  	[sflag:s10] =	ssyncset.done $0x0  }
0x1c: {  	[sflag:s10] =	ssyncadd.s32 $0xFFFFD8F0  }
0x1d: {  	[bflag:$0x0] =	sbarrier.arrive $0xFFFF  }
0x1e: {  	_ =	swait.ge [sflag:s12], $0x13880  }
0x1f: {  	s17 =	simm.s32 $0x1400;
	s18 =	simm.s32 $0x200;
	[sflag:s12] =	ssyncset.done $0x0  }
0x20: {  	s20 =	simm.s32 $0x0;
	s19 =	simm.s32 $0x1BD0;
	[sflag:s12] =	ssyncadd.s32 $0xFFFEC780  }
.LBB2_4:
0x21: {  	[spmem:s2] =	stream.indirect.scatter.add.f32 [tilespmem:s17], [sflag:$0x1], $0x10, s20, s13, $0xb8;
	[tilespmem:$0x19AA0] =	vst v63  }
0x22: {  	s20 =	smov.u32 s18;
	s17 =	smov.u32 s19;
	p0 =	sne.s32 s18, $0x4E00  }
.Ltmp1:
0x23: {  	s18 =	sadd.s32 $0x200, s18;
	(pc) =	sbr.rel @p0 .LBB2_4-.Ltmp1, $2  }
0x24: {  	_ =	sdelay $0x2  }
0x25: {  	s19 =	sadd.s32 $0x7D0, s19;
	s20 =	sshra.s32 s20, $0x2  }
0x26: {  	[spmem:s2] =	stream.indirect.scatter.add.f32 [tilespmem:s17], [sflag:$0x1], $0x10, s20, s13, $0xb8;
	[tilespmem:$0x19AA0] =	vst v63  }
0x27: {  	_ =	swait.ge [sflag:s12], $0x13880  }
0x28: {  	s16 =	sadd.s32 $0x1, s16;
	[sflag:s12] =	ssyncset.done $0x0  }
0x29: {  	p0 =	sne.s32 s16, s8;
	[sflag:s12] =	ssyncadd.s32 $0xFFFEC780  }
.Ltmp2:
0x2a: {  	[bflag:$0x0] =	sbarrier.arrive $0xFFFF;
	(pc) =	sbr.rel @p0 .LBB2_1-.Ltmp2, $4  }
0x2b: {  	[hbm:s7], [sflag:s14] =	dma.local [spmem:s15], $0x4E2  }
0x2c: {  	_ =	swait.ge [sflag:s10], $0x4E2  }
0x2d: {  	[sflag:s10] =	ssyncset.done $0x0  }
0x2e: {  	[sflag:s10] =	ssyncadd.s32 $0xFFFFFB1E  }
0x2f: {  	_ =	sfence.sel $0x180000  }
0x30: {  	[bflag:$0x0] =	sbarrier.arrive $0xFFFF  }
0x31: {  	p0 =	sne.s32 s0, $0x0;
	_ =	strace $0x90000056  }
0x32: {  	s0 =	sadd.s32 @!p0 $0x100000, s1;
	[bflag:$0x2] =	sbarrier.arrive $0xFFFF  }
0x33: {  	[sflag:s0] =	ssyncadd.tile.s32 @!p0 $0x1;
	_ =	shalt  }
.Lfunc_end2:
_tile_overlayer_lowered:
.L_overlay_start_2:
0x34: {  	(tag) =	ssettag $0x2  }
0x35: {  	s0 =	rddreg [dreg:$0x0];
	s2 =	stileid.u32  }
0x36: {  	s1 =	rddreg [dreg:$0x1];
	p0 =	sne.s32 s2, $0x0  }
0x37: {  	s3 =	rddreg [dreg:$0x2];
	[bflag:$0x3] =	sbarrier.arrive $0xFFFF;
	s2 =	simm.s32 @!p0 $0x1C02  }
0x38: {  	[timem:s3], [sflag:s2] =	dma.local @!p0 [hbm:s0], s1  }
0x39: {  	s0 =	simm.s32 @!p0 $0x2  }
0x3a: {  	_ =	swait.ge @!p0 [sflag:s0], s1  }
0x3b: {  	s1 =	ssub.s32 @!p0 $0x0, s1;
	[sflag:s0] =	ssyncset.done @!p0 $0x0  }
0x3c: {  	[sflag:s0] =	ssyncadd.s32 @!p0 s1  }
0x3d: {  	[bflag:$0x3] =	sbarrier.arrive $0xFFFF  }
0x3e: {  	_ =	shalt  }

</sc_bundles>
